<compile_context>
chip_gen: v7x
topology: tpu7x:2x2x1
jax: 0.10.2.dev20260603
libtpu: 0.0.44.dev20260713+nightly
codegen_flags: <defaults>
</compile_context>

<pallas_src>
import functools
import math

import jax
import jax.numpy as jnp
from jax import lax
from jax.experimental import pallas as pl
from jax.experimental.pallas import tpu as pltpu
from jax.experimental.pallas import tpu_sc as plsc

N = 10000
E = 320000
D = 128
HD = 64
G = 64
NPAD = 10240
BLK = 2048
NGRID = NPAD // BLK

NC, NS = 2, 16
CH = 128
WCH = 128
EPT = E // NS
NBUF = 4
K = 158
NROWS = NPAD + 128
WR = NPAD // NS
WK = WR // WCH

_sc_mesh = plsc.VectorSubcoreMesh(
    core_axis_name="c", subcore_axis_name="s", num_cores=NC, num_subcores=NS)



@functools.partial(
    pl.kernel,
    out_type=jax.ShapeDtypeStruct((2 * NPAD, HD), jnp.float32),
    mesh=_sc_mesh,
    compiler_params=pltpu.CompilerParams(use_tc_tiling_on_sc=False),
    scratch_types=[
        pltpu.VMEM((K + 2, CH), jnp.int32),
        pltpu.VMEM((K, CH), jnp.int32),
        pltpu.VMEM((WK, WCH), jnp.int32),
        pltpu.VMEM((NBUF, CH, HD), jnp.float32),
        pltpu.VMEM((WCH, HD), jnp.float32),
        pltpu.VMEM_SHARED((NROWS, HD), jnp.float32),
        pltpu.SemaphoreType.DMA,
        pltpu.SemaphoreType.DMA,
        pltpu.SemaphoreType.DMA,
        pltpu.SemaphoreType.DMA,
        pltpu.SemaphoreType.DMA,
        pltpu.SemaphoreType.DMA,
        pltpu.SemaphoreType.DMA,
    ],
)
def _seg_sum_sc(h2_hbm, src2_hbm, dst_hbm, widx_hbm, zeros_hbm, out_hbm,
                srcv, dstv, widxv, rows, wbuf, acc, sem0, sem1, sem2, sem3,
                ssem0, ssem1, wsem):
    c = lax.axis_index("c")
    s = lax.axis_index("s")
    zr = NROWS // NS
    pltpu.sync_copy(zeros_hbm.at[pl.ds(s * zr, zr)], acc.at[pl.ds(s * zr, zr)])
    pltpu.sync_copy(src2_hbm.at[c].at[s], srcv.at[pl.ds(0, K)])
    pltpu.sync_copy(src2_hbm.at[c].at[s].at[pl.ds(0, 2)], srcv.at[pl.ds(K, 2)])
    pltpu.sync_copy(dst_hbm.at[s], dstv)
    pltpu.sync_copy(widx_hbm.at[c].at[s], widxv)
    plsc.subcore_barrier()

    def _g(j, b, sem):
        return pltpu.make_async_copy(h2_hbm.at[srcv.at[j]], rows.at[b], sem)

    def _s(j, b, sem):
        return pltpu.make_async_copy(rows.at[b], acc.at[dstv.at[j]], sem)

    _g(0, 0, sem0).start()
    _g(1, 1, sem1).start()
    _g(2, 2, sem2).start()
    _g(3, 3, sem3).start()

    def body(q, carry):
        base = 4 * q
        g0 = _g(base, 0, sem0)
        g1 = _g(base + 1, 1, sem1)
        g0.wait()
        s0 = _s(base, 0, ssem0)
        s0.start(add=True)
        g1.wait()
        s1 = _s(base + 1, 1, ssem1)
        s1.start(add=True)
        s0.wait()
        s1.wait()
        _g(base + 4, 0, sem0).start()
        _g(base + 5, 1, sem1).start()
        g2 = _g(base + 2, 2, sem2)
        g3 = _g(base + 3, 3, sem3)
        g2.wait()
        s2 = _s(base + 2, 2, ssem0)
        s2.start(add=True)
        g3.wait()
        s3 = _s(base + 3, 3, ssem1)
        s3.start(add=True)
        s2.wait()
        s3.wait()
        _g(base + 6, 2, sem2).start()
        _g(base + 7, 3, sem3).start()
        return carry

    lax.fori_loop(0, K // 4, body, 0)

    for t in range(K - (K // 4) * 4):
        j = (K // 4) * 4 + t
        _g(j, t, (sem0, sem1)[t]).wait()
        se = _s(j, t, ssem0)
        se.start(add=True)
        se.wait()
    _g(K, 2, sem2).wait()
    _g(K + 1, 3, sem3).wait()
    plsc.subcore_barrier()

    def wbody(k, carry):
        pltpu.sync_copy(acc.at[pl.ds(s * WR + k * WCH, WCH)], wbuf)
        cp = pltpu.make_async_copy(wbuf, out_hbm.at[widxv.at[k]], wsem)
        cp.start()
        cp.wait()
        return carry

    lax.fori_loop(0, WK, wbody, 0)



def _enc_body(xb, wt, b, ob):
    ob[...] = jnp.dot(xb[...], wt[...],
                      preferred_element_type=jnp.float32) + b[...]


_enc = pl.pallas_call(
    _enc_body,
    grid=(NGRID,),
    in_specs=[
        pl.BlockSpec((BLK, D), lambda i: (i, 0)),
        pl.BlockSpec((D, D), lambda i: (0, 0)),
        pl.BlockSpec((1, D), lambda i: (0, 0)),
    ],
    out_specs=pl.BlockSpec((BLK, D), lambda i: (i, 0)),
    out_shape=jax.ShapeDtypeStruct((NPAD, D), jnp.float32),
)


def _mlp_body(relu_out, hb, ab, w1t, b1, w2t, b2, ob):
    u = hb[...] + ab[...]
    t = jnp.dot(u, w1t[...], preferred_element_type=jnp.float32) + b1[...]
    t = jnp.maximum(t, 0.0)
    v = jnp.dot(t, w2t[...], preferred_element_type=jnp.float32) + b2[...]
    if relu_out:
        v = jnp.maximum(v, 0.0)
    ob[...] = v


def _make_mlp(relu_out):
    return pl.pallas_call(
        functools.partial(_mlp_body, relu_out),
        grid=(NGRID,),
        in_specs=[
            pl.BlockSpec((BLK, D), lambda i: (i, 0)),
            pl.BlockSpec((BLK, D), lambda i: (i, 0)),
            pl.BlockSpec((D, D), lambda i: (0, 0)),
            pl.BlockSpec((1, D), lambda i: (0, 0)),
            pl.BlockSpec((D, D), lambda i: (0, 0)),
            pl.BlockSpec((1, D), lambda i: (0, 0)),
        ],
        out_specs=pl.BlockSpec((BLK, D), lambda i: (i, 0)),
        out_shape=jax.ShapeDtypeStruct((NPAD, D), jnp.float32),
    )


_mlp_relu = _make_mlp(True)


def _pool_body(hb, ab, w1t, b1, w2t, b2, bb, lwt, lb, cwt, cb, ob, sums, cnt):
    i = pl.program_id(0)

    @pl.when(i == 0)
    def _():
        sums[...] = jnp.zeros_like(sums)
        cnt[...] = jnp.zeros_like(cnt)

    u = hb[...] + ab[...]
    t = jnp.dot(u, w1t[...], preferred_element_type=jnp.float32) + b1[...]
    t = jnp.maximum(t, 0.0)
    h2b = jnp.dot(t, w2t[...], preferred_element_type=jnp.float32) + b2[...]

    b = bb[0, 0, :]
    onehot = (lax.broadcasted_iota(jnp.int32, (G, BLK), 0)
              == b[None, :]).astype(jnp.float32)
    sums[...] += jnp.dot(onehot, h2b, preferred_element_type=jnp.float32)
    cnt[...] += jnp.sum(onehot, axis=1, keepdims=True)

    @pl.when(i == NGRID - 1)
    def _():
        xg = sums[...] / jnp.maximum(cnt[...], 1.0)
        y = jnp.dot(xg, lwt[...], preferred_element_type=jnp.float32) + lb[...]
        y = 0.5 * y * (1.0 + lax.erf(y * (1.0 / math.sqrt(2.0))))
        ob[...] = jnp.dot(y, cwt[...],
                          preferred_element_type=jnp.float32) + cb[...]


_pool = pl.pallas_call(
    _pool_body,
    grid=(NGRID,),
    in_specs=[
        pl.BlockSpec((BLK, D), lambda i: (i, 0)),
        pl.BlockSpec((BLK, D), lambda i: (i, 0)),
        pl.BlockSpec((D, D), lambda i: (0, 0)),
        pl.BlockSpec((1, D), lambda i: (0, 0)),
        pl.BlockSpec((D, D), lambda i: (0, 0)),
        pl.BlockSpec((1, D), lambda i: (0, 0)),
        pl.BlockSpec((1, 1, BLK), lambda i: (i, 0, 0)),
        pl.BlockSpec((D, D), lambda i: (0, 0)),
        pl.BlockSpec((1, D), lambda i: (0, 0)),
        pl.BlockSpec((D, D), lambda i: (0, 0)),
        pl.BlockSpec((1, D), lambda i: (0, 0)),
    ],
    out_specs=pl.BlockSpec((G, D), lambda i: (0, 0)),
    out_shape=jax.ShapeDtypeStruct((G, D), jnp.float32),
    scratch_shapes=[
        pltpu.VMEM((G, D), jnp.float32),
        pltpu.VMEM((G, 1), jnp.float32),
    ],
)


def _fold_bn(W, b, g, be):
    s = g * jnp.float32(1.0 / math.sqrt(1.0 + 1e-5))
    return W * s[:, None], b * s + be


def _seg_sum(h, src2, dst_p, widx, zeros):
    out = _seg_sum_sc(h.reshape(2 * NPAD, HD), src2, dst_p, widx, zeros)
    return out.reshape(NPAD, D)


def kernel(x, edge_index, batch, enc_W, enc_b,
           c0_W1, c0_b1, c0_g1, c0_be1, c0_W2, c0_b2, c0_g2, c0_be2,
           c1_W1, c1_b1, c1_g1, c1_be1, c1_W2, c1_b2, c1_g2, c1_be2,
           lin_W, lin_b, clf_W, clf_b):
    f32 = jnp.float32
    w10, b10 = _fold_bn(c0_W1, c0_b1, c0_g1, c0_be1)
    w20, b20 = _fold_bn(c0_W2, c0_b2, c0_g2, c0_be2)
    w11, b11 = _fold_bn(c1_W1, c1_b1, c1_g1, c1_be1)
    w21, b21 = _fold_bn(c1_W2, c1_b2, c1_g2, c1_be2)
    enc_Wt = enc_W.T
    w10t, w20t, w11t, w21t = w10.T, w20.T, w11.T, w21.T
    lin_Wt, clf_Wt = lin_W.T, clf_W.T
    row = lambda v: v.reshape(1, D).astype(f32)

    x_p = jnp.pad(x.astype(f32), ((0, NPAD - N), (0, 0)))
    src = edge_index[0].astype(jnp.int32).reshape(NS, EPT)
    dst = edge_index[1].astype(jnp.int32).reshape(NS, EPT)
    pad = K * CH - EPT
    srcr = jnp.pad(src, ((0, 0), (0, pad)))
    src2 = jnp.stack([2 * srcr, 2 * srcr + 1]).reshape(2, NS, K, CH)
    dst_p = jnp.pad(dst, ((0, 0), (0, pad)),
                    constant_values=NPAD).reshape(NS, K, CH)
    iw = jnp.arange(NPAD, dtype=jnp.int32).reshape(1, NS, WK, WCH)
    widx = jnp.concatenate([2 * iw, 2 * iw + 1], axis=0)
    batch3 = jnp.pad(batch.astype(jnp.int32), (0, NPAD - N),
                     constant_values=G).reshape(NGRID, 1, BLK)
    zeros = jnp.zeros((NROWS, HD), f32)

    h = _enc(x_p, enc_Wt, row(enc_b))
    a0 = _seg_sum(h, src2, dst_p, widx, zeros)
    h1 = _mlp_relu(h, a0, w10t, row(b10), w20t, row(b20))
    a1 = _seg_sum(h1, src2, dst_p, widx, zeros)
    out = _pool(h1, a1, w11t, row(b11), w21t, row(b21), batch3,
                lin_Wt, row(lin_b), clf_Wt, row(clf_b))
    return out

# --- scband reference (transcript-rebuilt; emitter-appended) ---
"""Pipeline reference for scband-gnn3-15015205667095 (READ-ONLY COPY).

The authoritative reference and input builder live on the scoring server;
editing this copy changes nothing except your own understanding.
"""

import jax, jax.numpy as jnp
import numpy as np

N = 10000
E = 320000
D = 128
H = 128
G = 64


def _bn(h, g, b):
    # BatchNorm1d in eval mode with default running stats (mean=0, var=1)
    return h / np.float32(np.sqrt(1.0 + 1e-5)) * g + b


def _mlp(h, W1, b1, g1, be1, W2, b2, g2, be2):
    # MLP([c, H, H']): Linear -> BN -> ReLU -> Linear -> BN (relu_first=False, dropout off in eval)
    h = h @ W1.T + b1
    h = _bn(h, g1, be1)
    h = jax.nn.relu(h)
    h = h @ W2.T + b2
    h = _bn(h, g2, be2)
    return h


def setup_inputs(seed: int = 0):
    key = jax.random.key(seed)
    ks = jax.random.split(key, 16)
    inp = {}
    inp['x'] = jax.random.normal(ks[0], (N, D), dtype=jnp.float32)
    src = jax.random.randint(ks[1], (E,), 0, N)
    dst = jax.random.randint(ks[2], (E,), 0, N)
    inp['edge_index'] = jnp.stack([src, dst], axis=0)
    inp['batch'] = jnp.sort(jax.random.randint(ks[3], (N,), 0, G))

    def lin_w(k, o, i):
        return 0.05 * jax.random.normal(k, (o, i), dtype=jnp.float32)

    inp['enc_W'] = lin_w(ks[4], H, D)
    inp['enc_b'] = jnp.zeros((H,), dtype=jnp.float32)
    # GIN conv 0 MLP
    inp['c0_W1'] = lin_w(ks[5], H, H)
    inp['c0_b1'] = jnp.zeros((H,), dtype=jnp.float32)
    inp['c0_g1'] = jnp.ones((H,), dtype=jnp.float32)
    inp['c0_be1'] = jnp.zeros((H,), dtype=jnp.float32)
    inp['c0_W2'] = lin_w(ks[6], H, H)
    inp['c0_b2'] = jnp.zeros((H,), dtype=jnp.float32)
    inp['c0_g2'] = jnp.ones((H,), dtype=jnp.float32)
    inp['c0_be2'] = jnp.zeros((H,), dtype=jnp.float32)
    # GIN conv 1 MLP (out_channels = hidden = 128)
    inp['c1_W1'] = lin_w(ks[7], H, H)
    inp['c1_b1'] = jnp.zeros((H,), dtype=jnp.float32)
    inp['c1_g1'] = jnp.ones((H,), dtype=jnp.float32)
    inp['c1_be1'] = jnp.zeros((H,), dtype=jnp.float32)
    inp['c1_W2'] = lin_w(ks[8], H, H)
    inp['c1_b2'] = jnp.zeros((H,), dtype=jnp.float32)
    inp['c1_g2'] = jnp.ones((H,), dtype=jnp.float32)
    inp['c1_be2'] = jnp.zeros((H,), dtype=jnp.float32)
    # head
    inp['lin_W'] = lin_w(ks[9], H, H)
    inp['lin_b'] = jnp.zeros((H,), dtype=jnp.float32)
    inp['clf_W'] = lin_w(ks[10], H, H)
    inp['clf_b'] = jnp.zeros((H,), dtype=jnp.float32)
    return inp


def reference(x, edge_index, batch, enc_W, enc_b,
              c0_W1, c0_b1, c0_g1, c0_be1, c0_W2, c0_b2, c0_g2, c0_be2,
              c1_W1, c1_b1, c1_g1, c1_be1, c1_W2, c1_b2, c1_g2, c1_be2,
              lin_W, lin_b, clf_W, clf_b):
    n = x.shape[0]
    src = edge_index[0]
    dst = edge_index[1]
    # encoder
    h = x @ enc_W.T + enc_b
    # NOTE: self.gbn(x) result is immediately overwritten in the torch code -> dead code, omitted
    # GIN conv 0: h_v <- MLP((1+eps)*h_v + sum_{u in N(v)} h_u), eps=0
    agg0 = jax.ops.segment_sum(h[src], dst, num_segments=n)
    h1 = _mlp(h + agg0, c0_W1, c0_b1, c0_g1, c0_be1, c0_W2, c0_b2, c0_g2, c0_be2)
    h1 = jax.nn.relu(h1)  # relu(dropout(.)) with dropout=0 / eval
    # GIN conv 1
    agg1 = jax.ops.segment_sum(h1[src], dst, num_segments=n)
    h2 = _mlp(h1 + agg1, c1_W1, c1_b1, c1_g1, c1_be1, c1_W2, c1_b2, c1_g2, c1_be2)
    # global mean pool over graphs
    sums = jax.ops.segment_sum(h2, batch, num_segments=G)
    cnt = jax.ops.segment_sum(jnp.ones((n, 1), dtype=jnp.float32), batch, num_segments=G)
    xg = sums / jnp.maximum(cnt, 1.0)
    # head: Linear + GELU, (dropout 0.5 off in eval), classifier
    out = jax.nn.gelu(xg @ lin_W.T + lin_b, approximate=False)
    out = out @ clf_W.T + clf_b
    return out

if __name__ == "__main__":
    import jax
    _d = setup_inputs()
    print(jax.jit(kernel)(*tuple(_d.values())))

</pallas_src>

<mosaic_0001>
#map = affine_map<(d0, d1) -> (0, 0)>
#map1 = affine_map<(d0, d1) -> (0, 0, 0, 0)>
#map2 = affine_map<(d0, d1) -> (0, 0, 0)>
module attributes {stable_mosaic.version = 14 : i64} {
  func.func @_seg_sum_sc(%arg0: i32, %arg1: i32, %arg2: memref<20480x64xf32, #tpu.memory_space<hbm>>, %arg3: memref<2x16x158x128xi32, #tpu.memory_space<hbm>>, %arg4: memref<16x158x128xi32, #tpu.memory_space<hbm>>, %arg5: memref<2x16x5x128xi32, #tpu.memory_space<hbm>>, %arg6: memref<10368x64xf32, #tpu.memory_space<hbm>>, %arg7: memref<20480x64xf32, #tpu.memory_space<hbm>>, %arg8: memref<160x128xi32, #tpu.memory_space<vmem>>, %arg9: memref<158x128xi32, #tpu.memory_space<vmem>>, %arg10: memref<5x128xi32, #tpu.memory_space<vmem>>, %arg11: memref<4x128x64xf32, #tpu.memory_space<vmem>>, %arg12: memref<128x64xf32, #tpu.memory_space<vmem>>, %arg13: memref<10368x64xf32, #tpu.memory_space<vmem_shared>>, %arg14: memref<!tpu.dma_semaphore, #tpu.memory_space<semaphore_mem>>, %arg15: memref<!tpu.dma_semaphore, #tpu.memory_space<semaphore_mem>>, %arg16: memref<!tpu.dma_semaphore, #tpu.memory_space<semaphore_mem>>, %arg17: memref<!tpu.dma_semaphore, #tpu.memory_space<semaphore_mem>>, %arg18: memref<!tpu.dma_semaphore, #tpu.memory_space<semaphore_mem>>, %arg19: memref<!tpu.dma_semaphore, #tpu.memory_space<semaphore_mem>>, %arg20: memref<!tpu.dma_semaphore, #tpu.memory_space<semaphore_mem>>) attributes {dimension_semantics = [#tpu.dimension_semantics<core_parallel>, #tpu.dimension_semantics<subcore_parallel>], iteration_bounds = array<i64: 2, 16>, scalar_prefetch = 0 : i64, scratch_operands = 13 : i64, tpu.core_type = #tpu.core_type<sc_vector_subcore>, window_params = [{transform_indices = #map}, {transform_indices = #map1}, {transform_indices = #map2}, {transform_indices = #map1}, {transform_indices = #map}, {transform_indices = #map}]} {
    %mul3A = arith.constant 648 : i32
    %mul3A_0 = arith.muli %arg1, %mul3A : i32
    %mul3A_1 = arith.constant 648 : i32
    %mul3A_2 = arith.muli %arg1, %mul3A_1 : i32
    "tpu.region"() ({
      %run_scoped3A = tpu.sem_alloc : memref<!tpu.dma_semaphore, #tpu.memory_space<semaphore_mem>>
      %dma_start3A_157 = arith.constant 0 : i32
      %dma_start3A_158 = tpu.memref_slice %arg13[%mul3A_2, %dma_start3A_157] : memref<10368x64xf32, #tpu.memory_space<vmem_shared>> -> memref<648x64xf32, #tpu.memory_space<vmem_shared>>
      %dma_start3A_159 = arith.constant 0 : i32
      %dma_start3A_160 = tpu.memref_slice %arg6[%mul3A_0, %dma_start3A_159] : memref<10368x64xf32, #tpu.memory_space<hbm>> -> memref<648x64xf32, #tpu.memory_space<hbm>>
      tpu.enqueue_dma source(%dma_start3A_160 : memref<648x64xf32, #tpu.memory_space<hbm>>) target(%dma_start3A_158 : memref<648x64xf32, #tpu.memory_space<vmem_shared>>) target_semaphore(%run_scoped3A : memref<!tpu.dma_semaphore, #tpu.memory_space<semaphore_mem>>)
      %dma_wait3A_161 = arith.constant 0 : i32
      %dma_wait3A_162 = tpu.memref_slice %arg13[%mul3A_2, %dma_wait3A_161] : memref<10368x64xf32, #tpu.memory_space<vmem_shared>> -> memref<648x64xf32, #tpu.memory_space<vmem_shared>>
      %dma_wait3A_163 = arith.constant 0 : i32
      %dma_wait3A_164 = tpu.memref_slice %arg6[%mul3A_0, %dma_wait3A_163] : memref<10368x64xf32, #tpu.memory_space<hbm>> -> memref<648x64xf32, #tpu.memory_space<hbm>>
      tpu.wait_dma2 semaphore(%run_scoped3A : memref<!tpu.dma_semaphore, #tpu.memory_space<semaphore_mem>>) src(%dma_wait3A_164 : memref<648x64xf32, #tpu.memory_space<hbm>>) dst(%dma_wait3A_162 : memref<648x64xf32, #tpu.memory_space<vmem_shared>>)
      tpu.yield
    }) : () -> ()
    "tpu.region"() ({
      %run_scoped3A = tpu.sem_alloc : memref<!tpu.dma_semaphore, #tpu.memory_space<semaphore_mem>>
      %dma_start3A_157 = arith.constant 0 : i32
      %dma_start3A_158 = arith.constant 0 : i32
      %dma_start3A_159 = tpu.memref_slice %arg8[%dma_start3A_157, %dma_start3A_158] : memref<160x128xi32, #tpu.memory_space<vmem>> -> memref<158x128xi32, #tpu.memory_space<vmem>>
      %dma_start3A_160 = arith.constant 0 : i32
      %dma_start3A_161 = arith.constant 0 : i32
      %dma_start3A_162 = arith.constant 0 : i32
      %dma_start3A_163 = tpu.memref_slice %arg3[%arg0, %dma_start3A_160, %dma_start3A_161, %dma_start3A_162] : memref<2x16x158x128xi32, #tpu.memory_space<hbm>> -> memref<1x16x158x128xi32, #tpu.memory_space<hbm>>
      %dma_start3A_164 = tpu.memref_squeeze %dma_start3A_163 : memref<1x16x158x128xi32, #tpu.memory_space<hbm>> -> memref<16x158x128xi32, #tpu.memory_space<hbm>>
      %dma_start3A_165 = arith.constant 0 : i32
      %dma_start3A_166 = arith.constant 0 : i32
      %dma_start3A_167 = tpu.memref_slice %dma_start3A_164[%arg1, %dma_start3A_165, %dma_start3A_166] : memref<16x158x128xi32, #tpu.memory_space<hbm>> -> memref<1x158x128xi32, #tpu.memory_space<hbm>>
      %dma_start3A_168 = tpu.memref_squeeze %dma_start3A_167 : memref<1x158x128xi32, #tpu.memory_space<hbm>> -> memref<158x128xi32, #tpu.memory_space<hbm>>
      %dma_start3A_169 = arith.constant 0 : i32
      %dma_start3A_170 = arith.constant 0 : i32
      %dma_start3A_171 = tpu.memref_slice %arg8[%dma_start3A_169, %dma_start3A_170] : memref<160x128xi32, #tpu.memory_space<vmem>> -> memref<158x128xi32, #tpu.memory_space<vmem>>
      %dma_start3A_172 = arith.constant 0 : i32
      %dma_start3A_173 = arith.constant 0 : i32
      %dma_start3A_174 = arith.constant 0 : i32
      %dma_start3A_175 = tpu.memref_slice %arg3[%arg0, %dma_start3A_172, %dma_start3A_173, %dma_start3A_174] : memref<2x16x158x128xi32, #tpu.memory_space<hbm>> -> memref<1x16x158x128xi32, #tpu.memory_space<hbm>>
      %dma_start3A_176 = tpu.memref_squeeze %dma_start3A_175 : memref<1x16x158x128xi32, #tpu.memory_space<hbm>> -> memref<16x158x128xi32, #tpu.memory_space<hbm>>
      %dma_start3A_177 = arith.constant 0 : i32
      %dma_start3A_178 = arith.constant 0 : i32
      %dma_start3A_179 = tpu.memref_slice %dma_start3A_176[%arg1, %dma_start3A_177, %dma_start3A_178] : memref<16x158x128xi32, #tpu.memory_space<hbm>> -> memref<1x158x128xi32, #tpu.memory_space<hbm>>
      %dma_start3A_180 = tpu.memref_squeeze %dma_start3A_179 : memref<1x158x128xi32, #tpu.memory_space<hbm>> -> memref<158x128xi32, #tpu.memory_space<hbm>>
      tpu.enqueue_dma source(%dma_start3A_180 : memref<158x128xi32, #tpu.memory_space<hbm>>) target(%dma_start3A_171 : memref<158x128xi32, #tpu.memory_space<vmem>>) target_semaphore(%run_scoped3A : memref<!tpu.dma_semaphore, #tpu.memory_space<semaphore_mem>>)
      %dma_wait3A_181 = arith.constant 0 : i32
      %dma_wait3A_182 = arith.constant 0 : i32
      %dma_wait3A_183 = tpu.memref_slice %arg8[%dma_wait3A_181, %dma_wait3A_182] : memref<160x128xi32, #tpu.memory_space<vmem>> -> memref<158x128xi32, #tpu.memory_space<vmem>>
      %dma_wait3A_184 = arith.constant 0 : i32
      %dma_wait3A_185 = arith.constant 0 : i32
      %dma_wait3A_186 = arith.constant 0 : i32
      %dma_wait3A_187 = tpu.memref_slice %arg3[%arg0, %dma_wait3A_184, %dma_wait3A_185, %dma_wait3A_186] : memref<2x16x158x128xi32, #tpu.memory_space<hbm>> -> memref<1x16x158x128xi32, #tpu.memory_space<hbm>>
      %dma_wait3A_188 = tpu.memref_squeeze %dma_wait3A_187 : memref<1x16x158x128xi32, #tpu.memory_space<hbm>> -> memref<16x158x128xi32, #tpu.memory_space<hbm>>
      %dma_wait3A_189 = arith.constant 0 : i32
      %dma_wait3A_190 = arith.constant 0 : i32
      %dma_wait3A_191 = tpu.memref_slice %dma_wait3A_188[%arg1, %dma_wait3A_189, %dma_wait3A_190] : memref<16x158x128xi32, #tpu.memory_space<hbm>> -> memref<1x158x128xi32, #tpu.memory_space<hbm>>
      %dma_wait3A_192 = tpu.memref_squeeze %dma_wait3A_191 : memref<1x158x128xi32, #tpu.memory_space<hbm>> -> memref<158x128xi32, #tpu.memory_space<hbm>>
      %dma_wait3A_193 = arith.constant 0 : i32
      %dma_wait3A_194 = arith.constant 0 : i32
      %dma_wait3A_195 = tpu.memref_slice %arg8[%dma_wait3A_193, %dma_wait3A_194] : memref<160x128xi32, #tpu.memory_space<vmem>> -> memref<158x128xi32, #tpu.memory_space<vmem>>
      %dma_wait3A_196 = arith.constant 0 : i32
      %dma_wait3A_197 = arith.constant 0 : i32
      %dma_wait3A_198 = arith.constant 0 : i32
      %dma_wait3A_199 = tpu.memref_slice %arg3[%arg0, %dma_wait3A_196, %dma_wait3A_197, %dma_wait3A_198] : memref<2x16x158x128xi32, #tpu.memory_space<hbm>> -> memref<1x16x158x128xi32, #tpu.memory_space<hbm>>
      %dma_wait3A_200 = tpu.memref_squeeze %dma_wait3A_199 : memref<1x16x158x128xi32, #tpu.memory_space<hbm>> -> memref<16x158x128xi32, #tpu.memory_space<hbm>>
      %dma_wait3A_201 = arith.constant 0 : i32
      %dma_wait3A_202 = arith.constant 0 : i32
      %dma_wait3A_203 = tpu.memref_slice %dma_wait3A_200[%arg1, %dma_wait3A_201, %dma_wait3A_202] : memref<16x158x128xi32, #tpu.memory_space<hbm>> -> memref<1x158x128xi32, #tpu.memory_space<hbm>>
      %dma_wait3A_204 = tpu.memref_squeeze %dma_wait3A_203 : memref<1x158x128xi32, #tpu.memory_space<hbm>> -> memref<158x128xi32, #tpu.memory_space<hbm>>
      tpu.wait_dma2 semaphore(%run_scoped3A : memref<!tpu.dma_semaphore, #tpu.memory_space<semaphore_mem>>) src(%dma_wait3A_204 : memref<158x128xi32, #tpu.memory_space<hbm>>) dst(%dma_wait3A_195 : memref<158x128xi32, #tpu.memory_space<vmem>>)
      tpu.yield
    }) : () -> ()
    "tpu.region"() ({
      %run_scoped3A = tpu.sem_alloc : memref<!tpu.dma_semaphore, #tpu.memory_space<semaphore_mem>>
      %dma_start3A_157 = arith.constant 158 : i32
      %dma_start3A_158 = arith.constant 0 : i32
      %dma_start3A_159 = tpu.memref_slice %arg8[%dma_start3A_157, %dma_start3A_158] : memref<160x128xi32, #tpu.memory_space<vmem>> -> memref<2x128xi32, #tpu.memory_space<vmem>>
      %dma_start3A_160 = arith.constant 0 : i32
      %dma_start3A_161 = arith.constant 0 : i32
      %dma_start3A_162 = arith.constant 0 : i32
      %dma_start3A_163 = tpu.memref_slice %arg3[%arg0, %dma_start3A_160, %dma_start3A_161, %dma_start3A_162] : memref<2x16x158x128xi32, #tpu.memory_space<hbm>> -> memref<1x16x158x128xi32, #tpu.memory_space<hbm>>
      %dma_start3A_164 = tpu.memref_squeeze %dma_start3A_163 : memref<1x16x158x128xi32, #tpu.memory_space<hbm>> -> memref<16x158x128xi32, #tpu.memory_space<hbm>>
      %dma_start3A_165 = arith.constant 0 : i32
      %dma_start3A_166 = arith.constant 0 : i32
      %dma_start3A_167 = tpu.memref_slice %dma_start3A_164[%arg1, %dma_start3A_165, %dma_start3A_166] : memref<16x158x128xi32, #tpu.memory_space<hbm>> -> memref<1x158x128xi32, #tpu.memory_space<hbm>>
      %dma_start3A_168 = tpu.memref_squeeze %dma_start3A_167 : memref<1x158x128xi32, #tpu.memory_space<hbm>> -> memref<158x128xi32, #tpu.memory_space<hbm>>
      %dma_start3A_169 = arith.constant 0 : i32
      %dma_start3A_170 = arith.constant 0 : i32
      %dma_start3A_171 = tpu.memref_slice %dma_start3A_168[%dma_start3A_169, %dma_start3A_170] : memref<158x128xi32, #tpu.memory_space<hbm>> -> memref<2x128xi32, #tpu.memory_space<hbm>>
      %dma_start3A_172 = arith.constant 158 : i32
      %dma_start3A_173 = arith.constant 0 : i32
      %dma_start3A_174 = tpu.memref_slice %arg8[%dma_start3A_172, %dma_start3A_173] : memref<160x128xi32, #tpu.memory_space<vmem>> -> memref<2x128xi32, #tpu.memory_space<vmem>>
      %dma_start3A_175 = arith.constant 0 : i32
      %dma_start3A_176 = arith.constant 0 : i32
      %dma_start3A_177 = arith.constant 0 : i32
      %dma_start3A_178 = tpu.memref_slice %arg3[%arg0, %dma_start3A_175, %dma_start3A_176, %dma_start3A_177] : memref<2x16x158x128xi32, #tpu.memory_space<hbm>> -> memref<1x16x158x128xi32, #tpu.memory_space<hbm>>
      %dma_start3A_179 = tpu.memref_squeeze %dma_start3A_178 : memref<1x16x158x128xi32, #tpu.memory_space<hbm>> -> memref<16x158x128xi32, #tpu.memory_space<hbm>>
      %dma_start3A_180 = arith.constant 0 : i32
      %dma_start3A_181 = arith.constant 0 : i32
      %dma_start3A_182 = tpu.memref_slice %dma_start3A_179[%arg1, %dma_start3A_180, %dma_start3A_181] : memref<16x158x128xi32, #tpu.memory_space<hbm>> -> memref<1x158x128xi32, #tpu.memory_space<hbm>>
      %dma_start3A_183 = tpu.memref_squeeze %dma_start3A_182 : memref<1x158x128xi32, #tpu.memory_space<hbm>> -> memref<158x128xi32, #tpu.memory_space<hbm>>
      %dma_start3A_184 = arith.constant 0 : i32
      %dma_start3A_185 = arith.constant 0 : i32
      %dma_start3A_186 = tpu.memref_slice %dma_start3A_183[%dma_start3A_184, %dma_start3A_185] : memref<158x128xi32, #tpu.memory_space<hbm>> -> memref<2x128xi32, #tpu.memory_space<hbm>>
      tpu.enqueue_dma source(%dma_start3A_186 : memref<2x128xi32, #tpu.memory_space<hbm>>) target(%dma_start3A_174 : memref<2x128xi32, #tpu.memory_space<vmem>>) target_semaphore(%run_scoped3A : memref<!tpu.dma_semaphore, #tpu.memory_space<semaphore_mem>>)
      %dma_wait3A_187 = arith.constant 158 : i32
      %dma_wait3A_188 = arith.constant 0 : i32
      %dma_wait3A_189 = tpu.memref_slice %arg8[%dma_wait3A_187, %dma_wait3A_188] : memref<160x128xi32, #tpu.memory_space<vmem>> -> memref<2x128xi32, #tpu.memory_space<vmem>>
      %dma_wait3A_190 = arith.constant 0 : i32
      %dma_wait3A_191 = arith.constant 0 : i32
      %dma_wait3A_192 = arith.constant 0 : i32
      %dma_wait3A_193 = tpu.memref_slice %arg3[%arg0, %dma_wait3A_190, %dma_wait3A_191, %dma_wait3A_192] : memref<2x16x158x128xi32, #tpu.memory_space<hbm>> -> memref<1x16x158x128xi32, #tpu.memory_space<hbm>>
      %dma_wait3A_194 = tpu.memref_squeeze %dma_wait3A_193 : memref<1x16x158x128xi32, #tpu.memory_space<hbm>> -> memref<16x158x128xi32, #tpu.memory_space<hbm>>
      %dma_wait3A_195 = arith.constant 0 : i32
      %dma_wait3A_196 = arith.constant 0 : i32
      %dma_wait3A_197 = tpu.memref_slice %dma_wait3A_194[%arg1, %dma_wait3A_195, %dma_wait3A_196] : memref<16x158x128xi32, #tpu.memory_space<hbm>> -> memref<1x158x128xi32, #tpu.memory_space<hbm>>
      %dma_wait3A_198 = tpu.memref_squeeze %dma_wait3A_197 : memref<1x158x128xi32, #tpu.memory_space<hbm>> -> memref<158x128xi32, #tpu.memory_space<hbm>>
      %dma_wait3A_199 = arith.constant 0 : i32
      %dma_wait3A_200 = arith.constant 0 : i32
      %dma_wait3A_201 = tpu.memref_slice %dma_wait3A_198[%dma_wait3A_199, %dma_wait3A_200] : memref<158x128xi32, #tpu.memory_space<hbm>> -> memref<2x128xi32, #tpu.memory_space<hbm>>
      %dma_wait3A_202 = arith.constant 158 : i32
      %dma_wait3A_203 = arith.constant 0 : i32
      %dma_wait3A_204 = tpu.memref_slice %arg8[%dma_wait3A_202, %dma_wait3A_203] : memref<160x128xi32, #tpu.memory_space<vmem>> -> memref<2x128xi32, #tpu.memory_space<vmem>>
      %dma_wait3A_205 = arith.constant 0 : i32
      %dma_wait3A_206 = arith.constant 0 : i32
      %dma_wait3A_207 = arith.constant 0 : i32
      %dma_wait3A_208 = tpu.memref_slice %arg3[%arg0, %dma_wait3A_205, %dma_wait3A_206, %dma_wait3A_207] : memref<2x16x158x128xi32, #tpu.memory_space<hbm>> -> memref<1x16x158x128xi32, #tpu.memory_space<hbm>>
      %dma_wait3A_209 = tpu.memref_squeeze %dma_wait3A_208 : memref<1x16x158x128xi32, #tpu.memory_space<hbm>> -> memref<16x158x128xi32, #tpu.memory_space<hbm>>
      %dma_wait3A_210 = arith.constant 0 : i32
      %dma_wait3A_211 = arith.constant 0 : i32
      %dma_wait3A_212 = tpu.memref_slice %dma_wait3A_209[%arg1, %dma_wait3A_210, %dma_wait3A_211] : memref<16x158x128xi32, #tpu.memory_space<hbm>> -> memref<1x158x128xi32, #tpu.memory_space<hbm>>
      %dma_wait3A_213 = tpu.memref_squeeze %dma_wait3A_212 : memref<1x158x128xi32, #tpu.memory_space<hbm>> -> memref<158x128xi32, #tpu.memory_space<hbm>>
      %dma_wait3A_214 = arith.constant 0 : i32
      %dma_wait3A_215 = arith.constant 0 : i32
      %dma_wait3A_216 = tpu.memref_slice %dma_wait3A_213[%dma_wait3A_214, %dma_wait3A_215] : memref<158x128xi32, #tpu.memory_space<hbm>> -> memref<2x128xi32, #tpu.memory_space<hbm>>
      tpu.wait_dma2 semaphore(%run_scoped3A : memref<!tpu.dma_semaphore, #tpu.memory_space<semaphore_mem>>) src(%dma_wait3A_216 : memref<2x128xi32, #tpu.memory_space<hbm>>) dst(%dma_wait3A_204 : memref<2x128xi32, #tpu.memory_space<vmem>>)
      tpu.yield
    }) : () -> ()
    "tpu.region"() ({
      %run_scoped3A = tpu.sem_alloc : memref<!tpu.dma_semaphore, #tpu.memory_space<semaphore_mem>>
      %dma_start3A_157 = arith.constant 0 : i32
      %dma_start3A_158 = arith.constant 0 : i32
      %dma_start3A_159 = tpu.memref_slice %arg4[%arg1, %dma_start3A_157, %dma_start3A_158] : memref<16x158x128xi32, #tpu.memory_space<hbm>> -> memref<1x158x128xi32, #tpu.memory_space<hbm>>
      %dma_start3A_160 = tpu.memref_squeeze %dma_start3A_159 : memref<1x158x128xi32, #tpu.memory_space<hbm>> -> memref<158x128xi32, #tpu.memory_space<hbm>>
      %dma_start3A_161 = arith.constant 0 : i32
      %dma_start3A_162 = arith.constant 0 : i32
      %dma_start3A_163 = tpu.memref_slice %arg4[%arg1, %dma_start3A_161, %dma_start3A_162] : memref<16x158x128xi32, #tpu.memory_space<hbm>> -> memref<1x158x128xi32, #tpu.memory_space<hbm>>
      %dma_start3A_164 = tpu.memref_squeeze %dma_start3A_163 : memref<1x158x128xi32, #tpu.memory_space<hbm>> -> memref<158x128xi32, #tpu.memory_space<hbm>>
      tpu.enqueue_dma source(%dma_start3A_164 : memref<158x128xi32, #tpu.memory_space<hbm>>) target(%arg9 : memref<158x128xi32, #tpu.memory_space<vmem>>) target_semaphore(%run_scoped3A : memref<!tpu.dma_semaphore, #tpu.memory_space<semaphore_mem>>)
      %dma_wait3A_165 = arith.constant 0 : i32
      %dma_wait3A_166 = arith.constant 0 : i32
      %dma_wait3A_167 = tpu.memref_slice %arg4[%arg1, %dma_wait3A_165, %dma_wait3A_166] : memref<16x158x128xi32, #tpu.memory_space<hbm>> -> memref<1x158x128xi32, #tpu.memory_space<hbm>>
      %dma_wait3A_168 = tpu.memref_squeeze %dma_wait3A_167 : memref<1x158x128xi32, #tpu.memory_space<hbm>> -> memref<158x128xi32, #tpu.memory_space<hbm>>
      %dma_wait3A_169 = arith.constant 0 : i32
      %dma_wait3A_170 = arith.constant 0 : i32
      %dma_wait3A_171 = tpu.memref_slice %arg4[%arg1, %dma_wait3A_169, %dma_wait3A_170] : memref<16x158x128xi32, #tpu.memory_space<hbm>> -> memref<1x158x128xi32, #tpu.memory_space<hbm>>
      %dma_wait3A_172 = tpu.memref_squeeze %dma_wait3A_171 : memref<1x158x128xi32, #tpu.memory_space<hbm>> -> memref<158x128xi32, #tpu.memory_space<hbm>>
      tpu.wait_dma2 semaphore(%run_scoped3A : memref<!tpu.dma_semaphore, #tpu.memory_space<semaphore_mem>>) src(%dma_wait3A_172 : memref<158x128xi32, #tpu.memory_space<hbm>>) dst(%arg9 : memref<158x128xi32, #tpu.memory_space<vmem>>)
      tpu.yield
    }) : () -> ()
    "tpu.region"() ({
      %run_scoped3A = tpu.sem_alloc : memref<!tpu.dma_semaphore, #tpu.memory_space<semaphore_mem>>
      %dma_start3A_157 = arith.constant 0 : i32
      %dma_start3A_158 = arith.constant 0 : i32
      %dma_start3A_159 = arith.constant 0 : i32
      %dma_start3A_160 = tpu.memref_slice %arg5[%arg0, %dma_start3A_157, %dma_start3A_158, %dma_start3A_159] : memref<2x16x5x128xi32, #tpu.memory_space<hbm>> -> memref<1x16x5x128xi32, #tpu.memory_space<hbm>>
      %dma_start3A_161 = tpu.memref_squeeze %dma_start3A_160 : memref<1x16x5x128xi32, #tpu.memory_space<hbm>> -> memref<16x5x128xi32, #tpu.memory_space<hbm>>
      %dma_start3A_162 = arith.constant 0 : i32
      %dma_start3A_163 = arith.constant 0 : i32
      %dma_start3A_164 = tpu.memref_slice %dma_start3A_161[%arg1, %dma_start3A_162, %dma_start3A_163] : memref<16x5x128xi32, #tpu.memory_space<hbm>> -> memref<1x5x128xi32, #tpu.memory_space<hbm>>
      %dma_start3A_165 = tpu.memref_squeeze %dma_start3A_164 : memref<1x5x128xi32, #tpu.memory_space<hbm>> -> memref<5x128xi32, #tpu.memory_space<hbm>>
      %dma_start3A_166 = arith.constant 0 : i32
      %dma_start3A_167 = arith.constant 0 : i32
      %dma_start3A_168 = arith.constant 0 : i32
      %dma_start3A_169 = tpu.memref_slice %arg5[%arg0, %dma_start3A_166, %dma_start3A_167, %dma_start3A_168] : memref<2x16x5x128xi32, #tpu.memory_space<hbm>> -> memref<1x16x5x128xi32, #tpu.memory_space<hbm>>
      %dma_start3A_170 = tpu.memref_squeeze %dma_start3A_169 : memref<1x16x5x128xi32, #tpu.memory_space<hbm>> -> memref<16x5x128xi32, #tpu.memory_space<hbm>>
      %dma_start3A_171 = arith.constant 0 : i32
      %dma_start3A_172 = arith.constant 0 : i32
      %dma_start3A_173 = tpu.memref_slice %dma_start3A_170[%arg1, %dma_start3A_171, %dma_start3A_172] : memref<16x5x128xi32, #tpu.memory_space<hbm>> -> memref<1x5x128xi32, #tpu.memory_space<hbm>>
      %dma_start3A_174 = tpu.memref_squeeze %dma_start3A_173 : memref<1x5x128xi32, #tpu.memory_space<hbm>> -> memref<5x128xi32, #tpu.memory_space<hbm>>
      tpu.enqueue_dma source(%dma_start3A_174 : memref<5x128xi32, #tpu.memory_space<hbm>>) target(%arg10 : memref<5x128xi32, #tpu.memory_space<vmem>>) target_semaphore(%run_scoped3A : memref<!tpu.dma_semaphore, #tpu.memory_space<semaphore_mem>>)
      %dma_wait3A_175 = arith.constant 0 : i32
      %dma_wait3A_176 = arith.constant 0 : i32
      %dma_wait3A_177 = arith.constant 0 : i32
      %dma_wait3A_178 = tpu.memref_slice %arg5[%arg0, %dma_wait3A_175, %dma_wait3A_176, %dma_wait3A_177] : memref<2x16x5x128xi32, #tpu.memory_space<hbm>> -> memref<1x16x5x128xi32, #tpu.memory_space<hbm>>
      %dma_wait3A_179 = tpu.memref_squeeze %dma_wait3A_178 : memref<1x16x5x128xi32, #tpu.memory_space<hbm>> -> memref<16x5x128xi32, #tpu.memory_space<hbm>>
      %dma_wait3A_180 = arith.constant 0 : i32
      %dma_wait3A_181 = arith.constant 0 : i32
      %dma_wait3A_182 = tpu.memref_slice %dma_wait3A_179[%arg1, %dma_wait3A_180, %dma_wait3A_181] : memref<16x5x128xi32, #tpu.memory_space<hbm>> -> memref<1x5x128xi32, #tpu.memory_space<hbm>>
      %dma_wait3A_183 = tpu.memref_squeeze %dma_wait3A_182 : memref<1x5x128xi32, #tpu.memory_space<hbm>> -> memref<5x128xi32, #tpu.memory_space<hbm>>
      %dma_wait3A_184 = arith.constant 0 : i32
      %dma_wait3A_185 = arith.constant 0 : i32
      %dma_wait3A_186 = arith.constant 0 : i32
      %dma_wait3A_187 = tpu.memref_slice %arg5[%arg0, %dma_wait3A_184, %dma_wait3A_185, %dma_wait3A_186] : memref<2x16x5x128xi32, #tpu.memory_space<hbm>> -> memref<1x16x5x128xi32, #tpu.memory_space<hbm>>
      %dma_wait3A_188 = tpu.memref_squeeze %dma_wait3A_187 : memref<1x16x5x128xi32, #tpu.memory_space<hbm>> -> memref<16x5x128xi32, #tpu.memory_space<hbm>>
      %dma_wait3A_189 = arith.constant 0 : i32
      %dma_wait3A_190 = arith.constant 0 : i32
      %dma_wait3A_191 = tpu.memref_slice %dma_wait3A_188[%arg1, %dma_wait3A_189, %dma_wait3A_190] : memref<16x5x128xi32, #tpu.memory_space<hbm>> -> memref<1x5x128xi32, #tpu.memory_space<hbm>>
      %dma_wait3A_192 = tpu.memref_squeeze %dma_wait3A_191 : memref<1x5x128xi32, #tpu.memory_space<hbm>> -> memref<5x128xi32, #tpu.memory_space<hbm>>
      tpu.wait_dma2 semaphore(%run_scoped3A : memref<!tpu.dma_semaphore, #tpu.memory_space<semaphore_mem>>) src(%dma_wait3A_192 : memref<5x128xi32, #tpu.memory_space<hbm>>) dst(%arg10 : memref<5x128xi32, #tpu.memory_space<vmem>>)
      tpu.yield
    }) : () -> ()
    %barrier3A = arith.constant 0 : index
    tpu.barrier barrier_id(%barrier3A)
    %dma_start3A = arith.constant 0 : i32
    %dma_start3A_3 = arith.constant 0 : i32
    %dma_start3A_4 = arith.constant 0 : i32
    %dma_start3A_5 = arith.constant 0 : i32
    %dma_start3A_6 = tpu.memref_slice %arg11[%dma_start3A_3, %dma_start3A_4, %dma_start3A_5] : memref<4x128x64xf32, #tpu.memory_space<vmem>> -> memref<1x128x64xf32, #tpu.memory_space<vmem>>
    %dma_start3A_7 = tpu.memref_squeeze %dma_start3A_6 : memref<1x128x64xf32, #tpu.memory_space<vmem>> -> memref<128x64xf32, #tpu.memory_space<vmem>>
    %dma_start3A_8 = arith.constant 0 : i32
    %dma_start3A_9 = tpu.memref_slice %arg8[%dma_start3A, %dma_start3A_8] : memref<160x128xi32, #tpu.memory_space<vmem>> -> memref<1x128xi32, #tpu.memory_space<vmem>>
    %dma_start3A_10 = tpu.memref_squeeze %dma_start3A_9 : memref<1x128xi32, #tpu.memory_space<vmem>> -> memref<128xi32, #tpu.memory_space<vmem>>
    %dma_start3A_11 = arith.constant 0 : i32
    %dma_start3A_12 = arith.constant 0 : i32
    %dma_start3A_13 = tpu.memref_slice %arg2[%dma_start3A_11, %dma_start3A_12] : memref<20480x64xf32, #tpu.memory_space<hbm>> -> memref<20480x64xf32, #tpu.memory_space<hbm>>
    tpu.enqueue_indirect_dma source(%dma_start3A_13 : memref<20480x64xf32, #tpu.memory_space<hbm>>) target(%dma_start3A_7 : memref<128x64xf32, #tpu.memory_space<vmem>>) offsets(%dma_start3A_10 : memref<128xi32, #tpu.memory_space<vmem>>) semaphore(%arg14 : memref<!tpu.dma_semaphore, #tpu.memory_space<semaphore_mem>>)
    %dma_start3A_14 = arith.constant 1 : i32
    %dma_start3A_15 = arith.constant 1 : i32
    %dma_start3A_16 = arith.constant 0 : i32
    %dma_start3A_17 = arith.constant 0 : i32
    %dma_start3A_18 = tpu.memref_slice %arg11[%dma_start3A_15, %dma_start3A_16, %dma_start3A_17] : memref<4x128x64xf32, #tpu.memory_space<vmem>> -> memref<1x128x64xf32, #tpu.memory_space<vmem>>
    %dma_start3A_19 = tpu.memref_squeeze %dma_start3A_18 : memref<1x128x64xf32, #tpu.memory_space<vmem>> -> memref<128x64xf32, #tpu.memory_space<vmem>>
    %dma_start3A_20 = arith.constant 0 : i32
    %dma_start3A_21 = tpu.memref_slice %arg8[%dma_start3A_14, %dma_start3A_20] : memref<160x128xi32, #tpu.memory_space<vmem>> -> memref<1x128xi32, #tpu.memory_space<vmem>>
    %dma_start3A_22 = tpu.memref_squeeze %dma_start3A_21 : memref<1x128xi32, #tpu.memory_space<vmem>> -> memref<128xi32, #tpu.memory_space<vmem>>
    %dma_start3A_23 = arith.constant 0 : i32
    %dma_start3A_24 = arith.constant 0 : i32
    %dma_start3A_25 = tpu.memref_slice %arg2[%dma_start3A_23, %dma_start3A_24] : memref<20480x64xf32, #tpu.memory_space<hbm>> -> memref<20480x64xf32, #tpu.memory_space<hbm>>
    tpu.enqueue_indirect_dma source(%dma_start3A_25 : memref<20480x64xf32, #tpu.memory_space<hbm>>) target(%dma_start3A_19 : memref<128x64xf32, #tpu.memory_space<vmem>>) offsets(%dma_start3A_22 : memref<128xi32, #tpu.memory_space<vmem>>) semaphore(%arg15 : memref<!tpu.dma_semaphore, #tpu.memory_space<semaphore_mem>>)
    %dma_start3A_26 = arith.constant 2 : i32
    %dma_start3A_27 = arith.constant 2 : i32
    %dma_start3A_28 = arith.constant 0 : i32
    %dma_start3A_29 = arith.constant 0 : i32
    %dma_start3A_30 = tpu.memref_slice %arg11[%dma_start3A_27, %dma_start3A_28, %dma_start3A_29] : memref<4x128x64xf32, #tpu.memory_space<vmem>> -> memref<1x128x64xf32, #tpu.memory_space<vmem>>
    %dma_start3A_31 = tpu.memref_squeeze %dma_start3A_30 : memref<1x128x64xf32, #tpu.memory_space<vmem>> -> memref<128x64xf32, #tpu.memory_space<vmem>>
    %dma_start3A_32 = arith.constant 0 : i32
    %dma_start3A_33 = tpu.memref_slice %arg8[%dma_start3A_26, %dma_start3A_32] : memref<160x128xi32, #tpu.memory_space<vmem>> -> memref<1x128xi32, #tpu.memory_space<vmem>>
    %dma_start3A_34 = tpu.memref_squeeze %dma_start3A_33 : memref<1x128xi32, #tpu.memory_space<vmem>> -> memref<128xi32, #tpu.memory_space<vmem>>
    %dma_start3A_35 = arith.constant 0 : i32
    %dma_start3A_36 = arith.constant 0 : i32
    %dma_start3A_37 = tpu.memref_slice %arg2[%dma_start3A_35, %dma_start3A_36] : memref<20480x64xf32, #tpu.memory_space<hbm>> -> memref<20480x64xf32, #tpu.memory_space<hbm>>
    tpu.enqueue_indirect_dma source(%dma_start3A_37 : memref<20480x64xf32, #tpu.memory_space<hbm>>) target(%dma_start3A_31 : memref<128x64xf32, #tpu.memory_space<vmem>>) offsets(%dma_start3A_34 : memref<128xi32, #tpu.memory_space<vmem>>) semaphore(%arg16 : memref<!tpu.dma_semaphore, #tpu.memory_space<semaphore_mem>>)
    %dma_start3A_38 = arith.constant 3 : i32
    %dma_start3A_39 = arith.constant 3 : i32
    %dma_start3A_40 = arith.constant 0 : i32
    %dma_start3A_41 = arith.constant 0 : i32
    %dma_start3A_42 = tpu.memref_slice %arg11[%dma_start3A_39, %dma_start3A_40, %dma_start3A_41] : memref<4x128x64xf32, #tpu.memory_space<vmem>> -> memref<1x128x64xf32, #tpu.memory_space<vmem>>
    %dma_start3A_43 = tpu.memref_squeeze %dma_start3A_42 : memref<1x128x64xf32, #tpu.memory_space<vmem>> -> memref<128x64xf32, #tpu.memory_space<vmem>>
    %dma_start3A_44 = arith.constant 0 : i32
    %dma_start3A_45 = tpu.memref_slice %arg8[%dma_start3A_38, %dma_start3A_44] : memref<160x128xi32, #tpu.memory_space<vmem>> -> memref<1x128xi32, #tpu.memory_space<vmem>>
    %dma_start3A_46 = tpu.memref_squeeze %dma_start3A_45 : memref<1x128xi32, #tpu.memory_space<vmem>> -> memref<128xi32, #tpu.memory_space<vmem>>
    %dma_start3A_47 = arith.constant 0 : i32
    %dma_start3A_48 = arith.constant 0 : i32
    %dma_start3A_49 = tpu.memref_slice %arg2[%dma_start3A_47, %dma_start3A_48] : memref<20480x64xf32, #tpu.memory_space<hbm>> -> memref<20480x64xf32, #tpu.memory_space<hbm>>
    tpu.enqueue_indirect_dma source(%dma_start3A_49 : memref<20480x64xf32, #tpu.memory_space<hbm>>) target(%dma_start3A_43 : memref<128x64xf32, #tpu.memory_space<vmem>>) offsets(%dma_start3A_46 : memref<128xi32, #tpu.memory_space<vmem>>) semaphore(%arg17 : memref<!tpu.dma_semaphore, #tpu.memory_space<semaphore_mem>>)
    %scan3A = arith.constant 0 : i32
    %scan3A_50 = arith.constant 0 : i32
    %scan3A_51 = arith.constant 39 : i32
    %scan3A_52 = arith.addi %scan3A_50, %scan3A_51 : i32
    %scan3A_53 = arith.constant 1 : i32
    scf.for %scan3A_157 = %scan3A_50 to %scan3A_52 step %scan3A_53  : i32 {
      %mul3A_158 = arith.constant 4 : i32
      %mul3A_159 = arith.muli %mul3A_158, %scan3A_157 : i32
      %add3A = arith.constant 1 : i32
      %add3A_160 = arith.addi %mul3A_159, %add3A : i32
      %dma_wait3A_161 = arith.constant 0 : i32
      %dma_wait3A_162 = arith.constant 0 : i32
      %dma_wait3A_163 = arith.constant 0 : i32
      %dma_wait3A_164 = tpu.memref_slice %arg11[%dma_wait3A_161, %dma_wait3A_162, %dma_wait3A_163] : memref<4x128x64xf32, #tpu.memory_space<vmem>> -> memref<1x128x64xf32, #tpu.memory_space<vmem>>
      %dma_wait3A_165 = tpu.memref_squeeze %dma_wait3A_164 : memref<1x128x64xf32, #tpu.memory_space<vmem>> -> memref<128x64xf32, #tpu.memory_space<vmem>>
      %dma_wait3A_166 = arith.constant 0 : i32
      %dma_wait3A_167 = tpu.memref_slice %arg8[%mul3A_159, %dma_wait3A_166] : memref<160x128xi32, #tpu.memory_space<vmem>> -> memref<1x128xi32, #tpu.memory_space<vmem>>
      %dma_wait3A_168 = tpu.memref_squeeze %dma_wait3A_167 : memref<1x128xi32, #tpu.memory_space<vmem>> -> memref<128xi32, #tpu.memory_space<vmem>>
      %dma_wait3A_169 = arith.constant 0 : i32
      %dma_wait3A_170 = arith.constant 0 : i32
      %dma_wait3A_171 = tpu.memref_slice %arg2[%dma_wait3A_169, %dma_wait3A_170] : memref<20480x64xf32, #tpu.memory_space<hbm>> -> memref<20480x64xf32, #tpu.memory_space<hbm>>
      tpu.wait_indirect_dma semaphore(%arg14 : memref<!tpu.dma_semaphore, #tpu.memory_space<semaphore_mem>>) src(%dma_wait3A_171 : memref<20480x64xf32, #tpu.memory_space<hbm>>) dst(%dma_wait3A_165 : memref<128x64xf32, #tpu.memory_space<vmem>>)
      %dma_start3A_172 = arith.constant 0 : i32
      %dma_start3A_173 = arith.constant 0 : i32
      %dma_start3A_174 = arith.constant 0 : i32
      %dma_start3A_175 = tpu.memref_slice %arg11[%dma_start3A_172, %dma_start3A_173, %dma_start3A_174] : memref<4x128x64xf32, #tpu.memory_space<vmem>> -> memref<1x128x64xf32, #tpu.memory_space<vmem>>
      %dma_start3A_176 = tpu.memref_squeeze %dma_start3A_175 : memref<1x128x64xf32, #tpu.memory_space<vmem>> -> memref<128x64xf32, #tpu.memory_space<vmem>>
      %dma_start3A_177 = arith.constant 0 : i32
      %dma_start3A_178 = tpu.memref_slice %arg9[%mul3A_159, %dma_start3A_177] : memref<158x128xi32, #tpu.memory_space<vmem>> -> memref<1x128xi32, #tpu.memory_space<vmem>>
      %dma_start3A_179 = tpu.memref_squeeze %dma_start3A_178 : memref<1x128xi32, #tpu.memory_space<vmem>> -> memref<128xi32, #tpu.memory_space<vmem>>
      %dma_start3A_180 = arith.constant 0 : i32
      %dma_start3A_181 = arith.constant 0 : i32
      %dma_start3A_182 = tpu.memref_slice %arg13[%dma_start3A_180, %dma_start3A_181] : memref<10368x64xf32, #tpu.memory_space<vmem_shared>> -> memref<10368x64xf32, #tpu.memory_space<vmem_shared>>
      tpu.enqueue_indirect_dma source(%dma_start3A_176 : memref<128x64xf32, #tpu.memory_space<vmem>>) target(%dma_start3A_182 : memref<10368x64xf32, #tpu.memory_space<vmem_shared>>) offsets(%dma_start3A_179 : memref<128xi32, #tpu.memory_space<vmem>>) semaphore(%arg18 : memref<!tpu.dma_semaphore, #tpu.memory_space<semaphore_mem>>) {add = true}
      %dma_wait3A_183 = arith.constant 1 : i32
      %dma_wait3A_184 = arith.constant 0 : i32
      %dma_wait3A_185 = arith.constant 0 : i32
      %dma_wait3A_186 = tpu.memref_slice %arg11[%dma_wait3A_183, %dma_wait3A_184, %dma_wait3A_185] : memref<4x128x64xf32, #tpu.memory_space<vmem>> -> memref<1x128x64xf32, #tpu.memory_space<vmem>>
      %dma_wait3A_187 = tpu.memref_squeeze %dma_wait3A_186 : memref<1x128x64xf32, #tpu.memory_space<vmem>> -> memref<128x64xf32, #tpu.memory_space<vmem>>
      %dma_wait3A_188 = arith.constant 0 : i32
      %dma_wait3A_189 = tpu.memref_slice %arg8[%add3A_160, %dma_wait3A_188] : memref<160x128xi32, #tpu.memory_space<vmem>> -> memref<1x128xi32, #tpu.memory_space<vmem>>
      %dma_wait3A_190 = tpu.memref_squeeze %dma_wait3A_189 : memref<1x128xi32, #tpu.memory_space<vmem>> -> memref<128xi32, #tpu.memory_space<vmem>>
      %dma_wait3A_191 = arith.constant 0 : i32
      %dma_wait3A_192 = arith.constant 0 : i32
      %dma_wait3A_193 = tpu.memref_slice %arg2[%dma_wait3A_191, %dma_wait3A_192] : memref<20480x64xf32, #tpu.memory_space<hbm>> -> memref<20480x64xf32, #tpu.memory_space<hbm>>
      tpu.wait_indirect_dma semaphore(%arg15 : memref<!tpu.dma_semaphore, #tpu.memory_space<semaphore_mem>>) src(%dma_wait3A_193 : memref<20480x64xf32, #tpu.memory_space<hbm>>) dst(%dma_wait3A_187 : memref<128x64xf32, #tpu.memory_space<vmem>>)
      %add3A_194 = arith.constant 1 : i32
      %add3A_195 = arith.addi %mul3A_159, %add3A_194 : i32
      %dma_start3A_196 = arith.constant 1 : i32
      %dma_start3A_197 = arith.constant 0 : i32
      %dma_start3A_198 = arith.constant 0 : i32
      %dma_start3A_199 = tpu.memref_slice %arg11[%dma_start3A_196, %dma_start3A_197, %dma_start3A_198] : memref<4x128x64xf32, #tpu.memory_space<vmem>> -> memref<1x128x64xf32, #tpu.memory_space<vmem>>
      %dma_start3A_200 = tpu.memref_squeeze %dma_start3A_199 : memref<1x128x64xf32, #tpu.memory_space<vmem>> -> memref<128x64xf32, #tpu.memory_space<vmem>>
      %dma_start3A_201 = arith.constant 0 : i32
      %dma_start3A_202 = tpu.memref_slice %arg9[%add3A_195, %dma_start3A_201] : memref<158x128xi32, #tpu.memory_space<vmem>> -> memref<1x128xi32, #tpu.memory_space<vmem>>
      %dma_start3A_203 = tpu.memref_squeeze %dma_start3A_202 : memref<1x128xi32, #tpu.memory_space<vmem>> -> memref<128xi32, #tpu.memory_space<vmem>>
      %dma_start3A_204 = arith.constant 0 : i32
      %dma_start3A_205 = arith.constant 0 : i32
      %dma_start3A_206 = tpu.memref_slice %arg13[%dma_start3A_204, %dma_start3A_205] : memref<10368x64xf32, #tpu.memory_space<vmem_shared>> -> memref<10368x64xf32, #tpu.memory_space<vmem_shared>>
      tpu.enqueue_indirect_dma source(%dma_start3A_200 : memref<128x64xf32, #tpu.memory_space<vmem>>) target(%dma_start3A_206 : memref<10368x64xf32, #tpu.memory_space<vmem_shared>>) offsets(%dma_start3A_203 : memref<128xi32, #tpu.memory_space<vmem>>) semaphore(%arg19 : memref<!tpu.dma_semaphore, #tpu.memory_space<semaphore_mem>>) {add = true}
      %dma_wait3A_207 = arith.constant 0 : i32
      %dma_wait3A_208 = arith.constant 0 : i32
      %dma_wait3A_209 = arith.constant 0 : i32
      %dma_wait3A_210 = tpu.memref_slice %arg11[%dma_wait3A_207, %dma_wait3A_208, %dma_wait3A_209] : memref<4x128x64xf32, #tpu.memory_space<vmem>> -> memref<1x128x64xf32, #tpu.memory_space<vmem>>
      %dma_wait3A_211 = tpu.memref_squeeze %dma_wait3A_210 : memref<1x128x64xf32, #tpu.memory_space<vmem>> -> memref<128x64xf32, #tpu.memory_space<vmem>>
      %dma_wait3A_212 = arith.constant 0 : i32
      %dma_wait3A_213 = tpu.memref_slice %arg9[%mul3A_159, %dma_wait3A_212] : memref<158x128xi32, #tpu.memory_space<vmem>> -> memref<1x128xi32, #tpu.memory_space<vmem>>
      %dma_wait3A_214 = tpu.memref_squeeze %dma_wait3A_213 : memref<1x128xi32, #tpu.memory_space<vmem>> -> memref<128xi32, #tpu.memory_space<vmem>>
      %dma_wait3A_215 = arith.constant 0 : i32
      %dma_wait3A_216 = arith.constant 0 : i32
      %dma_wait3A_217 = tpu.memref_slice %arg13[%dma_wait3A_215, %dma_wait3A_216] : memref<10368x64xf32, #tpu.memory_space<vmem_shared>> -> memref<10368x64xf32, #tpu.memory_space<vmem_shared>>
      tpu.wait_indirect_dma semaphore(%arg18 : memref<!tpu.dma_semaphore, #tpu.memory_space<semaphore_mem>>) src(%dma_wait3A_211 : memref<128x64xf32, #tpu.memory_space<vmem>>) dst(%dma_wait3A_217 : memref<10368x64xf32, #tpu.memory_space<vmem_shared>>)
      %dma_wait3A_218 = arith.constant 1 : i32
      %dma_wait3A_219 = arith.constant 0 : i32
      %dma_wait3A_220 = arith.constant 0 : i32
      %dma_wait3A_221 = tpu.memref_slice %arg11[%dma_wait3A_218, %dma_wait3A_219, %dma_wait3A_220] : memref<4x128x64xf32, #tpu.memory_space<vmem>> -> memref<1x128x64xf32, #tpu.memory_space<vmem>>
      %dma_wait3A_222 = tpu.memref_squeeze %dma_wait3A_221 : memref<1x128x64xf32, #tpu.memory_space<vmem>> -> memref<128x64xf32, #tpu.memory_space<vmem>>
      %dma_wait3A_223 = arith.constant 0 : i32
      %dma_wait3A_224 = tpu.memref_slice %arg9[%add3A_195, %dma_wait3A_223] : memref<158x128xi32, #tpu.memory_space<vmem>> -> memref<1x128xi32, #tpu.memory_space<vmem>>
      %dma_wait3A_225 = tpu.memref_squeeze %dma_wait3A_224 : memref<1x128xi32, #tpu.memory_space<vmem>> -> memref<128xi32, #tpu.memory_space<vmem>>
      %dma_wait3A_226 = arith.constant 0 : i32
      %dma_wait3A_227 = arith.constant 0 : i32
      %dma_wait3A_228 = tpu.memref_slice %arg13[%dma_wait3A_226, %dma_wait3A_227] : memref<10368x64xf32, #tpu.memory_space<vmem_shared>> -> memref<10368x64xf32, #tpu.memory_space<vmem_shared>>
      tpu.wait_indirect_dma semaphore(%arg19 : memref<!tpu.dma_semaphore, #tpu.memory_space<semaphore_mem>>) src(%dma_wait3A_222 : memref<128x64xf32, #tpu.memory_space<vmem>>) dst(%dma_wait3A_228 : memref<10368x64xf32, #tpu.memory_space<vmem_shared>>)
      %add3A_229 = arith.constant 4 : i32
      %add3A_230 = arith.addi %mul3A_159, %add3A_229 : i32
      %dma_start3A_231 = arith.constant 0 : i32
      %dma_start3A_232 = arith.constant 0 : i32
      %dma_start3A_233 = arith.constant 0 : i32
      %dma_start3A_234 = tpu.memref_slice %arg11[%dma_start3A_231, %dma_start3A_232, %dma_start3A_233] : memref<4x128x64xf32, #tpu.memory_space<vmem>> -> memref<1x128x64xf32, #tpu.memory_space<vmem>>
      %dma_start3A_235 = tpu.memref_squeeze %dma_start3A_234 : memref<1x128x64xf32, #tpu.memory_space<vmem>> -> memref<128x64xf32, #tpu.memory_space<vmem>>
      %dma_start3A_236 = arith.constant 0 : i32
      %dma_start3A_237 = tpu.memref_slice %arg8[%add3A_230, %dma_start3A_236] : memref<160x128xi32, #tpu.memory_space<vmem>> -> memref<1x128xi32, #tpu.memory_space<vmem>>
      %dma_start3A_238 = tpu.memref_squeeze %dma_start3A_237 : memref<1x128xi32, #tpu.memory_space<vmem>> -> memref<128xi32, #tpu.memory_space<vmem>>
      %dma_start3A_239 = arith.constant 0 : i32
      %dma_start3A_240 = arith.constant 0 : i32
      %dma_start3A_241 = tpu.memref_slice %arg2[%dma_start3A_239, %dma_start3A_240] : memref<20480x64xf32, #tpu.memory_space<hbm>> -> memref<20480x64xf32, #tpu.memory_space<hbm>>
      tpu.enqueue_indirect_dma source(%dma_start3A_241 : memref<20480x64xf32, #tpu.memory_space<hbm>>) target(%dma_start3A_235 : memref<128x64xf32, #tpu.memory_space<vmem>>) offsets(%dma_start3A_238 : memref<128xi32, #tpu.memory_space<vmem>>) semaphore(%arg14 : memref<!tpu.dma_semaphore, #tpu.memory_space<semaphore_mem>>)
      %add3A_242 = arith.constant 5 : i32
      %add3A_243 = arith.addi %mul3A_159, %add3A_242 : i32
      %dma_start3A_244 = arith.constant 1 : i32
      %dma_start3A_245 = arith.constant 0 : i32
      %dma_start3A_246 = arith.constant 0 : i32
      %dma_start3A_247 = tpu.memref_slice %arg11[%dma_start3A_244, %dma_start3A_245, %dma_start3A_246] : memref<4x128x64xf32, #tpu.memory_space<vmem>> -> memref<1x128x64xf32, #tpu.memory_space<vmem>>
      %dma_start3A_248 = tpu.memref_squeeze %dma_start3A_247 : memref<1x128x64xf32, #tpu.memory_space<vmem>> -> memref<128x64xf32, #tpu.memory_space<vmem>>
      %dma_start3A_249 = arith.constant 0 : i32
      %dma_start3A_250 = tpu.memref_slice %arg8[%add3A_243, %dma_start3A_249] : memref<160x128xi32, #tpu.memory_space<vmem>> -> memref<1x128xi32, #tpu.memory_space<vmem>>
      %dma_start3A_251 = tpu.memref_squeeze %dma_start3A_250 : memref<1x128xi32, #tpu.memory_space<vmem>> -> memref<128xi32, #tpu.memory_space<vmem>>
      %dma_start3A_252 = arith.constant 0 : i32
      %dma_start3A_253 = arith.constant 0 : i32
      %dma_start3A_254 = tpu.memref_slice %arg2[%dma_start3A_252, %dma_start3A_253] : memref<20480x64xf32, #tpu.memory_space<hbm>> -> memref<20480x64xf32, #tpu.memory_space<hbm>>
      tpu.enqueue_indirect_dma source(%dma_start3A_254 : memref<20480x64xf32, #tpu.memory_space<hbm>>) target(%dma_start3A_248 : memref<128x64xf32, #tpu.memory_space<vmem>>) offsets(%dma_start3A_251 : memref<128xi32, #tpu.memory_space<vmem>>) semaphore(%arg15 : memref<!tpu.dma_semaphore, #tpu.memory_space<semaphore_mem>>)
      %add3A_255 = arith.constant 2 : i32
      %add3A_256 = arith.addi %mul3A_159, %add3A_255 : i32
      %add3A_257 = arith.constant 3 : i32
      %add3A_258 = arith.addi %mul3A_159, %add3A_257 : i32
      %dma_wait3A_259 = arith.constant 2 : i32
      %dma_wait3A_260 = arith.constant 0 : i32
      %dma_wait3A_261 = arith.constant 0 : i32
      %dma_wait3A_262 = tpu.memref_slice %arg11[%dma_wait3A_259, %dma_wait3A_260, %dma_wait3A_261] : memref<4x128x64xf32, #tpu.memory_space<vmem>> -> memref<1x128x64xf32, #tpu.memory_space<vmem>>
      %dma_wait3A_263 = tpu.memref_squeeze %dma_wait3A_262 : memref<1x128x64xf32, #tpu.memory_space<vmem>> -> memref<128x64xf32, #tpu.memory_space<vmem>>
      %dma_wait3A_264 = arith.constant 0 : i32
      %dma_wait3A_265 = tpu.memref_slice %arg8[%add3A_256, %dma_wait3A_264] : memref<160x128xi32, #tpu.memory_space<vmem>> -> memref<1x128xi32, #tpu.memory_space<vmem>>
      %dma_wait3A_266 = tpu.memref_squeeze %dma_wait3A_265 : memref<1x128xi32, #tpu.memory_space<vmem>> -> memref<128xi32, #tpu.memory_space<vmem>>
      %dma_wait3A_267 = arith.constant 0 : i32
      %dma_wait3A_268 = arith.constant 0 : i32
      %dma_wait3A_269 = tpu.memref_slice %arg2[%dma_wait3A_267, %dma_wait3A_268] : memref<20480x64xf32, #tpu.memory_space<hbm>> -> memref<20480x64xf32, #tpu.memory_space<hbm>>
      tpu.wait_indirect_dma semaphore(%arg16 : memref<!tpu.dma_semaphore, #tpu.memory_space<semaphore_mem>>) src(%dma_wait3A_269 : memref<20480x64xf32, #tpu.memory_space<hbm>>) dst(%dma_wait3A_263 : memref<128x64xf32, #tpu.memory_space<vmem>>)
      %add3A_270 = arith.constant 2 : i32
      %add3A_271 = arith.addi %mul3A_159, %add3A_270 : i32
      %dma_start3A_272 = arith.constant 2 : i32
      %dma_start3A_273 = arith.constant 0 : i32
      %dma_start3A_274 = arith.constant 0 : i32
      %dma_start3A_275 = tpu.memref_slice %arg11[%dma_start3A_272, %dma_start3A_273, %dma_start3A_274] : memref<4x128x64xf32, #tpu.memory_space<vmem>> -> memref<1x128x64xf32, #tpu.memory_space<vmem>>
      %dma_start3A_276 = tpu.memref_squeeze %dma_start3A_275 : memref<1x128x64xf32, #tpu.memory_space<vmem>> -> memref<128x64xf32, #tpu.memory_space<vmem>>
      %dma_start3A_277 = arith.constant 0 : i32
      %dma_start3A_278 = tpu.memref_slice %arg9[%add3A_271, %dma_start3A_277] : memref<158x128xi32, #tpu.memory_space<vmem>> -> memref<1x128xi32, #tpu.memory_space<vmem>>
      %dma_start3A_279 = tpu.memref_squeeze %dma_start3A_278 : memref<1x128xi32, #tpu.memory_space<vmem>> -> memref<128xi32, #tpu.memory_space<vmem>>
      %dma_start3A_280 = arith.constant 0 : i32
      %dma_start3A_281 = arith.constant 0 : i32
      %dma_start3A_282 = tpu.memref_slice %arg13[%dma_start3A_280, %dma_start3A_281] : memref<10368x64xf32, #tpu.memory_space<vmem_shared>> -> memref<10368x64xf32, #tpu.memory_space<vmem_shared>>
      tpu.enqueue_indirect_dma source(%dma_start3A_276 : memref<128x64xf32, #tpu.memory_space<vmem>>) target(%dma_start3A_282 : memref<10368x64xf32, #tpu.memory_space<vmem_shared>>) offsets(%dma_start3A_279 : memref<128xi32, #tpu.memory_space<vmem>>) semaphore(%arg18 : memref<!tpu.dma_semaphore, #tpu.memory_space<semaphore_mem>>) {add = true}
      %dma_wait3A_283 = arith.constant 3 : i32
      %dma_wait3A_284 = arith.constant 0 : i32
      %dma_wait3A_285 = arith.constant 0 : i32
      %dma_wait3A_286 = tpu.memref_slice %arg11[%dma_wait3A_283, %dma_wait3A_284, %dma_wait3A_285] : memref<4x128x64xf32, #tpu.memory_space<vmem>> -> memref<1x128x64xf32, #tpu.memory_space<vmem>>
      %dma_wait3A_287 = tpu.memref_squeeze %dma_wait3A_286 : memref<1x128x64xf32, #tpu.memory_space<vmem>> -> memref<128x64xf32, #tpu.memory_space<vmem>>
      %dma_wait3A_288 = arith.constant 0 : i32
      %dma_wait3A_289 = tpu.memref_slice %arg8[%add3A_258, %dma_wait3A_288] : memref<160x128xi32, #tpu.memory_space<vmem>> -> memref<1x128xi32, #tpu.memory_space<vmem>>
      %dma_wait3A_290 = tpu.memref_squeeze %dma_wait3A_289 : memref<1x128xi32, #tpu.memory_space<vmem>> -> memref<128xi32, #tpu.memory_space<vmem>>
      %dma_wait3A_291 = arith.constant 0 : i32
      %dma_wait3A_292 = arith.constant 0 : i32
      %dma_wait3A_293 = tpu.memref_slice %arg2[%dma_wait3A_291, %dma_wait3A_292] : memref<20480x64xf32, #tpu.memory_space<hbm>> -> memref<20480x64xf32, #tpu.memory_space<hbm>>
      tpu.wait_indirect_dma semaphore(%arg17 : memref<!tpu.dma_semaphore, #tpu.memory_space<semaphore_mem>>) src(%dma_wait3A_293 : memref<20480x64xf32, #tpu.memory_space<hbm>>) dst(%dma_wait3A_287 : memref<128x64xf32, #tpu.memory_space<vmem>>)
      %add3A_294 = arith.constant 3 : i32
      %add3A_295 = arith.addi %mul3A_159, %add3A_294 : i32
      %dma_start3A_296 = arith.constant 3 : i32
      %dma_start3A_297 = arith.constant 0 : i32
      %dma_start3A_298 = arith.constant 0 : i32
      %dma_start3A_299 = tpu.memref_slice %arg11[%dma_start3A_296, %dma_start3A_297, %dma_start3A_298] : memref<4x128x64xf32, #tpu.memory_space<vmem>> -> memref<1x128x64xf32, #tpu.memory_space<vmem>>
      %dma_start3A_300 = tpu.memref_squeeze %dma_start3A_299 : memref<1x128x64xf32, #tpu.memory_space<vmem>> -> memref<128x64xf32, #tpu.memory_space<vmem>>
      %dma_start3A_301 = arith.constant 0 : i32
      %dma_start3A_302 = tpu.memref_slice %arg9[%add3A_295, %dma_start3A_301] : memref<158x128xi32, #tpu.memory_space<vmem>> -> memref<1x128xi32, #tpu.memory_space<vmem>>
      %dma_start3A_303 = tpu.memref_squeeze %dma_start3A_302 : memref<1x128xi32, #tpu.memory_space<vmem>> -> memref<128xi32, #tpu.memory_space<vmem>>
      %dma_start3A_304 = arith.constant 0 : i32
      %dma_start3A_305 = arith.constant 0 : i32
      %dma_start3A_306 = tpu.memref_slice %arg13[%dma_start3A_304, %dma_start3A_305] : memref<10368x64xf32, #tpu.memory_space<vmem_shared>> -> memref<10368x64xf32, #tpu.memory_space<vmem_shared>>
      tpu.enqueue_indirect_dma source(%dma_start3A_300 : memref<128x64xf32, #tpu.memory_space<vmem>>) target(%dma_start3A_306 : memref<10368x64xf32, #tpu.memory_space<vmem_shared>>) offsets(%dma_start3A_303 : memref<128xi32, #tpu.memory_space<vmem>>) semaphore(%arg19 : memref<!tpu.dma_semaphore, #tpu.memory_space<semaphore_mem>>) {add = true}
      %dma_wait3A_307 = arith.constant 2 : i32
      %dma_wait3A_308 = arith.constant 0 : i32
      %dma_wait3A_309 = arith.constant 0 : i32
      %dma_wait3A_310 = tpu.memref_slice %arg11[%dma_wait3A_307, %dma_wait3A_308, %dma_wait3A_309] : memref<4x128x64xf32, #tpu.memory_space<vmem>> -> memref<1x128x64xf32, #tpu.memory_space<vmem>>
      %dma_wait3A_311 = tpu.memref_squeeze %dma_wait3A_310 : memref<1x128x64xf32, #tpu.memory_space<vmem>> -> memref<128x64xf32, #tpu.memory_space<vmem>>
      %dma_wait3A_312 = arith.constant 0 : i32
      %dma_wait3A_313 = tpu.memref_slice %arg9[%add3A_271, %dma_wait3A_312] : memref<158x128xi32, #tpu.memory_space<vmem>> -> memref<1x128xi32, #tpu.memory_space<vmem>>
      %dma_wait3A_314 = tpu.memref_squeeze %dma_wait3A_313 : memref<1x128xi32, #tpu.memory_space<vmem>> -> memref<128xi32, #tpu.memory_space<vmem>>
      %dma_wait3A_315 = arith.constant 0 : i32
      %dma_wait3A_316 = arith.constant 0 : i32
      %dma_wait3A_317 = tpu.memref_slice %arg13[%dma_wait3A_315, %dma_wait3A_316] : memref<10368x64xf32, #tpu.memory_space<vmem_shared>> -> memref<10368x64xf32, #tpu.memory_space<vmem_shared>>
      tpu.wait_indirect_dma semaphore(%arg18 : memref<!tpu.dma_semaphore, #tpu.memory_space<semaphore_mem>>) src(%dma_wait3A_311 : memref<128x64xf32, #tpu.memory_space<vmem>>) dst(%dma_wait3A_317 : memref<10368x64xf32, #tpu.memory_space<vmem_shared>>)
      %dma_wait3A_318 = arith.constant 3 : i32
      %dma_wait3A_319 = arith.constant 0 : i32
      %dma_wait3A_320 = arith.constant 0 : i32
      %dma_wait3A_321 = tpu.memref_slice %arg11[%dma_wait3A_318, %dma_wait3A_319, %dma_wait3A_320] : memref<4x128x64xf32, #tpu.memory_space<vmem>> -> memref<1x128x64xf32, #tpu.memory_space<vmem>>
      %dma_wait3A_322 = tpu.memref_squeeze %dma_wait3A_321 : memref<1x128x64xf32, #tpu.memory_space<vmem>> -> memref<128x64xf32, #tpu.memory_space<vmem>>
      %dma_wait3A_323 = arith.constant 0 : i32
      %dma_wait3A_324 = tpu.memref_slice %arg9[%add3A_295, %dma_wait3A_323] : memref<158x128xi32, #tpu.memory_space<vmem>> -> memref<1x128xi32, #tpu.memory_space<vmem>>
      %dma_wait3A_325 = tpu.memref_squeeze %dma_wait3A_324 : memref<1x128xi32, #tpu.memory_space<vmem>> -> memref<128xi32, #tpu.memory_space<vmem>>
      %dma_wait3A_326 = arith.constant 0 : i32
      %dma_wait3A_327 = arith.constant 0 : i32
      %dma_wait3A_328 = tpu.memref_slice %arg13[%dma_wait3A_326, %dma_wait3A_327] : memref<10368x64xf32, #tpu.memory_space<vmem_shared>> -> memref<10368x64xf32, #tpu.memory_space<vmem_shared>>
      tpu.wait_indirect_dma semaphore(%arg19 : memref<!tpu.dma_semaphore, #tpu.memory_space<semaphore_mem>>) src(%dma_wait3A_322 : memref<128x64xf32, #tpu.memory_space<vmem>>) dst(%dma_wait3A_328 : memref<10368x64xf32, #tpu.memory_space<vmem_shared>>)
      %add3A_329 = arith.constant 6 : i32
      %add3A_330 = arith.addi %mul3A_159, %add3A_329 : i32
      %dma_start3A_331 = arith.constant 2 : i32
      %dma_start3A_332 = arith.constant 0 : i32
      %dma_start3A_333 = arith.constant 0 : i32
      %dma_start3A_334 = tpu.memref_slice %arg11[%dma_start3A_331, %dma_start3A_332, %dma_start3A_333] : memref<4x128x64xf32, #tpu.memory_space<vmem>> -> memref<1x128x64xf32, #tpu.memory_space<vmem>>
      %dma_start3A_335 = tpu.memref_squeeze %dma_start3A_334 : memref<1x128x64xf32, #tpu.memory_space<vmem>> -> memref<128x64xf32, #tpu.memory_space<vmem>>
      %dma_start3A_336 = arith.constant 0 : i32
      %dma_start3A_337 = tpu.memref_slice %arg8[%add3A_330, %dma_start3A_336] : memref<160x128xi32, #tpu.memory_space<vmem>> -> memref<1x128xi32, #tpu.memory_space<vmem>>
      %dma_start3A_338 = tpu.memref_squeeze %dma_start3A_337 : memref<1x128xi32, #tpu.memory_space<vmem>> -> memref<128xi32, #tpu.memory_space<vmem>>
      %dma_start3A_339 = arith.constant 0 : i32
      %dma_start3A_340 = arith.constant 0 : i32
      %dma_start3A_341 = tpu.memref_slice %arg2[%dma_start3A_339, %dma_start3A_340] : memref<20480x64xf32, #tpu.memory_space<hbm>> -> memref<20480x64xf32, #tpu.memory_space<hbm>>
      tpu.enqueue_indirect_dma source(%dma_start3A_341 : memref<20480x64xf32, #tpu.memory_space<hbm>>) target(%dma_start3A_335 : memref<128x64xf32, #tpu.memory_space<vmem>>) offsets(%dma_start3A_338 : memref<128xi32, #tpu.memory_space<vmem>>) semaphore(%arg16 : memref<!tpu.dma_semaphore, #tpu.memory_space<semaphore_mem>>)
      %add3A_342 = arith.constant 7 : i32
      %add3A_343 = arith.addi %mul3A_159, %add3A_342 : i32
      %dma_start3A_344 = arith.constant 3 : i32
      %dma_start3A_345 = arith.constant 0 : i32
      %dma_start3A_346 = arith.constant 0 : i32
      %dma_start3A_347 = tpu.memref_slice %arg11[%dma_start3A_344, %dma_start3A_345, %dma_start3A_346] : memref<4x128x64xf32, #tpu.memory_space<vmem>> -> memref<1x128x64xf32, #tpu.memory_space<vmem>>
      %dma_start3A_348 = tpu.memref_squeeze %dma_start3A_347 : memref<1x128x64xf32, #tpu.memory_space<vmem>> -> memref<128x64xf32, #tpu.memory_space<vmem>>
      %dma_start3A_349 = arith.constant 0 : i32
      %dma_start3A_350 = tpu.memref_slice %arg8[%add3A_343, %dma_start3A_349] : memref<160x128xi32, #tpu.memory_space<vmem>> -> memref<1x128xi32, #tpu.memory_space<vmem>>
      %dma_start3A_351 = tpu.memref_squeeze %dma_start3A_350 : memref<1x128xi32, #tpu.memory_space<vmem>> -> memref<128xi32, #tpu.memory_space<vmem>>
      %dma_start3A_352 = arith.constant 0 : i32
      %dma_start3A_353 = arith.constant 0 : i32
      %dma_start3A_354 = tpu.memref_slice %arg2[%dma_start3A_352, %dma_start3A_353] : memref<20480x64xf32, #tpu.memory_space<hbm>> -> memref<20480x64xf32, #tpu.memory_space<hbm>>
      tpu.enqueue_indirect_dma source(%dma_start3A_354 : memref<20480x64xf32, #tpu.memory_space<hbm>>) target(%dma_start3A_348 : memref<128x64xf32, #tpu.memory_space<vmem>>) offsets(%dma_start3A_351 : memref<128xi32, #tpu.memory_space<vmem>>) semaphore(%arg17 : memref<!tpu.dma_semaphore, #tpu.memory_space<semaphore_mem>>)
    }
    %scan3A_54 = arith.constant 39 : i32
    %dma_wait3A = arith.constant 156 : i32
    %dma_wait3A_55 = arith.constant 0 : i32
    %dma_wait3A_56 = arith.constant 0 : i32
    %dma_wait3A_57 = arith.constant 0 : i32
    %dma_wait3A_58 = tpu.memref_slice %arg11[%dma_wait3A_55, %dma_wait3A_56, %dma_wait3A_57] : memref<4x128x64xf32, #tpu.memory_space<vmem>> -> memref<1x128x64xf32, #tpu.memory_space<vmem>>
    %dma_wait3A_59 = tpu.memref_squeeze %dma_wait3A_58 : memref<1x128x64xf32, #tpu.memory_space<vmem>> -> memref<128x64xf32, #tpu.memory_space<vmem>>
    %dma_wait3A_60 = arith.constant 0 : i32
    %dma_wait3A_61 = tpu.memref_slice %arg8[%dma_wait3A, %dma_wait3A_60] : memref<160x128xi32, #tpu.memory_space<vmem>> -> memref<1x128xi32, #tpu.memory_space<vmem>>
    %dma_wait3A_62 = tpu.memref_squeeze %dma_wait3A_61 : memref<1x128xi32, #tpu.memory_space<vmem>> -> memref<128xi32, #tpu.memory_space<vmem>>
    %dma_wait3A_63 = arith.constant 0 : i32
    %dma_wait3A_64 = arith.constant 0 : i32
    %dma_wait3A_65 = tpu.memref_slice %arg2[%dma_wait3A_63, %dma_wait3A_64] : memref<20480x64xf32, #tpu.memory_space<hbm>> -> memref<20480x64xf32, #tpu.memory_space<hbm>>
    tpu.wait_indirect_dma semaphore(%arg14 : memref<!tpu.dma_semaphore, #tpu.memory_space<semaphore_mem>>) src(%dma_wait3A_65 : memref<20480x64xf32, #tpu.memory_space<hbm>>) dst(%dma_wait3A_59 : memref<128x64xf32, #tpu.memory_space<vmem>>)
    %dma_start3A_66 = arith.constant 0 : i32
    %dma_start3A_67 = arith.constant 156 : i32
    %dma_start3A_68 = arith.constant 0 : i32
    %dma_start3A_69 = arith.constant 0 : i32
    %dma_start3A_70 = tpu.memref_slice %arg11[%dma_start3A_66, %dma_start3A_68, %dma_start3A_69] : memref<4x128x64xf32, #tpu.memory_space<vmem>> -> memref<1x128x64xf32, #tpu.memory_space<vmem>>
    %dma_start3A_71 = tpu.memref_squeeze %dma_start3A_70 : memref<1x128x64xf32, #tpu.memory_space<vmem>> -> memref<128x64xf32, #tpu.memory_space<vmem>>
    %dma_start3A_72 = arith.constant 0 : i32
    %dma_start3A_73 = tpu.memref_slice %arg9[%dma_start3A_67, %dma_start3A_72] : memref<158x128xi32, #tpu.memory_space<vmem>> -> memref<1x128xi32, #tpu.memory_space<vmem>>
    %dma_start3A_74 = tpu.memref_squeeze %dma_start3A_73 : memref<1x128xi32, #tpu.memory_space<vmem>> -> memref<128xi32, #tpu.memory_space<vmem>>
    %dma_start3A_75 = arith.constant 0 : i32
    %dma_start3A_76 = arith.constant 0 : i32
    %dma_start3A_77 = tpu.memref_slice %arg13[%dma_start3A_75, %dma_start3A_76] : memref<10368x64xf32, #tpu.memory_space<vmem_shared>> -> memref<10368x64xf32, #tpu.memory_space<vmem_shared>>
    tpu.enqueue_indirect_dma source(%dma_start3A_71 : memref<128x64xf32, #tpu.memory_space<vmem>>) target(%dma_start3A_77 : memref<10368x64xf32, #tpu.memory_space<vmem_shared>>) offsets(%dma_start3A_74 : memref<128xi32, #tpu.memory_space<vmem>>) semaphore(%arg18 : memref<!tpu.dma_semaphore, #tpu.memory_space<semaphore_mem>>) {add = true}
    %dma_wait3A_78 = arith.constant 0 : i32
    %dma_wait3A_79 = arith.constant 156 : i32
    %dma_wait3A_80 = arith.constant 0 : i32
    %dma_wait3A_81 = arith.constant 0 : i32
    %dma_wait3A_82 = tpu.memref_slice %arg11[%dma_wait3A_78, %dma_wait3A_80, %dma_wait3A_81] : memref<4x128x64xf32, #tpu.memory_space<vmem>> -> memref<1x128x64xf32, #tpu.memory_space<vmem>>
    %dma_wait3A_83 = tpu.memref_squeeze %dma_wait3A_82 : memref<1x128x64xf32, #tpu.memory_space<vmem>> -> memref<128x64xf32, #tpu.memory_space<vmem>>
    %dma_wait3A_84 = arith.constant 0 : i32
    %dma_wait3A_85 = tpu.memref_slice %arg9[%dma_wait3A_79, %dma_wait3A_84] : memref<158x128xi32, #tpu.memory_space<vmem>> -> memref<1x128xi32, #tpu.memory_space<vmem>>
    %dma_wait3A_86 = tpu.memref_squeeze %dma_wait3A_85 : memref<1x128xi32, #tpu.memory_space<vmem>> -> memref<128xi32, #tpu.memory_space<vmem>>
    %dma_wait3A_87 = arith.constant 0 : i32
    %dma_wait3A_88 = arith.constant 0 : i32
    %dma_wait3A_89 = tpu.memref_slice %arg13[%dma_wait3A_87, %dma_wait3A_88] : memref<10368x64xf32, #tpu.memory_space<vmem_shared>> -> memref<10368x64xf32, #tpu.memory_space<vmem_shared>>
    tpu.wait_indirect_dma semaphore(%arg18 : memref<!tpu.dma_semaphore, #tpu.memory_space<semaphore_mem>>) src(%dma_wait3A_83 : memref<128x64xf32, #tpu.memory_space<vmem>>) dst(%dma_wait3A_89 : memref<10368x64xf32, #tpu.memory_space<vmem_shared>>)
    %dma_wait3A_90 = arith.constant 157 : i32
    %dma_wait3A_91 = arith.constant 1 : i32
    %dma_wait3A_92 = arith.constant 0 : i32
    %dma_wait3A_93 = arith.constant 0 : i32
    %dma_wait3A_94 = tpu.memref_slice %arg11[%dma_wait3A_91, %dma_wait3A_92, %dma_wait3A_93] : memref<4x128x64xf32, #tpu.memory_space<vmem>> -> memref<1x128x64xf32, #tpu.memory_space<vmem>>
    %dma_wait3A_95 = tpu.memref_squeeze %dma_wait3A_94 : memref<1x128x64xf32, #tpu.memory_space<vmem>> -> memref<128x64xf32, #tpu.memory_space<vmem>>
    %dma_wait3A_96 = arith.constant 0 : i32
    %dma_wait3A_97 = tpu.memref_slice %arg8[%dma_wait3A_90, %dma_wait3A_96] : memref<160x128xi32, #tpu.memory_space<vmem>> -> memref<1x128xi32, #tpu.memory_space<vmem>>
    %dma_wait3A_98 = tpu.memref_squeeze %dma_wait3A_97 : memref<1x128xi32, #tpu.memory_space<vmem>> -> memref<128xi32, #tpu.memory_space<vmem>>
    %dma_wait3A_99 = arith.constant 0 : i32
    %dma_wait3A_100 = arith.constant 0 : i32
    %dma_wait3A_101 = tpu.memref_slice %arg2[%dma_wait3A_99, %dma_wait3A_100] : memref<20480x64xf32, #tpu.memory_space<hbm>> -> memref<20480x64xf32, #tpu.memory_space<hbm>>
    tpu.wait_indirect_dma semaphore(%arg15 : memref<!tpu.dma_semaphore, #tpu.memory_space<semaphore_mem>>) src(%dma_wait3A_101 : memref<20480x64xf32, #tpu.memory_space<hbm>>) dst(%dma_wait3A_95 : memref<128x64xf32, #tpu.memory_space<vmem>>)
    %dma_start3A_102 = arith.constant 1 : i32
    %dma_start3A_103 = arith.constant 157 : i32
    %dma_start3A_104 = arith.constant 0 : i32
    %dma_start3A_105 = arith.constant 0 : i32
    %dma_start3A_106 = tpu.memref_slice %arg11[%dma_start3A_102, %dma_start3A_104, %dma_start3A_105] : memref<4x128x64xf32, #tpu.memory_space<vmem>> -> memref<1x128x64xf32, #tpu.memory_space<vmem>>
    %dma_start3A_107 = tpu.memref_squeeze %dma_start3A_106 : memref<1x128x64xf32, #tpu.memory_space<vmem>> -> memref<128x64xf32, #tpu.memory_space<vmem>>
    %dma_start3A_108 = arith.constant 0 : i32
    %dma_start3A_109 = tpu.memref_slice %arg9[%dma_start3A_103, %dma_start3A_108] : memref<158x128xi32, #tpu.memory_space<vmem>> -> memref<1x128xi32, #tpu.memory_space<vmem>>
    %dma_start3A_110 = tpu.memref_squeeze %dma_start3A_109 : memref<1x128xi32, #tpu.memory_space<vmem>> -> memref<128xi32, #tpu.memory_space<vmem>>
    %dma_start3A_111 = arith.constant 0 : i32
    %dma_start3A_112 = arith.constant 0 : i32
    %dma_start3A_113 = tpu.memref_slice %arg13[%dma_start3A_111, %dma_start3A_112] : memref<10368x64xf32, #tpu.memory_space<vmem_shared>> -> memref<10368x64xf32, #tpu.memory_space<vmem_shared>>
    tpu.enqueue_indirect_dma source(%dma_start3A_107 : memref<128x64xf32, #tpu.memory_space<vmem>>) target(%dma_start3A_113 : memref<10368x64xf32, #tpu.memory_space<vmem_shared>>) offsets(%dma_start3A_110 : memref<128xi32, #tpu.memory_space<vmem>>) semaphore(%arg18 : memref<!tpu.dma_semaphore, #tpu.memory_space<semaphore_mem>>) {add = true}
    %dma_wait3A_114 = arith.constant 1 : i32
    %dma_wait3A_115 = arith.constant 157 : i32
    %dma_wait3A_116 = arith.constant 0 : i32
    %dma_wait3A_117 = arith.constant 0 : i32
    %dma_wait3A_118 = tpu.memref_slice %arg11[%dma_wait3A_114, %dma_wait3A_116, %dma_wait3A_117] : memref<4x128x64xf32, #tpu.memory_space<vmem>> -> memref<1x128x64xf32, #tpu.memory_space<vmem>>
    %dma_wait3A_119 = tpu.memref_squeeze %dma_wait3A_118 : memref<1x128x64xf32, #tpu.memory_space<vmem>> -> memref<128x64xf32, #tpu.memory_space<vmem>>
    %dma_wait3A_120 = arith.constant 0 : i32
    %dma_wait3A_121 = tpu.memref_slice %arg9[%dma_wait3A_115, %dma_wait3A_120] : memref<158x128xi32, #tpu.memory_space<vmem>> -> memref<1x128xi32, #tpu.memory_space<vmem>>
    %dma_wait3A_122 = tpu.memref_squeeze %dma_wait3A_121 : memref<1x128xi32, #tpu.memory_space<vmem>> -> memref<128xi32, #tpu.memory_space<vmem>>
    %dma_wait3A_123 = arith.constant 0 : i32
    %dma_wait3A_124 = arith.constant 0 : i32
    %dma_wait3A_125 = tpu.memref_slice %arg13[%dma_wait3A_123, %dma_wait3A_124] : memref<10368x64xf32, #tpu.memory_space<vmem_shared>> -> memref<10368x64xf32, #tpu.memory_space<vmem_shared>>
    tpu.wait_indirect_dma semaphore(%arg18 : memref<!tpu.dma_semaphore, #tpu.memory_space<semaphore_mem>>) src(%dma_wait3A_119 : memref<128x64xf32, #tpu.memory_space<vmem>>) dst(%dma_wait3A_125 : memref<10368x64xf32, #tpu.memory_space<vmem_shared>>)
    %dma_wait3A_126 = arith.constant 158 : i32
    %dma_wait3A_127 = arith.constant 2 : i32
    %dma_wait3A_128 = arith.constant 0 : i32
    %dma_wait3A_129 = arith.constant 0 : i32
    %dma_wait3A_130 = tpu.memref_slice %arg11[%dma_wait3A_127, %dma_wait3A_128, %dma_wait3A_129] : memref<4x128x64xf32, #tpu.memory_space<vmem>> -> memref<1x128x64xf32, #tpu.memory_space<vmem>>
    %dma_wait3A_131 = tpu.memref_squeeze %dma_wait3A_130 : memref<1x128x64xf32, #tpu.memory_space<vmem>> -> memref<128x64xf32, #tpu.memory_space<vmem>>
    %dma_wait3A_132 = arith.constant 0 : i32
    %dma_wait3A_133 = tpu.memref_slice %arg8[%dma_wait3A_126, %dma_wait3A_132] : memref<160x128xi32, #tpu.memory_space<vmem>> -> memref<1x128xi32, #tpu.memory_space<vmem>>
    %dma_wait3A_134 = tpu.memref_squeeze %dma_wait3A_133 : memref<1x128xi32, #tpu.memory_space<vmem>> -> memref<128xi32, #tpu.memory_space<vmem>>
    %dma_wait3A_135 = arith.constant 0 : i32
    %dma_wait3A_136 = arith.constant 0 : i32
    %dma_wait3A_137 = tpu.memref_slice %arg2[%dma_wait3A_135, %dma_wait3A_136] : memref<20480x64xf32, #tpu.memory_space<hbm>> -> memref<20480x64xf32, #tpu.memory_space<hbm>>
    tpu.wait_indirect_dma semaphore(%arg16 : memref<!tpu.dma_semaphore, #tpu.memory_space<semaphore_mem>>) src(%dma_wait3A_137 : memref<20480x64xf32, #tpu.memory_space<hbm>>) dst(%dma_wait3A_131 : memref<128x64xf32, #tpu.memory_space<vmem>>)
    %dma_wait3A_138 = arith.constant 159 : i32
    %dma_wait3A_139 = arith.constant 3 : i32
    %dma_wait3A_140 = arith.constant 0 : i32
    %dma_wait3A_141 = arith.constant 0 : i32
    %dma_wait3A_142 = tpu.memref_slice %arg11[%dma_wait3A_139, %dma_wait3A_140, %dma_wait3A_141] : memref<4x128x64xf32, #tpu.memory_space<vmem>> -> memref<1x128x64xf32, #tpu.memory_space<vmem>>
    %dma_wait3A_143 = tpu.memref_squeeze %dma_wait3A_142 : memref<1x128x64xf32, #tpu.memory_space<vmem>> -> memref<128x64xf32, #tpu.memory_space<vmem>>
    %dma_wait3A_144 = arith.constant 0 : i32
    %dma_wait3A_145 = tpu.memref_slice %arg8[%dma_wait3A_138, %dma_wait3A_144] : memref<160x128xi32, #tpu.memory_space<vmem>> -> memref<1x128xi32, #tpu.memory_space<vmem>>
    %dma_wait3A_146 = tpu.memref_squeeze %dma_wait3A_145 : memref<1x128xi32, #tpu.memory_space<vmem>> -> memref<128xi32, #tpu.memory_space<vmem>>
    %dma_wait3A_147 = arith.constant 0 : i32
    %dma_wait3A_148 = arith.constant 0 : i32
    %dma_wait3A_149 = tpu.memref_slice %arg2[%dma_wait3A_147, %dma_wait3A_148] : memref<20480x64xf32, #tpu.memory_space<hbm>> -> memref<20480x64xf32, #tpu.memory_space<hbm>>
    tpu.wait_indirect_dma semaphore(%arg17 : memref<!tpu.dma_semaphore, #tpu.memory_space<semaphore_mem>>) src(%dma_wait3A_149 : memref<20480x64xf32, #tpu.memory_space<hbm>>) dst(%dma_wait3A_143 : memref<128x64xf32, #tpu.memory_space<vmem>>)
    %barrier3A_150 = arith.constant 0 : index
    tpu.barrier barrier_id(%barrier3A_150)
    %scan3A_151 = arith.constant 0 : i32
    %scan3A_152 = arith.constant 0 : i32
    %scan3A_153 = arith.constant 5 : i32
    %scan3A_154 = arith.addi %scan3A_152, %scan3A_153 : i32
    %scan3A_155 = arith.constant 1 : i32
    scf.for %scan3A_157 = %scan3A_152 to %scan3A_154 step %scan3A_155  : i32 {
      %mul3A_158 = arith.constant 640 : i32
      %mul3A_159 = arith.muli %arg1, %mul3A_158 : i32
      %mul3A_160 = arith.constant 128 : i32
      %mul3A_161 = arith.muli %scan3A_157, %mul3A_160 : i32
      %add3A = arith.addi %mul3A_159, %mul3A_161 : i32
      "tpu.region"() ({
        %run_scoped3A = tpu.sem_alloc : memref<!tpu.dma_semaphore, #tpu.memory_space<semaphore_mem>>
        %dma_start3A_174 = arith.constant 0 : i32
        %dma_start3A_175 = tpu.memref_slice %arg13[%add3A, %dma_start3A_174] : memref<10368x64xf32, #tpu.memory_space<vmem_shared>> -> memref<128x64xf32, #tpu.memory_space<vmem_shared>>
        %dma_start3A_176 = arith.constant 0 : i32
        %dma_start3A_177 = tpu.memref_slice %arg13[%add3A, %dma_start3A_176] : memref<10368x64xf32, #tpu.memory_space<vmem_shared>> -> memref<128x64xf32, #tpu.memory_space<vmem_shared>>
        tpu.enqueue_dma source(%dma_start3A_177 : memref<128x64xf32, #tpu.memory_space<vmem_shared>>) target(%arg12 : memref<128x64xf32, #tpu.memory_space<vmem>>) target_semaphore(%run_scoped3A : memref<!tpu.dma_semaphore, #tpu.memory_space<semaphore_mem>>)
        %dma_wait3A_178 = arith.constant 0 : i32
        %dma_wait3A_179 = tpu.memref_slice %arg13[%add3A, %dma_wait3A_178] : memref<10368x64xf32, #tpu.memory_space<vmem_shared>> -> memref<128x64xf32, #tpu.memory_space<vmem_shared>>
        %dma_wait3A_180 = arith.constant 0 : i32
        %dma_wait3A_181 = tpu.memref_slice %arg13[%add3A, %dma_wait3A_180] : memref<10368x64xf32, #tpu.memory_space<vmem_shared>> -> memref<128x64xf32, #tpu.memory_space<vmem_shared>>
        tpu.wait_dma2 semaphore(%run_scoped3A : memref<!tpu.dma_semaphore, #tpu.memory_space<semaphore_mem>>) src(%dma_wait3A_181 : memref<128x64xf32, #tpu.memory_space<vmem_shared>>) dst(%arg12 : memref<128x64xf32, #tpu.memory_space<vmem>>)
        tpu.yield
      }) : () -> ()
      %dma_start3A_162 = arith.constant 0 : i32
      %dma_start3A_163 = tpu.memref_slice %arg10[%scan3A_157, %dma_start3A_162] : memref<5x128xi32, #tpu.memory_space<vmem>> -> memref<1x128xi32, #tpu.memory_space<vmem>>
      %dma_start3A_164 = tpu.memref_squeeze %dma_start3A_163 : memref<1x128xi32, #tpu.memory_space<vmem>> -> memref<128xi32, #tpu.memory_space<vmem>>
      %dma_start3A_165 = arith.constant 0 : i32
      %dma_start3A_166 = arith.constant 0 : i32
      %dma_start3A_167 = tpu.memref_slice %arg7[%dma_start3A_165, %dma_start3A_166] : memref<20480x64xf32, #tpu.memory_space<hbm>> -> memref<20480x64xf32, #tpu.memory_space<hbm>>
      tpu.enqueue_indirect_dma source(%arg12 : memref<128x64xf32, #tpu.memory_space<vmem>>) target(%dma_start3A_167 : memref<20480x64xf32, #tpu.memory_space<hbm>>) offsets(%dma_start3A_164 : memref<128xi32, #tpu.memory_space<vmem>>) semaphore(%arg20 : memref<!tpu.dma_semaphore, #tpu.memory_space<semaphore_mem>>)
      %dma_wait3A_168 = arith.constant 0 : i32
      %dma_wait3A_169 = tpu.memref_slice %arg10[%scan3A_157, %dma_wait3A_168] : memref<5x128xi32, #tpu.memory_space<vmem>> -> memref<1x128xi32, #tpu.memory_space<vmem>>
      %dma_wait3A_170 = tpu.memref_squeeze %dma_wait3A_169 : memref<1x128xi32, #tpu.memory_space<vmem>> -> memref<128xi32, #tpu.memory_space<vmem>>
      %dma_wait3A_171 = arith.constant 0 : i32
      %dma_wait3A_172 = arith.constant 0 : i32
      %dma_wait3A_173 = tpu.memref_slice %arg7[%dma_wait3A_171, %dma_wait3A_172] : memref<20480x64xf32, #tpu.memory_space<hbm>> -> memref<20480x64xf32, #tpu.memory_space<hbm>>
      tpu.wait_indirect_dma semaphore(%arg20 : memref<!tpu.dma_semaphore, #tpu.memory_space<semaphore_mem>>) src(%arg12 : memref<128x64xf32, #tpu.memory_space<vmem>>) dst(%dma_wait3A_173 : memref<20480x64xf32, #tpu.memory_space<hbm>>)
    }
    %scan3A_156 = arith.constant 5 : i32
    return
  }
}

#map = affine_map<(d0, d1) -> (0, 0)>
#map1 = affine_map<(d0, d1) -> (0, 0, 0, 0)>
#map2 = affine_map<(d0, d1) -> (0, 0, 0)>
module attributes {stable_mosaic.version = 14 : i64} {
  func.func @_seg_sum_sc(%arg0: i32, %arg1: i32, %arg2: memref<20480x64xf32, #tpu.memory_space<hbm>>, %arg3: memref<2x16x158x128xi32, #tpu.memory_space<hbm>>, %arg4: memref<16x158x128xi32, #tpu.memory_space<hbm>>, %arg5: memref<2x16x5x128xi32, #tpu.memory_space<hbm>>, %arg6: memref<10368x64xf32, #tpu.memory_space<hbm>>, %arg7: memref<20480x64xf32, #tpu.memory_space<hbm>>, %arg8: memref<160x128xi32, #tpu.memory_space<vmem>>, %arg9: memref<158x128xi32, #tpu.memory_space<vmem>>, %arg10: memref<5x128xi32, #tpu.memory_space<vmem>>, %arg11: memref<4x128x64xf32, #tpu.memory_space<vmem>>, %arg12: memref<128x64xf32, #tpu.memory_space<vmem>>, %arg13: memref<10368x64xf32, #tpu.memory_space<vmem_shared>>, %arg14: memref<!tpu.dma_semaphore, #tpu.memory_space<semaphore_mem>>, %arg15: memref<!tpu.dma_semaphore, #tpu.memory_space<semaphore_mem>>, %arg16: memref<!tpu.dma_semaphore, #tpu.memory_space<semaphore_mem>>, %arg17: memref<!tpu.dma_semaphore, #tpu.memory_space<semaphore_mem>>, %arg18: memref<!tpu.dma_semaphore, #tpu.memory_space<semaphore_mem>>, %arg19: memref<!tpu.dma_semaphore, #tpu.memory_space<semaphore_mem>>, %arg20: memref<!tpu.dma_semaphore, #tpu.memory_space<semaphore_mem>>) attributes {dimension_semantics = [#tpu.dimension_semantics<core_parallel>, #tpu.dimension_semantics<subcore_parallel>], iteration_bounds = array<i64: 2, 16>, scalar_prefetch = 0 : i64, scratch_operands = 13 : i64, tpu.core_type = #tpu.core_type<sc_vector_subcore>, window_params = [{transform_indices = #map}, {transform_indices = #map1}, {transform_indices = #map2}, {transform_indices = #map1}, {transform_indices = #map}, {transform_indices = #map}]} {
    %mul3A = arith.constant 648 : i32
    %mul3A_0 = arith.muli %arg1, %mul3A : i32
    %mul3A_1 = arith.constant 648 : i32
    %mul3A_2 = arith.muli %arg1, %mul3A_1 : i32
    "tpu.region"() ({
      %run_scoped3A = tpu.sem_alloc : memref<!tpu.dma_semaphore, #tpu.memory_space<semaphore_mem>>
      %dma_start3A_157 = arith.constant 0 : i32
      %dma_start3A_158 = tpu.memref_slice %arg13[%mul3A_2, %dma_start3A_157] : memref<10368x64xf32, #tpu.memory_space<vmem_shared>> -> memref<648x64xf32, #tpu.memory_space<vmem_shared>>
      %dma_start3A_159 = arith.constant 0 : i32
      %dma_start3A_160 = tpu.memref_slice %arg6[%mul3A_0, %dma_start3A_159] : memref<10368x64xf32, #tpu.memory_space<hbm>> -> memref<648x64xf32, #tpu.memory_space<hbm>>
      tpu.enqueue_dma source(%dma_start3A_160 : memref<648x64xf32, #tpu.memory_space<hbm>>) target(%dma_start3A_158 : memref<648x64xf32, #tpu.memory_space<vmem_shared>>) target_semaphore(%run_scoped3A : memref<!tpu.dma_semaphore, #tpu.memory_space<semaphore_mem>>)
      %dma_wait3A_161 = arith.constant 0 : i32
      %dma_wait3A_162 = tpu.memref_slice %arg13[%mul3A_2, %dma_wait3A_161] : memref<10368x64xf32, #tpu.memory_space<vmem_shared>> -> memref<648x64xf32, #tpu.memory_space<vmem_shared>>
      %dma_wait3A_163 = arith.constant 0 : i32
      %dma_wait3A_164 = tpu.memref_slice %arg6[%mul3A_0, %dma_wait3A_163] : memref<10368x64xf32, #tpu.memory_space<hbm>> -> memref<648x64xf32, #tpu.memory_space<hbm>>
      tpu.wait_dma2 semaphore(%run_scoped3A : memref<!tpu.dma_semaphore, #tpu.memory_space<semaphore_mem>>) src(%dma_wait3A_164 : memref<648x64xf32, #tpu.memory_space<hbm>>) dst(%dma_wait3A_162 : memref<648x64xf32, #tpu.memory_space<vmem_shared>>)
      tpu.yield
    }) : () -> ()
    "tpu.region"() ({
      %run_scoped3A = tpu.sem_alloc : memref<!tpu.dma_semaphore, #tpu.memory_space<semaphore_mem>>
      %dma_start3A_157 = arith.constant 0 : i32
      %dma_start3A_158 = arith.constant 0 : i32
      %dma_start3A_159 = tpu.memref_slice %arg8[%dma_start3A_157, %dma_start3A_158] : memref<160x128xi32, #tpu.memory_space<vmem>> -> memref<158x128xi32, #tpu.memory_space<vmem>>
      %dma_start3A_160 = arith.constant 0 : i32
      %dma_start3A_161 = arith.constant 0 : i32
      %dma_start3A_162 = arith.constant 0 : i32
      %dma_start3A_163 = tpu.memref_slice %arg3[%arg0, %dma_start3A_160, %dma_start3A_161, %dma_start3A_162] : memref<2x16x158x128xi32, #tpu.memory_space<hbm>> -> memref<1x16x158x128xi32, #tpu.memory_space<hbm>>
      %dma_start3A_164 = tpu.memref_squeeze %dma_start3A_163 : memref<1x16x158x128xi32, #tpu.memory_space<hbm>> -> memref<16x158x128xi32, #tpu.memory_space<hbm>>
      %dma_start3A_165 = arith.constant 0 : i32
      %dma_start3A_166 = arith.constant 0 : i32
      %dma_start3A_167 = tpu.memref_slice %dma_start3A_164[%arg1, %dma_start3A_165, %dma_start3A_166] : memref<16x158x128xi32, #tpu.memory_space<hbm>> -> memref<1x158x128xi32, #tpu.memory_space<hbm>>
      %dma_start3A_168 = tpu.memref_squeeze %dma_start3A_167 : memref<1x158x128xi32, #tpu.memory_space<hbm>> -> memref<158x128xi32, #tpu.memory_space<hbm>>
      %dma_start3A_169 = arith.constant 0 : i32
      %dma_start3A_170 = arith.constant 0 : i32
      %dma_start3A_171 = tpu.memref_slice %arg8[%dma_start3A_169, %dma_start3A_170] : memref<160x128xi32, #tpu.memory_space<vmem>> -> memref<158x128xi32, #tpu.memory_space<vmem>>
      %dma_start3A_172 = arith.constant 0 : i32
      %dma_start3A_173 = arith.constant 0 : i32
      %dma_start3A_174 = arith.constant 0 : i32
      %dma_start3A_175 = tpu.memref_slice %arg3[%arg0, %dma_start3A_172, %dma_start3A_173, %dma_start3A_174] : memref<2x16x158x128xi32, #tpu.memory_space<hbm>> -> memref<1x16x158x128xi32, #tpu.memory_space<hbm>>
      %dma_start3A_176 = tpu.memref_squeeze %dma_start3A_175 : memref<1x16x158x128xi32, #tpu.memory_space<hbm>> -> memref<16x158x128xi32, #tpu.memory_space<hbm>>
      %dma_start3A_177 = arith.constant 0 : i32
      %dma_start3A_178 = arith.constant 0 : i32
      %dma_start3A_179 = tpu.memref_slice %dma_start3A_176[%arg1, %dma_start3A_177, %dma_start3A_178] : memref<16x158x128xi32, #tpu.memory_space<hbm>> -> memref<1x158x128xi32, #tpu.memory_space<hbm>>
      %dma_start3A_180 = tpu.memref_squeeze %dma_start3A_179 : memref<1x158x128xi32, #tpu.memory_space<hbm>> -> memref<158x128xi32, #tpu.memory_space<hbm>>
      tpu.enqueue_dma source(%dma_start3A_180 : memref<158x128xi32, #tpu.memory_space<hbm>>) target(%dma_start3A_171 : memref<158x128xi32, #tpu.memory_space<vmem>>) target_semaphore(%run_scoped3A : memref<!tpu.dma_semaphore, #tpu.memory_space<semaphore_mem>>)
      %dma_wait3A_181 = arith.constant 0 : i32
      %dma_wait3A_182 = arith.constant 0 : i32
      %dma_wait3A_183 = tpu.memref_slice %arg8[%dma_wait3A_181, %dma_wait3A_182] : memref<160x128xi32, #tpu.memory_space<vmem>> -> memref<158x128xi32, #tpu.memory_space<vmem>>
      %dma_wait3A_184 = arith.constant 0 : i32
      %dma_wait3A_185 = arith.constant 0 : i32
      %dma_wait3A_186 = arith.constant 0 : i32
      %dma_wait3A_187 = tpu.memref_slice %arg3[%arg0, %dma_wait3A_184, %dma_wait3A_185, %dma_wait3A_186] : memref<2x16x158x128xi32, #tpu.memory_space<hbm>> -> memref<1x16x158x128xi32, #tpu.memory_space<hbm>>
      %dma_wait3A_188 = tpu.memref_squeeze %dma_wait3A_187 : memref<1x16x158x128xi32, #tpu.memory_space<hbm>> -> memref<16x158x128xi32, #tpu.memory_space<hbm>>
      %dma_wait3A_189 = arith.constant 0 : i32
      %dma_wait3A_190 = arith.constant 0 : i32
      %dma_wait3A_191 = tpu.memref_slice %dma_wait3A_188[%arg1, %dma_wait3A_189, %dma_wait3A_190] : memref<16x158x128xi32, #tpu.memory_space<hbm>> -> memref<1x158x128xi32, #tpu.memory_space<hbm>>
      %dma_wait3A_192 = tpu.memref_squeeze %dma_wait3A_191 : memref<1x158x128xi32, #tpu.memory_space<hbm>> -> memref<158x128xi32, #tpu.memory_space<hbm>>
      %dma_wait3A_193 = arith.constant 0 : i32
      %dma_wait3A_194 = arith.constant 0 : i32
      %dma_wait3A_195 = tpu.memref_slice %arg8[%dma_wait3A_193, %dma_wait3A_194] : memref<160x128xi32, #tpu.memory_space<vmem>> -> memref<158x128xi32, #tpu.memory_space<vmem>>
      %dma_wait3A_196 = arith.constant 0 : i32
      %dma_wait3A_197 = arith.constant 0 : i32
      %dma_wait3A_198 = arith.constant 0 : i32
      %dma_wait3A_199 = tpu.memref_slice %arg3[%arg0, %dma_wait3A_196, %dma_wait3A_197, %dma_wait3A_198] : memref<2x16x158x128xi32, #tpu.memory_space<hbm>> -> memref<1x16x158x128xi32, #tpu.memory_space<hbm>>
      %dma_wait3A_200 = tpu.memref_squeeze %dma_wait3A_199 : memref<1x16x158x128xi32, #tpu.memory_space<hbm>> -> memref<16x158x128xi32, #tpu.memory_space<hbm>>
      %dma_wait3A_201 = arith.constant 0 : i32
      %dma_wait3A_202 = arith.constant 0 : i32
      %dma_wait3A_203 = tpu.memref_slice %dma_wait3A_200[%arg1, %dma_wait3A_201, %dma_wait3A_202] : memref<16x158x128xi32, #tpu.memory_space<hbm>> -> memref<1x158x128xi32, #tpu.memory_space<hbm>>
      %dma_wait3A_204 = tpu.memref_squeeze %dma_wait3A_203 : memref<1x158x128xi32, #tpu.memory_space<hbm>> -> memref<158x128xi32, #tpu.memory_space<hbm>>
      tpu.wait_dma2 semaphore(%run_scoped3A : memref<!tpu.dma_semaphore, #tpu.memory_space<semaphore_mem>>) src(%dma_wait3A_204 : memref<158x128xi32, #tpu.memory_space<hbm>>) dst(%dma_wait3A_195 : memref<158x128xi32, #tpu.memory_space<vmem>>)
      tpu.yield
    }) : () -> ()
    "tpu.region"() ({
      %run_scoped3A = tpu.sem_alloc : memref<!tpu.dma_semaphore, #tpu.memory_space<semaphore_mem>>
      %dma_start3A_157 = arith.constant 158 : i32
      %dma_start3A_158 = arith.constant 0 : i32
      %dma_start3A_159 = tpu.memref_slice %arg8[%dma_start3A_157, %dma_start3A_158] : memref<160x128xi32, #tpu.memory_space<vmem>> -> memref<2x128xi32, #tpu.memory_space<vmem>>
      %dma_start3A_160 = arith.constant 0 : i32
      %dma_start3A_161 = arith.constant 0 : i32
      %dma_start3A_162 = arith.constant 0 : i32
      %dma_start3A_163 = tpu.memref_slice %arg3[%arg0, %dma_start3A_160, %dma_start3A_161, %dma_start3A_162] : memref<2x16x158x128xi32, #tpu.memory_space<hbm>> -> memref<1x16x158x128xi32, #tpu.memory_space<hbm>>
      %dma_start3A_164 = tpu.memref_squeeze %dma_start3A_163 : memref<1x16x158x128xi32, #tpu.memory_space<hbm>> -> memref<16x158x128xi32, #tpu.memory_space<hbm>>
      %dma_start3A_165 = arith.constant 0 : i32
      %dma_start3A_166 = arith.constant 0 : i32
      %dma_start3A_167 = tpu.memref_slice %dma_start3A_164[%arg1, %dma_start3A_165, %dma_start3A_166] : memref<16x158x128xi32, #tpu.memory_space<hbm>> -> memref<1x158x128xi32, #tpu.memory_space<hbm>>
      %dma_start3A_168 = tpu.memref_squeeze %dma_start3A_167 : memref<1x158x128xi32, #tpu.memory_space<hbm>> -> memref<158x128xi32, #tpu.memory_space<hbm>>
      %dma_start3A_169 = arith.constant 0 : i32
      %dma_start3A_170 = arith.constant 0 : i32
      %dma_start3A_171 = tpu.memref_slice %dma_start3A_168[%dma_start3A_169, %dma_start3A_170] : memref<158x128xi32, #tpu.memory_space<hbm>> -> memref<2x128xi32, #tpu.memory_space<hbm>>
      %dma_start3A_172 = arith.constant 158 : i32
      %dma_start3A_173 = arith.constant 0 : i32
      %dma_start3A_174 = tpu.memref_slice %arg8[%dma_start3A_172, %dma_start3A_173] : memref<160x128xi32, #tpu.memory_space<vmem>> -> memref<2x128xi32, #tpu.memory_space<vmem>>
      %dma_start3A_175 = arith.constant 0 : i32
      %dma_start3A_176 = arith.constant 0 : i32
      %dma_start3A_177 = arith.constant 0 : i32
      %dma_start3A_178 = tpu.memref_slice %arg3[%arg0, %dma_start3A_175, %dma_start3A_176, %dma_start3A_177] : memref<2x16x158x128xi32, #tpu.memory_space<hbm>> -> memref<1x16x158x128xi32, #tpu.memory_space<hbm>>
      %dma_start3A_179 = tpu.memref_squeeze %dma_start3A_178 : memref<1x16x158x128xi32, #tpu.memory_space<hbm>> -> memref<16x158x128xi32, #tpu.memory_space<hbm>>
      %dma_start3A_180 = arith.constant 0 : i32
      %dma_start3A_181 = arith.constant 0 : i32
      %dma_start3A_182 = tpu.memref_slice %dma_start3A_179[%arg1, %dma_start3A_180, %dma_start3A_181] : memref<16x158x128xi32, #tpu.memory_space<hbm>> -> memref<1x158x128xi32, #tpu.memory_space<hbm>>
      %dma_start3A_183 = tpu.memref_squeeze %dma_start3A_182 : memref<1x158x128xi32, #tpu.memory_space<hbm>> -> memref<158x128xi32, #tpu.memory_space<hbm>>
      %dma_start3A_184 = arith.constant 0 : i32
      %dma_start3A_185 = arith.constant 0 : i32
      %dma_start3A_186 = tpu.memref_slice %dma_start3A_183[%dma_start3A_184, %dma_start3A_185] : memref<158x128xi32, #tpu.memory_space<hbm>> -> memref<2x128xi32, #tpu.memory_space<hbm>>
      tpu.enqueue_dma source(%dma_start3A_186 : memref<2x128xi32, #tpu.memory_space<hbm>>) target(%dma_start3A_174 : memref<2x128xi32, #tpu.memory_space<vmem>>) target_semaphore(%run_scoped3A : memref<!tpu.dma_semaphore, #tpu.memory_space<semaphore_mem>>)
      %dma_wait3A_187 = arith.constant 158 : i32
      %dma_wait3A_188 = arith.constant 0 : i32
      %dma_wait3A_189 = tpu.memref_slice %arg8[%dma_wait3A_187, %dma_wait3A_188] : memref<160x128xi32, #tpu.memory_space<vmem>> -> memref<2x128xi32, #tpu.memory_space<vmem>>
      %dma_wait3A_190 = arith.constant 0 : i32
      %dma_wait3A_191 = arith.constant 0 : i32
      %dma_wait3A_192 = arith.constant 0 : i32
      %dma_wait3A_193 = tpu.memref_slice %arg3[%arg0, %dma_wait3A_190, %dma_wait3A_191, %dma_wait3A_192] : memref<2x16x158x128xi32, #tpu.memory_space<hbm>> -> memref<1x16x158x128xi32, #tpu.memory_space<hbm>>
      %dma_wait3A_194 = tpu.memref_squeeze %dma_wait3A_193 : memref<1x16x158x128xi32, #tpu.memory_space<hbm>> -> memref<16x158x128xi32, #tpu.memory_space<hbm>>
      %dma_wait3A_195 = arith.constant 0 : i32
      %dma_wait3A_196 = arith.constant 0 : i32
      %dma_wait3A_197 = tpu.memref_slice %dma_wait3A_194[%arg1, %dma_wait3A_195, %dma_wait3A_196] : memref<16x158x128xi32, #tpu.memory_space<hbm>> -> memref<1x158x128xi32, #tpu.memory_space<hbm>>
      %dma_wait3A_198 = tpu.memref_squeeze %dma_wait3A_197 : memref<1x158x128xi32, #tpu.memory_space<hbm>> -> memref<158x128xi32, #tpu.memory_space<hbm>>
      %dma_wait3A_199 = arith.constant 0 : i32
      %dma_wait3A_200 = arith.constant 0 : i32
      %dma_wait3A_201 = tpu.memref_slice %dma_wait3A_198[%dma_wait3A_199, %dma_wait3A_200] : memref<158x128xi32, #tpu.memory_space<hbm>> -> memref<2x128xi32, #tpu.memory_space<hbm>>
      %dma_wait3A_202 = arith.constant 158 : i32
      %dma_wait3A_203 = arith.constant 0 : i32
      %dma_wait3A_204 = tpu.memref_slice %arg8[%dma_wait3A_202, %dma_wait3A_203] : memref<160x128xi32, #tpu.memory_space<vmem>> -> memref<2x128xi32, #tpu.memory_space<vmem>>
      %dma_wait3A_205 = arith.constant 0 : i32
      %dma_wait3A_206 = arith.constant 0 : i32
      %dma_wait3A_207 = arith.constant 0 : i32
      %dma_wait3A_208 = tpu.memref_slice %arg3[%arg0, %dma_wait3A_205, %dma_wait3A_206, %dma_wait3A_207] : memref<2x16x158x128xi32, #tpu.memory_space<hbm>> -> memref<1x16x158x128xi32, #tpu.memory_space<hbm>>
      %dma_wait3A_209 = tpu.memref_squeeze %dma_wait3A_208 : memref<1x16x158x128xi32, #tpu.memory_space<hbm>> -> memref<16x158x128xi32, #tpu.memory_space<hbm>>
      %dma_wait3A_210 = arith.constant 0 : i32
      %dma_wait3A_211 = arith.constant 0 : i32
      %dma_wait3A_212 = tpu.memref_slice %dma_wait3A_209[%arg1, %dma_wait3A_210, %dma_wait3A_211] : memref<16x158x128xi32, #tpu.memory_space<hbm>> -> memref<1x158x128xi32, #tpu.memory_space<hbm>>
      %dma_wait3A_213 = tpu.memref_squeeze %dma_wait3A_212 : memref<1x158x128xi32, #tpu.memory_space<hbm>> -> memref<158x128xi32, #tpu.memory_space<hbm>>
      %dma_wait3A_214 = arith.constant 0 : i32
      %dma_wait3A_215 = arith.constant 0 : i32
      %dma_wait3A_216 = tpu.memref_slice %dma_wait3A_213[%dma_wait3A_214, %dma_wait3A_215] : memref<158x128xi32, #tpu.memory_space<hbm>> -> memref<2x128xi32, #tpu.memory_space<hbm>>
      tpu.wait_dma2 semaphore(%run_scoped3A : memref<!tpu.dma_semaphore, #tpu.memory_space<semaphore_mem>>) src(%dma_wait3A_216 : memref<2x128xi32, #tpu.memory_space<hbm>>) dst(%dma_wait3A_204 : memref<2x128xi32, #tpu.memory_space<vmem>>)
      tpu.yield
    }) : () -> ()
    "tpu.region"() ({
      %run_scoped3A = tpu.sem_alloc : memref<!tpu.dma_semaphore, #tpu.memory_space<semaphore_mem>>
      %dma_start3A_157 = arith.constant 0 : i32
      %dma_start3A_158 = arith.constant 0 : i32
      %dma_start3A_159 = tpu.memref_slice %arg4[%arg1, %dma_start3A_157, %dma_start3A_158] : memref<16x158x128xi32, #tpu.memory_space<hbm>> -> memref<1x158x128xi32, #tpu.memory_space<hbm>>
      %dma_start3A_160 = tpu.memref_squeeze %dma_start3A_159 : memref<1x158x128xi32, #tpu.memory_space<hbm>> -> memref<158x128xi32, #tpu.memory_space<hbm>>
      %dma_start3A_161 = arith.constant 0 : i32
      %dma_start3A_162 = arith.constant 0 : i32
      %dma_start3A_163 = tpu.memref_slice %arg4[%arg1, %dma_start3A_161, %dma_start3A_162] : memref<16x158x128xi32, #tpu.memory_space<hbm>> -> memref<1x158x128xi32, #tpu.memory_space<hbm>>
      %dma_start3A_164 = tpu.memref_squeeze %dma_start3A_163 : memref<1x158x128xi32, #tpu.memory_space<hbm>> -> memref<158x128xi32, #tpu.memory_space<hbm>>
      tpu.enqueue_dma source(%dma_start3A_164 : memref<158x128xi32, #tpu.memory_space<hbm>>) target(%arg9 : memref<158x128xi32, #tpu.memory_space<vmem>>) target_semaphore(%run_scoped3A : memref<!tpu.dma_semaphore, #tpu.memory_space<semaphore_mem>>)
      %dma_wait3A_165 = arith.constant 0 : i32
      %dma_wait3A_166 = arith.constant 0 : i32
      %dma_wait3A_167 = tpu.memref_slice %arg4[%arg1, %dma_wait3A_165, %dma_wait3A_166] : memref<16x158x128xi32, #tpu.memory_space<hbm>> -> memref<1x158x128xi32, #tpu.memory_space<hbm>>
      %dma_wait3A_168 = tpu.memref_squeeze %dma_wait3A_167 : memref<1x158x128xi32, #tpu.memory_space<hbm>> -> memref<158x128xi32, #tpu.memory_space<hbm>>
      %dma_wait3A_169 = arith.constant 0 : i32
      %dma_wait3A_170 = arith.constant 0 : i32
      %dma_wait3A_171 = tpu.memref_slice %arg4[%arg1, %dma_wait3A_169, %dma_wait3A_170] : memref<16x158x128xi32, #tpu.memory_space<hbm>> -> memref<1x158x128xi32, #tpu.memory_space<hbm>>
      %dma_wait3A_172 = tpu.memref_squeeze %dma_wait3A_171 : memref<1x158x128xi32, #tpu.memory_space<hbm>> -> memref<158x128xi32, #tpu.memory_space<hbm>>
      tpu.wait_dma2 semaphore(%run_scoped3A : memref<!tpu.dma_semaphore, #tpu.memory_space<semaphore_mem>>) src(%dma_wait3A_172 : memref<158x128xi32, #tpu.memory_space<hbm>>) dst(%arg9 : memref<158x128xi32, #tpu.memory_space<vmem>>)
      tpu.yield
    }) : () -> ()
    "tpu.region"() ({
      %run_scoped3A = tpu.sem_alloc : memref<!tpu.dma_semaphore, #tpu.memory_space<semaphore_mem>>
      %dma_start3A_157 = arith.constant 0 : i32
      %dma_start3A_158 = arith.constant 0 : i32
      %dma_start3A_159 = arith.constant 0 : i32
      %dma_start3A_160 = tpu.memref_slice %arg5[%arg0, %dma_start3A_157, %dma_start3A_158, %dma_start3A_159] : memref<2x16x5x128xi32, #tpu.memory_space<hbm>> -> memref<1x16x5x128xi32, #tpu.memory_space<hbm>>
      %dma_start3A_161 = tpu.memref_squeeze %dma_start3A_160 : memref<1x16x5x128xi32, #tpu.memory_space<hbm>> -> memref<16x5x128xi32, #tpu.memory_space<hbm>>
      %dma_start3A_162 = arith.constant 0 : i32
      %dma_start3A_163 = arith.constant 0 : i32
      %dma_start3A_164 = tpu.memref_slice %dma_start3A_161[%arg1, %dma_start3A_162, %dma_start3A_163] : memref<16x5x128xi32, #tpu.memory_space<hbm>> -> memref<1x5x128xi32, #tpu.memory_space<hbm>>
      %dma_start3A_165 = tpu.memref_squeeze %dma_start3A_164 : memref<1x5x128xi32, #tpu.memory_space<hbm>> -> memref<5x128xi32, #tpu.memory_space<hbm>>
      %dma_start3A_166 = arith.constant 0 : i32
      %dma_start3A_167 = arith.constant 0 : i32
      %dma_start3A_168 = arith.constant 0 : i32
      %dma_start3A_169 = tpu.memref_slice %arg5[%arg0, %dma_start3A_166, %dma_start3A_167, %dma_start3A_168] : memref<2x16x5x128xi32, #tpu.memory_space<hbm>> -> memref<1x16x5x128xi32, #tpu.memory_space<hbm>>
      %dma_start3A_170 = tpu.memref_squeeze %dma_start3A_169 : memref<1x16x5x128xi32, #tpu.memory_space<hbm>> -> memref<16x5x128xi32, #tpu.memory_space<hbm>>
      %dma_start3A_171 = arith.constant 0 : i32
      %dma_start3A_172 = arith.constant 0 : i32
      %dma_start3A_173 = tpu.memref_slice %dma_start3A_170[%arg1, %dma_start3A_171, %dma_start3A_172] : memref<16x5x128xi32, #tpu.memory_space<hbm>> -> memref<1x5x128xi32, #tpu.memory_space<hbm>>
      %dma_start3A_174 = tpu.memref_squeeze %dma_start3A_173 : memref<1x5x128xi32, #tpu.memory_space<hbm>> -> memref<5x128xi32, #tpu.memory_space<hbm>>
      tpu.enqueue_dma source(%dma_start3A_174 : memref<5x128xi32, #tpu.memory_space<hbm>>) target(%arg10 : memref<5x128xi32, #tpu.memory_space<vmem>>) target_semaphore(%run_scoped3A : memref<!tpu.dma_semaphore, #tpu.memory_space<semaphore_mem>>)
      %dma_wait3A_175 = arith.constant 0 : i32
      %dma_wait3A_176 = arith.constant 0 : i32
      %dma_wait3A_177 = arith.constant 0 : i32
      %dma_wait3A_178 = tpu.memref_slice %arg5[%arg0, %dma_wait3A_175, %dma_wait3A_176, %dma_wait3A_177] : memref<2x16x5x128xi32, #tpu.memory_space<hbm>> -> memref<1x16x5x128xi32, #tpu.memory_space<hbm>>
      %dma_wait3A_179 = tpu.memref_squeeze %dma_wait3A_178 : memref<1x16x5x128xi32, #tpu.memory_space<hbm>> -> memref<16x5x128xi32, #tpu.memory_space<hbm>>
      %dma_wait3A_180 = arith.constant 0 : i32
      %dma_wait3A_181 = arith.constant 0 : i32
      %dma_wait3A_182 = tpu.memref_slice %dma_wait3A_179[%arg1, %dma_wait3A_180, %dma_wait3A_181] : memref<16x5x128xi32, #tpu.memory_space<hbm>> -> memref<1x5x128xi32, #tpu.memory_space<hbm>>
      %dma_wait3A_183 = tpu.memref_squeeze %dma_wait3A_182 : memref<1x5x128xi32, #tpu.memory_space<hbm>> -> memref<5x128xi32, #tpu.memory_space<hbm>>
      %dma_wait3A_184 = arith.constant 0 : i32
      %dma_wait3A_185 = arith.constant 0 : i32
      %dma_wait3A_186 = arith.constant 0 : i32
      %dma_wait3A_187 = tpu.memref_slice %arg5[%arg0, %dma_wait3A_184, %dma_wait3A_185, %dma_wait3A_186] : memref<2x16x5x128xi32, #tpu.memory_space<hbm>> -> memref<1x16x5x128xi32, #tpu.memory_space<hbm>>
      %dma_wait3A_188 = tpu.memref_squeeze %dma_wait3A_187 : memref<1x16x5x128xi32, #tpu.memory_space<hbm>> -> memref<16x5x128xi32, #tpu.memory_space<hbm>>
      %dma_wait3A_189 = arith.constant 0 : i32
      %dma_wait3A_190 = arith.constant 0 : i32
      %dma_wait3A_191 = tpu.memref_slice %dma_wait3A_188[%arg1, %dma_wait3A_189, %dma_wait3A_190] : memref<16x5x128xi32, #tpu.memory_space<hbm>> -> memref<1x5x128xi32, #tpu.memory_space<hbm>>
      %dma_wait3A_192 = tpu.memref_squeeze %dma_wait3A_191 : memref<1x5x128xi32, #tpu.memory_space<hbm>> -> memref<5x128xi32, #tpu.memory_space<hbm>>
      tpu.wait_dma2 semaphore(%run_scoped3A : memref<!tpu.dma_semaphore, #tpu.memory_space<semaphore_mem>>) src(%dma_wait3A_192 : memref<5x128xi32, #tpu.memory_space<hbm>>) dst(%arg10 : memref<5x128xi32, #tpu.memory_space<vmem>>)
      tpu.yield
    }) : () -> ()
    %barrier3A = arith.constant 0 : index
    tpu.barrier barrier_id(%barrier3A)
    %dma_start3A = arith.constant 0 : i32
    %dma_start3A_3 = arith.constant 0 : i32
    %dma_start3A_4 = arith.constant 0 : i32
    %dma_start3A_5 = arith.constant 0 : i32
    %dma_start3A_6 = tpu.memref_slice %arg11[%dma_start3A_3, %dma_start3A_4, %dma_start3A_5] : memref<4x128x64xf32, #tpu.memory_space<vmem>> -> memref<1x128x64xf32, #tpu.memory_space<vmem>>
    %dma_start3A_7 = tpu.memref_squeeze %dma_start3A_6 : memref<1x128x64xf32, #tpu.memory_space<vmem>> -> memref<128x64xf32, #tpu.memory_space<vmem>>
    %dma_start3A_8 = arith.constant 0 : i32
    %dma_start3A_9 = tpu.memref_slice %arg8[%dma_start3A, %dma_start3A_8] : memref<160x128xi32, #tpu.memory_space<vmem>> -> memref<1x128xi32, #tpu.memory_space<vmem>>
    %dma_start3A_10 = tpu.memref_squeeze %dma_start3A_9 : memref<1x128xi32, #tpu.memory_space<vmem>> -> memref<128xi32, #tpu.memory_space<vmem>>
    %dma_start3A_11 = arith.constant 0 : i32
    %dma_start3A_12 = arith.constant 0 : i32
    %dma_start3A_13 = tpu.memref_slice %arg2[%dma_start3A_11, %dma_start3A_12] : memref<20480x64xf32, #tpu.memory_space<hbm>> -> memref<20480x64xf32, #tpu.memory_space<hbm>>
    tpu.enqueue_indirect_dma source(%dma_start3A_13 : memref<20480x64xf32, #tpu.memory_space<hbm>>) target(%dma_start3A_7 : memref<128x64xf32, #tpu.memory_space<vmem>>) offsets(%dma_start3A_10 : memref<128xi32, #tpu.memory_space<vmem>>) semaphore(%arg14 : memref<!tpu.dma_semaphore, #tpu.memory_space<semaphore_mem>>)
    %dma_start3A_14 = arith.constant 1 : i32
    %dma_start3A_15 = arith.constant 1 : i32
    %dma_start3A_16 = arith.constant 0 : i32
    %dma_start3A_17 = arith.constant 0 : i32
    %dma_start3A_18 = tpu.memref_slice %arg11[%dma_start3A_15, %dma_start3A_16, %dma_start3A_17] : memref<4x128x64xf32, #tpu.memory_space<vmem>> -> memref<1x128x64xf32, #tpu.memory_space<vmem>>
    %dma_start3A_19 = tpu.memref_squeeze %dma_start3A_18 : memref<1x128x64xf32, #tpu.memory_space<vmem>> -> memref<128x64xf32, #tpu.memory_space<vmem>>
    %dma_start3A_20 = arith.constant 0 : i32
    %dma_start3A_21 = tpu.memref_slice %arg8[%dma_start3A_14, %dma_start3A_20] : memref<160x128xi32, #tpu.memory_space<vmem>> -> memref<1x128xi32, #tpu.memory_space<vmem>>
    %dma_start3A_22 = tpu.memref_squeeze %dma_start3A_21 : memref<1x128xi32, #tpu.memory_space<vmem>> -> memref<128xi32, #tpu.memory_space<vmem>>
    %dma_start3A_23 = arith.constant 0 : i32
    %dma_start3A_24 = arith.constant 0 : i32
    %dma_start3A_25 = tpu.memref_slice %arg2[%dma_start3A_23, %dma_start3A_24] : memref<20480x64xf32, #tpu.memory_space<hbm>> -> memref<20480x64xf32, #tpu.memory_space<hbm>>
    tpu.enqueue_indirect_dma source(%dma_start3A_25 : memref<20480x64xf32, #tpu.memory_space<hbm>>) target(%dma_start3A_19 : memref<128x64xf32, #tpu.memory_space<vmem>>) offsets(%dma_start3A_22 : memref<128xi32, #tpu.memory_space<vmem>>) semaphore(%arg15 : memref<!tpu.dma_semaphore, #tpu.memory_space<semaphore_mem>>)
    %dma_start3A_26 = arith.constant 2 : i32
    %dma_start3A_27 = arith.constant 2 : i32
    %dma_start3A_28 = arith.constant 0 : i32
    %dma_start3A_29 = arith.constant 0 : i32
    %dma_start3A_30 = tpu.memref_slice %arg11[%dma_start3A_27, %dma_start3A_28, %dma_start3A_29] : memref<4x128x64xf32, #tpu.memory_space<vmem>> -> memref<1x128x64xf32, #tpu.memory_space<vmem>>
    %dma_start3A_31 = tpu.memref_squeeze %dma_start3A_30 : memref<1x128x64xf32, #tpu.memory_space<vmem>> -> memref<128x64xf32, #tpu.memory_space<vmem>>
    %dma_start3A_32 = arith.constant 0 : i32
    %dma_start3A_33 = tpu.memref_slice %arg8[%dma_start3A_26, %dma_start3A_32] : memref<160x128xi32, #tpu.memory_space<vmem>> -> memref<1x128xi32, #tpu.memory_space<vmem>>
    %dma_start3A_34 = tpu.memref_squeeze %dma_start3A_33 : memref<1x128xi32, #tpu.memory_space<vmem>> -> memref<128xi32, #tpu.memory_space<vmem>>
    %dma_start3A_35 = arith.constant 0 : i32
    %dma_start3A_36 = arith.constant 0 : i32
    %dma_start3A_37 = tpu.memref_slice %arg2[%dma_start3A_35, %dma_start3A_36] : memref<20480x64xf32, #tpu.memory_space<hbm>> -> memref<20480x64xf32, #tpu.memory_space<hbm>>
    tpu.enqueue_indirect_dma source(%dma_start3A_37 : memref<20480x64xf32, #tpu.memory_space<hbm>>) target(%dma_start3A_31 : memref<128x64xf32, #tpu.memory_space<vmem>>) offsets(%dma_start3A_34 : memref<128xi32, #tpu.memory_space<vmem>>) semaphore(%arg16 : memref<!tpu.dma_semaphore, #tpu.memory_space<semaphore_mem>>)
    %dma_start3A_38 = arith.constant 3 : i32
    %dma_start3A_39 = arith.constant 3 : i32
    %dma_start3A_40 = arith.constant 0 : i32
    %dma_start3A_41 = arith.constant 0 : i32
    %dma_start3A_42 = tpu.memref_slice %arg11[%dma_start3A_39, %dma_start3A_40, %dma_start3A_41] : memref<4x128x64xf32, #tpu.memory_space<vmem>> -> memref<1x128x64xf32, #tpu.memory_space<vmem>>
    %dma_start3A_43 = tpu.memref_squeeze %dma_start3A_42 : memref<1x128x64xf32, #tpu.memory_space<vmem>> -> memref<128x64xf32, #tpu.memory_space<vmem>>
    %dma_start3A_44 = arith.constant 0 : i32
    %dma_start3A_45 = tpu.memref_slice %arg8[%dma_start3A_38, %dma_start3A_44] : memref<160x128xi32, #tpu.memory_space<vmem>> -> memref<1x128xi32, #tpu.memory_space<vmem>>
    %dma_start3A_46 = tpu.memref_squeeze %dma_start3A_45 : memref<1x128xi32, #tpu.memory_space<vmem>> -> memref<128xi32, #tpu.memory_space<vmem>>
    %dma_start3A_47 = arith.constant 0 : i32
    %dma_start3A_48 = arith.constant 0 : i32
    %dma_start3A_49 = tpu.memref_slice %arg2[%dma_start3A_47, %dma_start3A_48] : memref<20480x64xf32, #tpu.memory_space<hbm>> -> memref<20480x64xf32, #tpu.memory_space<hbm>>
    tpu.enqueue_indirect_dma source(%dma_start3A_49 : memref<20480x64xf32, #tpu.memory_space<hbm>>) target(%dma_start3A_43 : memref<128x64xf32, #tpu.memory_space<vmem>>) offsets(%dma_start3A_46 : memref<128xi32, #tpu.memory_space<vmem>>) semaphore(%arg17 : memref<!tpu.dma_semaphore, #tpu.memory_space<semaphore_mem>>)
    %scan3A = arith.constant 0 : i32
    %scan3A_50 = arith.constant 0 : i32
    %scan3A_51 = arith.constant 39 : i32
    %scan3A_52 = arith.addi %scan3A_50, %scan3A_51 : i32
    %scan3A_53 = arith.constant 1 : i32
    scf.for %scan3A_157 = %scan3A_50 to %scan3A_52 step %scan3A_53  : i32 {
      %mul3A_158 = arith.constant 4 : i32
      %mul3A_159 = arith.muli %mul3A_158, %scan3A_157 : i32
      %add3A = arith.constant 1 : i32
      %add3A_160 = arith.addi %mul3A_159, %add3A : i32
      %dma_wait3A_161 = arith.constant 0 : i32
      %dma_wait3A_162 = arith.constant 0 : i32
      %dma_wait3A_163 = arith.constant 0 : i32
      %dma_wait3A_164 = tpu.memref_slice %arg11[%dma_wait3A_161, %dma_wait3A_162, %dma_wait3A_163] : memref<4x128x64xf32, #tpu.memory_space<vmem>> -> memref<1x128x64xf32, #tpu.memory_space<vmem>>
      %dma_wait3A_165 = tpu.memref_squeeze %dma_wait3A_164 : memref<1x128x64xf32, #tpu.memory_space<vmem>> -> memref<128x64xf32, #tpu.memory_space<vmem>>
      %dma_wait3A_166 = arith.constant 0 : i32
      %dma_wait3A_167 = tpu.memref_slice %arg8[%mul3A_159, %dma_wait3A_166] : memref<160x128xi32, #tpu.memory_space<vmem>> -> memref<1x128xi32, #tpu.memory_space<vmem>>
      %dma_wait3A_168 = tpu.memref_squeeze %dma_wait3A_167 : memref<1x128xi32, #tpu.memory_space<vmem>> -> memref<128xi32, #tpu.memory_space<vmem>>
      %dma_wait3A_169 = arith.constant 0 : i32
      %dma_wait3A_170 = arith.constant 0 : i32
      %dma_wait3A_171 = tpu.memref_slice %arg2[%dma_wait3A_169, %dma_wait3A_170] : memref<20480x64xf32, #tpu.memory_space<hbm>> -> memref<20480x64xf32, #tpu.memory_space<hbm>>
      tpu.wait_indirect_dma semaphore(%arg14 : memref<!tpu.dma_semaphore, #tpu.memory_space<semaphore_mem>>) src(%dma_wait3A_171 : memref<20480x64xf32, #tpu.memory_space<hbm>>) dst(%dma_wait3A_165 : memref<128x64xf32, #tpu.memory_space<vmem>>)
      %dma_start3A_172 = arith.constant 0 : i32
      %dma_start3A_173 = arith.constant 0 : i32
      %dma_start3A_174 = arith.constant 0 : i32
      %dma_start3A_175 = tpu.memref_slice %arg11[%dma_start3A_172, %dma_start3A_173, %dma_start3A_174] : memref<4x128x64xf32, #tpu.memory_space<vmem>> -> memref<1x128x64xf32, #tpu.memory_space<vmem>>
      %dma_start3A_176 = tpu.memref_squeeze %dma_start3A_175 : memref<1x128x64xf32, #tpu.memory_space<vmem>> -> memref<128x64xf32, #tpu.memory_space<vmem>>
      %dma_start3A_177 = arith.constant 0 : i32
      %dma_start3A_178 = tpu.memref_slice %arg9[%mul3A_159, %dma_start3A_177] : memref<158x128xi32, #tpu.memory_space<vmem>> -> memref<1x128xi32, #tpu.memory_space<vmem>>
      %dma_start3A_179 = tpu.memref_squeeze %dma_start3A_178 : memref<1x128xi32, #tpu.memory_space<vmem>> -> memref<128xi32, #tpu.memory_space<vmem>>
      %dma_start3A_180 = arith.constant 0 : i32
      %dma_start3A_181 = arith.constant 0 : i32
      %dma_start3A_182 = tpu.memref_slice %arg13[%dma_start3A_180, %dma_start3A_181] : memref<10368x64xf32, #tpu.memory_space<vmem_shared>> -> memref<10368x64xf32, #tpu.memory_space<vmem_shared>>
      tpu.enqueue_indirect_dma source(%dma_start3A_176 : memref<128x64xf32, #tpu.memory_space<vmem>>) target(%dma_start3A_182 : memref<10368x64xf32, #tpu.memory_space<vmem_shared>>) offsets(%dma_start3A_179 : memref<128xi32, #tpu.memory_space<vmem>>) semaphore(%arg18 : memref<!tpu.dma_semaphore, #tpu.memory_space<semaphore_mem>>) {add = true}
      %dma_wait3A_183 = arith.constant 1 : i32
      %dma_wait3A_184 = arith.constant 0 : i32
      %dma_wait3A_185 = arith.constant 0 : i32
      %dma_wait3A_186 = tpu.memref_slice %arg11[%dma_wait3A_183, %dma_wait3A_184, %dma_wait3A_185] : memref<4x128x64xf32, #tpu.memory_space<vmem>> -> memref<1x128x64xf32, #tpu.memory_space<vmem>>
      %dma_wait3A_187 = tpu.memref_squeeze %dma_wait3A_186 : memref<1x128x64xf32, #tpu.memory_space<vmem>> -> memref<128x64xf32, #tpu.memory_space<vmem>>
      %dma_wait3A_188 = arith.constant 0 : i32
      %dma_wait3A_189 = tpu.memref_slice %arg8[%add3A_160, %dma_wait3A_188] : memref<160x128xi32, #tpu.memory_space<vmem>> -> memref<1x128xi32, #tpu.memory_space<vmem>>
      %dma_wait3A_190 = tpu.memref_squeeze %dma_wait3A_189 : memref<1x128xi32, #tpu.memory_space<vmem>> -> memref<128xi32, #tpu.memory_space<vmem>>
      %dma_wait3A_191 = arith.constant 0 : i32
      %dma_wait3A_192 = arith.constant 0 : i32
      %dma_wait3A_193 = tpu.memref_slice %arg2[%dma_wait3A_191, %dma_wait3A_192] : memref<20480x64xf32, #tpu.memory_space<hbm>> -> memref<20480x64xf32, #tpu.memory_space<hbm>>
      tpu.wait_indirect_dma semaphore(%arg15 : memref<!tpu.dma_semaphore, #tpu.memory_space<semaphore_mem>>) src(%dma_wait3A_193 : memref<20480x64xf32, #tpu.memory_space<hbm>>) dst(%dma_wait3A_187 : memref<128x64xf32, #tpu.memory_space<vmem>>)
      %add3A_194 = arith.constant 1 : i32
      %add3A_195 = arith.addi %mul3A_159, %add3A_194 : i32
      %dma_start3A_196 = arith.constant 1 : i32
      %dma_start3A_197 = arith.constant 0 : i32
      %dma_start3A_198 = arith.constant 0 : i32
      %dma_start3A_199 = tpu.memref_slice %arg11[%dma_start3A_196, %dma_start3A_197, %dma_start3A_198] : memref<4x128x64xf32, #tpu.memory_space<vmem>> -> memref<1x128x64xf32, #tpu.memory_space<vmem>>
      %dma_start3A_200 = tpu.memref_squeeze %dma_start3A_199 : memref<1x128x64xf32, #tpu.memory_space<vmem>> -> memref<128x64xf32, #tpu.memory_space<vmem>>
      %dma_start3A_201 = arith.constant 0 : i32
      %dma_start3A_202 = tpu.memref_slice %arg9[%add3A_195, %dma_start3A_201] : memref<158x128xi32, #tpu.memory_space<vmem>> -> memref<1x128xi32, #tpu.memory_space<vmem>>
      %dma_start3A_203 = tpu.memref_squeeze %dma_start3A_202 : memref<1x128xi32, #tpu.memory_space<vmem>> -> memref<128xi32, #tpu.memory_space<vmem>>
      %dma_start3A_204 = arith.constant 0 : i32
      %dma_start3A_205 = arith.constant 0 : i32
      %dma_start3A_206 = tpu.memref_slice %arg13[%dma_start3A_204, %dma_start3A_205] : memref<10368x64xf32, #tpu.memory_space<vmem_shared>> -> memref<10368x64xf32, #tpu.memory_space<vmem_shared>>
      tpu.enqueue_indirect_dma source(%dma_start3A_200 : memref<128x64xf32, #tpu.memory_space<vmem>>) target(%dma_start3A_206 : memref<10368x64xf32, #tpu.memory_space<vmem_shared>>) offsets(%dma_start3A_203 : memref<128xi32, #tpu.memory_space<vmem>>) semaphore(%arg19 : memref<!tpu.dma_semaphore, #tpu.memory_space<semaphore_mem>>) {add = true}
      %dma_wait3A_207 = arith.constant 0 : i32
      %dma_wait3A_208 = arith.constant 0 : i32
      %dma_wait3A_209 = arith.constant 0 : i32
      %dma_wait3A_210 = tpu.memref_slice %arg11[%dma_wait3A_207, %dma_wait3A_208, %dma_wait3A_209] : memref<4x128x64xf32, #tpu.memory_space<vmem>> -> memref<1x128x64xf32, #tpu.memory_space<vmem>>
      %dma_wait3A_211 = tpu.memref_squeeze %dma_wait3A_210 : memref<1x128x64xf32, #tpu.memory_space<vmem>> -> memref<128x64xf32, #tpu.memory_space<vmem>>
      %dma_wait3A_212 = arith.constant 0 : i32
      %dma_wait3A_213 = tpu.memref_slice %arg9[%mul3A_159, %dma_wait3A_212] : memref<158x128xi32, #tpu.memory_space<vmem>> -> memref<1x128xi32, #tpu.memory_space<vmem>>
      %dma_wait3A_214 = tpu.memref_squeeze %dma_wait3A_213 : memref<1x128xi32, #tpu.memory_space<vmem>> -> memref<128xi32, #tpu.memory_space<vmem>>
      %dma_wait3A_215 = arith.constant 0 : i32
      %dma_wait3A_216 = arith.constant 0 : i32
      %dma_wait3A_217 = tpu.memref_slice %arg13[%dma_wait3A_215, %dma_wait3A_216] : memref<10368x64xf32, #tpu.memory_space<vmem_shared>> -> memref<10368x64xf32, #tpu.memory_space<vmem_shared>>
      tpu.wait_indirect_dma semaphore(%arg18 : memref<!tpu.dma_semaphore, #tpu.memory_space<semaphore_mem>>) src(%dma_wait3A_211 : memref<128x64xf32, #tpu.memory_space<vmem>>) dst(%dma_wait3A_217 : memref<10368x64xf32, #tpu.memory_space<vmem_shared>>)
      %dma_wait3A_218 = arith.constant 1 : i32
      %dma_wait3A_219 = arith.constant 0 : i32
      %dma_wait3A_220 = arith.constant 0 : i32
      %dma_wait3A_221 = tpu.memref_slice %arg11[%dma_wait3A_218, %dma_wait3A_219, %dma_wait3A_220] : memref<4x128x64xf32, #tpu.memory_space<vmem>> -> memref<1x128x64xf32, #tpu.memory_space<vmem>>
      %dma_wait3A_222 = tpu.memref_squeeze %dma_wait3A_221 : memref<1x128x64xf32, #tpu.memory_space<vmem>> -> memref<128x64xf32, #tpu.memory_space<vmem>>
      %dma_wait3A_223 = arith.constant 0 : i32
      %dma_wait3A_224 = tpu.memref_slice %arg9[%add3A_195, %dma_wait3A_223] : memref<158x128xi32, #tpu.memory_space<vmem>> -> memref<1x128xi32, #tpu.memory_space<vmem>>
      %dma_wait3A_225 = tpu.memref_squeeze %dma_wait3A_224 : memref<1x128xi32, #tpu.memory_space<vmem>> -> memref<128xi32, #tpu.memory_space<vmem>>
      %dma_wait3A_226 = arith.constant 0 : i32
      %dma_wait3A_227 = arith.constant 0 : i32
      %dma_wait3A_228 = tpu.memref_slice %arg13[%dma_wait3A_226, %dma_wait3A_227] : memref<10368x64xf32, #tpu.memory_space<vmem_shared>> -> memref<10368x64xf32, #tpu.memory_space<vmem_shared>>
      tpu.wait_indirect_dma semaphore(%arg19 : memref<!tpu.dma_semaphore, #tpu.memory_space<semaphore_mem>>) src(%dma_wait3A_222 : memref<128x64xf32, #tpu.memory_space<vmem>>) dst(%dma_wait3A_228 : memref<10368x64xf32, #tpu.memory_space<vmem_shared>>)
      %add3A_229 = arith.constant 4 : i32
      %add3A_230 = arith.addi %mul3A_159, %add3A_229 : i32
      %dma_start3A_231 = arith.constant 0 : i32
      %dma_start3A_232 = arith.constant 0 : i32
      %dma_start3A_233 = arith.constant 0 : i32
      %dma_start3A_234 = tpu.memref_slice %arg11[%dma_start3A_231, %dma_start3A_232, %dma_start3A_233] : memref<4x128x64xf32, #tpu.memory_space<vmem>> -> memref<1x128x64xf32, #tpu.memory_space<vmem>>
      %dma_start3A_235 = tpu.memref_squeeze %dma_start3A_234 : memref<1x128x64xf32, #tpu.memory_space<vmem>> -> memref<128x64xf32, #tpu.memory_space<vmem>>
      %dma_start3A_236 = arith.constant 0 : i32
      %dma_start3A_237 = tpu.memref_slice %arg8[%add3A_230, %dma_start3A_236] : memref<160x128xi32, #tpu.memory_space<vmem>> -> memref<1x128xi32, #tpu.memory_space<vmem>>
      %dma_start3A_238 = tpu.memref_squeeze %dma_start3A_237 : memref<1x128xi32, #tpu.memory_space<vmem>> -> memref<128xi32, #tpu.memory_space<vmem>>
      %dma_start3A_239 = arith.constant 0 : i32
      %dma_start3A_240 = arith.constant 0 : i32
      %dma_start3A_241 = tpu.memref_slice %arg2[%dma_start3A_239, %dma_start3A_240] : memref<20480x64xf32, #tpu.memory_space<hbm>> -> memref<20480x64xf32, #tpu.memory_space<hbm>>
      tpu.enqueue_indirect_dma source(%dma_start3A_241 : memref<20480x64xf32, #tpu.memory_space<hbm>>) target(%dma_start3A_235 : memref<128x64xf32, #tpu.memory_space<vmem>>) offsets(%dma_start3A_238 : memref<128xi32, #tpu.memory_space<vmem>>) semaphore(%arg14 : memref<!tpu.dma_semaphore, #tpu.memory_space<semaphore_mem>>)
      %add3A_242 = arith.constant 5 : i32
      %add3A_243 = arith.addi %mul3A_159, %add3A_242 : i32
      %dma_start3A_244 = arith.constant 1 : i32
      %dma_start3A_245 = arith.constant 0 : i32
      %dma_start3A_246 = arith.constant 0 : i32
      %dma_start3A_247 = tpu.memref_slice %arg11[%dma_start3A_244, %dma_start3A_245, %dma_start3A_246] : memref<4x128x64xf32, #tpu.memory_space<vmem>> -> memref<1x128x64xf32, #tpu.memory_space<vmem>>
      %dma_start3A_248 = tpu.memref_squeeze %dma_start3A_247 : memref<1x128x64xf32, #tpu.memory_space<vmem>> -> memref<128x64xf32, #tpu.memory_space<vmem>>
      %dma_start3A_249 = arith.constant 0 : i32
      %dma_start3A_250 = tpu.memref_slice %arg8[%add3A_243, %dma_start3A_249] : memref<160x128xi32, #tpu.memory_space<vmem>> -> memref<1x128xi32, #tpu.memory_space<vmem>>
      %dma_start3A_251 = tpu.memref_squeeze %dma_start3A_250 : memref<1x128xi32, #tpu.memory_space<vmem>> -> memref<128xi32, #tpu.memory_space<vmem>>
      %dma_start3A_252 = arith.constant 0 : i32
      %dma_start3A_253 = arith.constant 0 : i32
      %dma_start3A_254 = tpu.memref_slice %arg2[%dma_start3A_252, %dma_start3A_253] : memref<20480x64xf32, #tpu.memory_space<hbm>> -> memref<20480x64xf32, #tpu.memory_space<hbm>>
      tpu.enqueue_indirect_dma source(%dma_start3A_254 : memref<20480x64xf32, #tpu.memory_space<hbm>>) target(%dma_start3A_248 : memref<128x64xf32, #tpu.memory_space<vmem>>) offsets(%dma_start3A_251 : memref<128xi32, #tpu.memory_space<vmem>>) semaphore(%arg15 : memref<!tpu.dma_semaphore, #tpu.memory_space<semaphore_mem>>)
      %add3A_255 = arith.constant 2 : i32
      %add3A_256 = arith.addi %mul3A_159, %add3A_255 : i32
      %add3A_257 = arith.constant 3 : i32
      %add3A_258 = arith.addi %mul3A_159, %add3A_257 : i32
      %dma_wait3A_259 = arith.constant 2 : i32
      %dma_wait3A_260 = arith.constant 0 : i32
      %dma_wait3A_261 = arith.constant 0 : i32
      %dma_wait3A_262 = tpu.memref_slice %arg11[%dma_wait3A_259, %dma_wait3A_260, %dma_wait3A_261] : memref<4x128x64xf32, #tpu.memory_space<vmem>> -> memref<1x128x64xf32, #tpu.memory_space<vmem>>
      %dma_wait3A_263 = tpu.memref_squeeze %dma_wait3A_262 : memref<1x128x64xf32, #tpu.memory_space<vmem>> -> memref<128x64xf32, #tpu.memory_space<vmem>>
      %dma_wait3A_264 = arith.constant 0 : i32
      %dma_wait3A_265 = tpu.memref_slice %arg8[%add3A_256, %dma_wait3A_264] : memref<160x128xi32, #tpu.memory_space<vmem>> -> memref<1x128xi32, #tpu.memory_space<vmem>>
      %dma_wait3A_266 = tpu.memref_squeeze %dma_wait3A_265 : memref<1x128xi32, #tpu.memory_space<vmem>> -> memref<128xi32, #tpu.memory_space<vmem>>
      %dma_wait3A_267 = arith.constant 0 : i32
      %dma_wait3A_268 = arith.constant 0 : i32
      %dma_wait3A_269 = tpu.memref_slice %arg2[%dma_wait3A_267, %dma_wait3A_268] : memref<20480x64xf32, #tpu.memory_space<hbm>> -> memref<20480x64xf32, #tpu.memory_space<hbm>>
      tpu.wait_indirect_dma semaphore(%arg16 : memref<!tpu.dma_semaphore, #tpu.memory_space<semaphore_mem>>) src(%dma_wait3A_269 : memref<20480x64xf32, #tpu.memory_space<hbm>>) dst(%dma_wait3A_263 : memref<128x64xf32, #tpu.memory_space<vmem>>)
      %add3A_270 = arith.constant 2 : i32
      %add3A_271 = arith.addi %mul3A_159, %add3A_270 : i32
      %dma_start3A_272 = arith.constant 2 : i32
      %dma_start3A_273 = arith.constant 0 : i32
      %dma_start3A_274 = arith.constant 0 : i32
      %dma_start3A_275 = tpu.memref_slice %arg11[%dma_start3A_272, %dma_start3A_273, %dma_start3A_274] : memref<4x128x64xf32, #tpu.memory_space<vmem>> -> memref<1x128x64xf32, #tpu.memory_space<vmem>>
      %dma_start3A_276 = tpu.memref_squeeze %dma_start3A_275 : memref<1x128x64xf32, #tpu.memory_space<vmem>> -> memref<128x64xf32, #tpu.memory_space<vmem>>
      %dma_start3A_277 = arith.constant 0 : i32
      %dma_start3A_278 = tpu.memref_slice %arg9[%add3A_271, %dma_start3A_277] : memref<158x128xi32, #tpu.memory_space<vmem>> -> memref<1x128xi32, #tpu.memory_space<vmem>>
      %dma_start3A_279 = tpu.memref_squeeze %dma_start3A_278 : memref<1x128xi32, #tpu.memory_space<vmem>> -> memref<128xi32, #tpu.memory_space<vmem>>
      %dma_start3A_280 = arith.constant 0 : i32
      %dma_start3A_281 = arith.constant 0 : i32
      %dma_start3A_282 = tpu.memref_slice %arg13[%dma_start3A_280, %dma_start3A_281] : memref<10368x64xf32, #tpu.memory_space<vmem_shared>> -> memref<10368x64xf32, #tpu.memory_space<vmem_shared>>
      tpu.enqueue_indirect_dma source(%dma_start3A_276 : memref<128x64xf32, #tpu.memory_space<vmem>>) target(%dma_start3A_282 : memref<10368x64xf32, #tpu.memory_space<vmem_shared>>) offsets(%dma_start3A_279 : memref<128xi32, #tpu.memory_space<vmem>>) semaphore(%arg18 : memref<!tpu.dma_semaphore, #tpu.memory_space<semaphore_mem>>) {add = true}
      %dma_wait3A_283 = arith.constant 3 : i32
      %dma_wait3A_284 = arith.constant 0 : i32
      %dma_wait3A_285 = arith.constant 0 : i32
      %dma_wait3A_286 = tpu.memref_slice %arg11[%dma_wait3A_283, %dma_wait3A_284, %dma_wait3A_285] : memref<4x128x64xf32, #tpu.memory_space<vmem>> -> memref<1x128x64xf32, #tpu.memory_space<vmem>>
      %dma_wait3A_287 = tpu.memref_squeeze %dma_wait3A_286 : memref<1x128x64xf32, #tpu.memory_space<vmem>> -> memref<128x64xf32, #tpu.memory_space<vmem>>
      %dma_wait3A_288 = arith.constant 0 : i32
      %dma_wait3A_289 = tpu.memref_slice %arg8[%add3A_258, %dma_wait3A_288] : memref<160x128xi32, #tpu.memory_space<vmem>> -> memref<1x128xi32, #tpu.memory_space<vmem>>
      %dma_wait3A_290 = tpu.memref_squeeze %dma_wait3A_289 : memref<1x128xi32, #tpu.memory_space<vmem>> -> memref<128xi32, #tpu.memory_space<vmem>>
      %dma_wait3A_291 = arith.constant 0 : i32
      %dma_wait3A_292 = arith.constant 0 : i32
      %dma_wait3A_293 = tpu.memref_slice %arg2[%dma_wait3A_291, %dma_wait3A_292] : memref<20480x64xf32, #tpu.memory_space<hbm>> -> memref<20480x64xf32, #tpu.memory_space<hbm>>
      tpu.wait_indirect_dma semaphore(%arg17 : memref<!tpu.dma_semaphore, #tpu.memory_space<semaphore_mem>>) src(%dma_wait3A_293 : memref<20480x64xf32, #tpu.memory_space<hbm>>) dst(%dma_wait3A_287 : memref<128x64xf32, #tpu.memory_space<vmem>>)
      %add3A_294 = arith.constant 3 : i32
      %add3A_295 = arith.addi %mul3A_159, %add3A_294 : i32
      %dma_start3A_296 = arith.constant 3 : i32
      %dma_start3A_297 = arith.constant 0 : i32
      %dma_start3A_298 = arith.constant 0 : i32
      %dma_start3A_299 = tpu.memref_slice %arg11[%dma_start3A_296, %dma_start3A_297, %dma_start3A_298] : memref<4x128x64xf32, #tpu.memory_space<vmem>> -> memref<1x128x64xf32, #tpu.memory_space<vmem>>
      %dma_start3A_300 = tpu.memref_squeeze %dma_start3A_299 : memref<1x128x64xf32, #tpu.memory_space<vmem>> -> memref<128x64xf32, #tpu.memory_space<vmem>>
      %dma_start3A_301 = arith.constant 0 : i32
      %dma_start3A_302 = tpu.memref_slice %arg9[%add3A_295, %dma_start3A_301] : memref<158x128xi32, #tpu.memory_space<vmem>> -> memref<1x128xi32, #tpu.memory_space<vmem>>
      %dma_start3A_303 = tpu.memref_squeeze %dma_start3A_302 : memref<1x128xi32, #tpu.memory_space<vmem>> -> memref<128xi32, #tpu.memory_space<vmem>>
      %dma_start3A_304 = arith.constant 0 : i32
      %dma_start3A_305 = arith.constant 0 : i32
      %dma_start3A_306 = tpu.memref_slice %arg13[%dma_start3A_304, %dma_start3A_305] : memref<10368x64xf32, #tpu.memory_space<vmem_shared>> -> memref<10368x64xf32, #tpu.memory_space<vmem_shared>>
      tpu.enqueue_indirect_dma source(%dma_start3A_300 : memref<128x64xf32, #tpu.memory_space<vmem>>) target(%dma_start3A_306 : memref<10368x64xf32, #tpu.memory_space<vmem_shared>>) offsets(%dma_start3A_303 : memref<128xi32, #tpu.memory_space<vmem>>) semaphore(%arg19 : memref<!tpu.dma_semaphore, #tpu.memory_space<semaphore_mem>>) {add = true}
      %dma_wait3A_307 = arith.constant 2 : i32
      %dma_wait3A_308 = arith.constant 0 : i32
      %dma_wait3A_309 = arith.constant 0 : i32
      %dma_wait3A_310 = tpu.memref_slice %arg11[%dma_wait3A_307, %dma_wait3A_308, %dma_wait3A_309] : memref<4x128x64xf32, #tpu.memory_space<vmem>> -> memref<1x128x64xf32, #tpu.memory_space<vmem>>
      %dma_wait3A_311 = tpu.memref_squeeze %dma_wait3A_310 : memref<1x128x64xf32, #tpu.memory_space<vmem>> -> memref<128x64xf32, #tpu.memory_space<vmem>>
      %dma_wait3A_312 = arith.constant 0 : i32
      %dma_wait3A_313 = tpu.memref_slice %arg9[%add3A_271, %dma_wait3A_312] : memref<158x128xi32, #tpu.memory_space<vmem>> -> memref<1x128xi32, #tpu.memory_space<vmem>>
      %dma_wait3A_314 = tpu.memref_squeeze %dma_wait3A_313 : memref<1x128xi32, #tpu.memory_space<vmem>> -> memref<128xi32, #tpu.memory_space<vmem>>
      %dma_wait3A_315 = arith.constant 0 : i32
      %dma_wait3A_316 = arith.constant 0 : i32
      %dma_wait3A_317 = tpu.memref_slice %arg13[%dma_wait3A_315, %dma_wait3A_316] : memref<10368x64xf32, #tpu.memory_space<vmem_shared>> -> memref<10368x64xf32, #tpu.memory_space<vmem_shared>>
      tpu.wait_indirect_dma semaphore(%arg18 : memref<!tpu.dma_semaphore, #tpu.memory_space<semaphore_mem>>) src(%dma_wait3A_311 : memref<128x64xf32, #tpu.memory_space<vmem>>) dst(%dma_wait3A_317 : memref<10368x64xf32, #tpu.memory_space<vmem_shared>>)
      %dma_wait3A_318 = arith.constant 3 : i32
      %dma_wait3A_319 = arith.constant 0 : i32
      %dma_wait3A_320 = arith.constant 0 : i32
      %dma_wait3A_321 = tpu.memref_slice %arg11[%dma_wait3A_318, %dma_wait3A_319, %dma_wait3A_320] : memref<4x128x64xf32, #tpu.memory_space<vmem>> -> memref<1x128x64xf32, #tpu.memory_space<vmem>>
      %dma_wait3A_322 = tpu.memref_squeeze %dma_wait3A_321 : memref<1x128x64xf32, #tpu.memory_space<vmem>> -> memref<128x64xf32, #tpu.memory_space<vmem>>
      %dma_wait3A_323 = arith.constant 0 : i32
      %dma_wait3A_324 = tpu.memref_slice %arg9[%add3A_295, %dma_wait3A_323] : memref<158x128xi32, #tpu.memory_space<vmem>> -> memref<1x128xi32, #tpu.memory_space<vmem>>
      %dma_wait3A_325 = tpu.memref_squeeze %dma_wait3A_324 : memref<1x128xi32, #tpu.memory_space<vmem>> -> memref<128xi32, #tpu.memory_space<vmem>>
      %dma_wait3A_326 = arith.constant 0 : i32
      %dma_wait3A_327 = arith.constant 0 : i32
      %dma_wait3A_328 = tpu.memref_slice %arg13[%dma_wait3A_326, %dma_wait3A_327] : memref<10368x64xf32, #tpu.memory_space<vmem_shared>> -> memref<10368x64xf32, #tpu.memory_space<vmem_shared>>
      tpu.wait_indirect_dma semaphore(%arg19 : memref<!tpu.dma_semaphore, #tpu.memory_space<semaphore_mem>>) src(%dma_wait3A_322 : memref<128x64xf32, #tpu.memory_space<vmem>>) dst(%dma_wait3A_328 : memref<10368x64xf32, #tpu.memory_space<vmem_shared>>)
      %add3A_329 = arith.constant 6 : i32
      %add3A_330 = arith.addi %mul3A_159, %add3A_329 : i32
      %dma_start3A_331 = arith.constant 2 : i32
      %dma_start3A_332 = arith.constant 0 : i32
      %dma_start3A_333 = arith.constant 0 : i32
      %dma_start3A_334 = tpu.memref_slice %arg11[%dma_start3A_331, %dma_start3A_332, %dma_start3A_333] : memref<4x128x64xf32, #tpu.memory_space<vmem>> -> memref<1x128x64xf32, #tpu.memory_space<vmem>>
      %dma_start3A_335 = tpu.memref_squeeze %dma_start3A_334 : memref<1x128x64xf32, #tpu.memory_space<vmem>> -> memref<128x64xf32, #tpu.memory_space<vmem>>
      %dma_start3A_336 = arith.constant 0 : i32
      %dma_start3A_337 = tpu.memref_slice %arg8[%add3A_330, %dma_start3A_336] : memref<160x128xi32, #tpu.memory_space<vmem>> -> memref<1x128xi32, #tpu.memory_space<vmem>>
      %dma_start3A_338 = tpu.memref_squeeze %dma_start3A_337 : memref<1x128xi32, #tpu.memory_space<vmem>> -> memref<128xi32, #tpu.memory_space<vmem>>
      %dma_start3A_339 = arith.constant 0 : i32
      %dma_start3A_340 = arith.constant 0 : i32
      %dma_start3A_341 = tpu.memref_slice %arg2[%dma_start3A_339, %dma_start3A_340] : memref<20480x64xf32, #tpu.memory_space<hbm>> -> memref<20480x64xf32, #tpu.memory_space<hbm>>
      tpu.enqueue_indirect_dma source(%dma_start3A_341 : memref<20480x64xf32, #tpu.memory_space<hbm>>) target(%dma_start3A_335 : memref<128x64xf32, #tpu.memory_space<vmem>>) offsets(%dma_start3A_338 : memref<128xi32, #tpu.memory_space<vmem>>) semaphore(%arg16 : memref<!tpu.dma_semaphore, #tpu.memory_space<semaphore_mem>>)
      %add3A_342 = arith.constant 7 : i32
      %add3A_343 = arith.addi %mul3A_159, %add3A_342 : i32
      %dma_start3A_344 = arith.constant 3 : i32
      %dma_start3A_345 = arith.constant 0 : i32
      %dma_start3A_346 = arith.constant 0 : i32
      %dma_start3A_347 = tpu.memref_slice %arg11[%dma_start3A_344, %dma_start3A_345, %dma_start3A_346] : memref<4x128x64xf32, #tpu.memory_space<vmem>> -> memref<1x128x64xf32, #tpu.memory_space<vmem>>
      %dma_start3A_348 = tpu.memref_squeeze %dma_start3A_347 : memref<1x128x64xf32, #tpu.memory_space<vmem>> -> memref<128x64xf32, #tpu.memory_space<vmem>>
      %dma_start3A_349 = arith.constant 0 : i32
      %dma_start3A_350 = tpu.memref_slice %arg8[%add3A_343, %dma_start3A_349] : memref<160x128xi32, #tpu.memory_space<vmem>> -> memref<1x128xi32, #tpu.memory_space<vmem>>
      %dma_start3A_351 = tpu.memref_squeeze %dma_start3A_350 : memref<1x128xi32, #tpu.memory_space<vmem>> -> memref<128xi32, #tpu.memory_space<vmem>>
      %dma_start3A_352 = arith.constant 0 : i32
      %dma_start3A_353 = arith.constant 0 : i32
      %dma_start3A_354 = tpu.memref_slice %arg2[%dma_start3A_352, %dma_start3A_353] : memref<20480x64xf32, #tpu.memory_space<hbm>> -> memref<20480x64xf32, #tpu.memory_space<hbm>>
      tpu.enqueue_indirect_dma source(%dma_start3A_354 : memref<20480x64xf32, #tpu.memory_space<hbm>>) target(%dma_start3A_348 : memref<128x64xf32, #tpu.memory_space<vmem>>) offsets(%dma_start3A_351 : memref<128xi32, #tpu.memory_space<vmem>>) semaphore(%arg17 : memref<!tpu.dma_semaphore, #tpu.memory_space<semaphore_mem>>)
    }
    %scan3A_54 = arith.constant 39 : i32
    %dma_wait3A = arith.constant 156 : i32
    %dma_wait3A_55 = arith.constant 0 : i32
    %dma_wait3A_56 = arith.constant 0 : i32
    %dma_wait3A_57 = arith.constant 0 : i32
    %dma_wait3A_58 = tpu.memref_slice %arg11[%dma_wait3A_55, %dma_wait3A_56, %dma_wait3A_57] : memref<4x128x64xf32, #tpu.memory_space<vmem>> -> memref<1x128x64xf32, #tpu.memory_space<vmem>>
    %dma_wait3A_59 = tpu.memref_squeeze %dma_wait3A_58 : memref<1x128x64xf32, #tpu.memory_space<vmem>> -> memref<128x64xf32, #tpu.memory_space<vmem>>
    %dma_wait3A_60 = arith.constant 0 : i32
    %dma_wait3A_61 = tpu.memref_slice %arg8[%dma_wait3A, %dma_wait3A_60] : memref<160x128xi32, #tpu.memory_space<vmem>> -> memref<1x128xi32, #tpu.memory_space<vmem>>
    %dma_wait3A_62 = tpu.memref_squeeze %dma_wait3A_61 : memref<1x128xi32, #tpu.memory_space<vmem>> -> memref<128xi32, #tpu.memory_space<vmem>>
    %dma_wait3A_63 = arith.constant 0 : i32
    %dma_wait3A_64 = arith.constant 0 : i32
    %dma_wait3A_65 = tpu.memref_slice %arg2[%dma_wait3A_63, %dma_wait3A_64] : memref<20480x64xf32, #tpu.memory_space<hbm>> -> memref<20480x64xf32, #tpu.memory_space<hbm>>
    tpu.wait_indirect_dma semaphore(%arg14 : memref<!tpu.dma_semaphore, #tpu.memory_space<semaphore_mem>>) src(%dma_wait3A_65 : memref<20480x64xf32, #tpu.memory_space<hbm>>) dst(%dma_wait3A_59 : memref<128x64xf32, #tpu.memory_space<vmem>>)
    %dma_start3A_66 = arith.constant 0 : i32
    %dma_start3A_67 = arith.constant 156 : i32
    %dma_start3A_68 = arith.constant 0 : i32
    %dma_start3A_69 = arith.constant 0 : i32
    %dma_start3A_70 = tpu.memref_slice %arg11[%dma_start3A_66, %dma_start3A_68, %dma_start3A_69] : memref<4x128x64xf32, #tpu.memory_space<vmem>> -> memref<1x128x64xf32, #tpu.memory_space<vmem>>
    %dma_start3A_71 = tpu.memref_squeeze %dma_start3A_70 : memref<1x128x64xf32, #tpu.memory_space<vmem>> -> memref<128x64xf32, #tpu.memory_space<vmem>>
    %dma_start3A_72 = arith.constant 0 : i32
    %dma_start3A_73 = tpu.memref_slice %arg9[%dma_start3A_67, %dma_start3A_72] : memref<158x128xi32, #tpu.memory_space<vmem>> -> memref<1x128xi32, #tpu.memory_space<vmem>>
    %dma_start3A_74 = tpu.memref_squeeze %dma_start3A_73 : memref<1x128xi32, #tpu.memory_space<vmem>> -> memref<128xi32, #tpu.memory_space<vmem>>
    %dma_start3A_75 = arith.constant 0 : i32
    %dma_start3A_76 = arith.constant 0 : i32
    %dma_start3A_77 = tpu.memref_slice %arg13[%dma_start3A_75, %dma_start3A_76] : memref<10368x64xf32, #tpu.memory_space<vmem_shared>> -> memref<10368x64xf32, #tpu.memory_space<vmem_shared>>
    tpu.enqueue_indirect_dma source(%dma_start3A_71 : memref<128x64xf32, #tpu.memory_space<vmem>>) target(%dma_start3A_77 : memref<10368x64xf32, #tpu.memory_space<vmem_shared>>) offsets(%dma_start3A_74 : memref<128xi32, #tpu.memory_space<vmem>>) semaphore(%arg18 : memref<!tpu.dma_semaphore, #tpu.memory_space<semaphore_mem>>) {add = true}
    %dma_wait3A_78 = arith.constant 0 : i32
    %dma_wait3A_79 = arith.constant 156 : i32
    %dma_wait3A_80 = arith.constant 0 : i32
    %dma_wait3A_81 = arith.constant 0 : i32
    %dma_wait3A_82 = tpu.memref_slice %arg11[%dma_wait3A_78, %dma_wait3A_80, %dma_wait3A_81] : memref<4x128x64xf32, #tpu.memory_space<vmem>> -> memref<1x128x64xf32, #tpu.memory_space<vmem>>
    %dma_wait3A_83 = tpu.memref_squeeze %dma_wait3A_82 : memref<1x128x64xf32, #tpu.memory_space<vmem>> -> memref<128x64xf32, #tpu.memory_space<vmem>>
    %dma_wait3A_84 = arith.constant 0 : i32
    %dma_wait3A_85 = tpu.memref_slice %arg9[%dma_wait3A_79, %dma_wait3A_84] : memref<158x128xi32, #tpu.memory_space<vmem>> -> memref<1x128xi32, #tpu.memory_space<vmem>>
    %dma_wait3A_86 = tpu.memref_squeeze %dma_wait3A_85 : memref<1x128xi32, #tpu.memory_space<vmem>> -> memref<128xi32, #tpu.memory_space<vmem>>
    %dma_wait3A_87 = arith.constant 0 : i32
    %dma_wait3A_88 = arith.constant 0 : i32
    %dma_wait3A_89 = tpu.memref_slice %arg13[%dma_wait3A_87, %dma_wait3A_88] : memref<10368x64xf32, #tpu.memory_space<vmem_shared>> -> memref<10368x64xf32, #tpu.memory_space<vmem_shared>>
    tpu.wait_indirect_dma semaphore(%arg18 : memref<!tpu.dma_semaphore, #tpu.memory_space<semaphore_mem>>) src(%dma_wait3A_83 : memref<128x64xf32, #tpu.memory_space<vmem>>) dst(%dma_wait3A_89 : memref<10368x64xf32, #tpu.memory_space<vmem_shared>>)
    %dma_wait3A_90 = arith.constant 157 : i32
    %dma_wait3A_91 = arith.constant 1 : i32
    %dma_wait3A_92 = arith.constant 0 : i32
    %dma_wait3A_93 = arith.constant 0 : i32
    %dma_wait3A_94 = tpu.memref_slice %arg11[%dma_wait3A_91, %dma_wait3A_92, %dma_wait3A_93] : memref<4x128x64xf32, #tpu.memory_space<vmem>> -> memref<1x128x64xf32, #tpu.memory_space<vmem>>
    %dma_wait3A_95 = tpu.memref_squeeze %dma_wait3A_94 : memref<1x128x64xf32, #tpu.memory_space<vmem>> -> memref<128x64xf32, #tpu.memory_space<vmem>>
    %dma_wait3A_96 = arith.constant 0 : i32
    %dma_wait3A_97 = tpu.memref_slice %arg8[%dma_wait3A_90, %dma_wait3A_96] : memref<160x128xi32, #tpu.memory_space<vmem>> -> memref<1x128xi32, #tpu.memory_space<vmem>>
    %dma_wait3A_98 = tpu.memref_squeeze %dma_wait3A_97 : memref<1x128xi32, #tpu.memory_space<vmem>> -> memref<128xi32, #tpu.memory_space<vmem>>
    %dma_wait3A_99 = arith.constant 0 : i32
    %dma_wait3A_100 = arith.constant 0 : i32
    %dma_wait3A_101 = tpu.memref_slice %arg2[%dma_wait3A_99, %dma_wait3A_100] : memref<20480x64xf32, #tpu.memory_space<hbm>> -> memref<20480x64xf32, #tpu.memory_space<hbm>>
    tpu.wait_indirect_dma semaphore(%arg15 : memref<!tpu.dma_semaphore, #tpu.memory_space<semaphore_mem>>) src(%dma_wait3A_101 : memref<20480x64xf32, #tpu.memory_space<hbm>>) dst(%dma_wait3A_95 : memref<128x64xf32, #tpu.memory_space<vmem>>)
    %dma_start3A_102 = arith.constant 1 : i32
    %dma_start3A_103 = arith.constant 157 : i32
    %dma_start3A_104 = arith.constant 0 : i32
    %dma_start3A_105 = arith.constant 0 : i32
    %dma_start3A_106 = tpu.memref_slice %arg11[%dma_start3A_102, %dma_start3A_104, %dma_start3A_105] : memref<4x128x64xf32, #tpu.memory_space<vmem>> -> memref<1x128x64xf32, #tpu.memory_space<vmem>>
    %dma_start3A_107 = tpu.memref_squeeze %dma_start3A_106 : memref<1x128x64xf32, #tpu.memory_space<vmem>> -> memref<128x64xf32, #tpu.memory_space<vmem>>
    %dma_start3A_108 = arith.constant 0 : i32
    %dma_start3A_109 = tpu.memref_slice %arg9[%dma_start3A_103, %dma_start3A_108] : memref<158x128xi32, #tpu.memory_space<vmem>> -> memref<1x128xi32, #tpu.memory_space<vmem>>
    %dma_start3A_110 = tpu.memref_squeeze %dma_start3A_109 : memref<1x128xi32, #tpu.memory_space<vmem>> -> memref<128xi32, #tpu.memory_space<vmem>>
    %dma_start3A_111 = arith.constant 0 : i32
    %dma_start3A_112 = arith.constant 0 : i32
    %dma_start3A_113 = tpu.memref_slice %arg13[%dma_start3A_111, %dma_start3A_112] : memref<10368x64xf32, #tpu.memory_space<vmem_shared>> -> memref<10368x64xf32, #tpu.memory_space<vmem_shared>>
    tpu.enqueue_indirect_dma source(%dma_start3A_107 : memref<128x64xf32, #tpu.memory_space<vmem>>) target(%dma_start3A_113 : memref<10368x64xf32, #tpu.memory_space<vmem_shared>>) offsets(%dma_start3A_110 : memref<128xi32, #tpu.memory_space<vmem>>) semaphore(%arg18 : memref<!tpu.dma_semaphore, #tpu.memory_space<semaphore_mem>>) {add = true}
    %dma_wait3A_114 = arith.constant 1 : i32
    %dma_wait3A_115 = arith.constant 157 : i32
    %dma_wait3A_116 = arith.constant 0 : i32
    %dma_wait3A_117 = arith.constant 0 : i32
    %dma_wait3A_118 = tpu.memref_slice %arg11[%dma_wait3A_114, %dma_wait3A_116, %dma_wait3A_117] : memref<4x128x64xf32, #tpu.memory_space<vmem>> -> memref<1x128x64xf32, #tpu.memory_space<vmem>>
    %dma_wait3A_119 = tpu.memref_squeeze %dma_wait3A_118 : memref<1x128x64xf32, #tpu.memory_space<vmem>> -> memref<128x64xf32, #tpu.memory_space<vmem>>
    %dma_wait3A_120 = arith.constant 0 : i32
    %dma_wait3A_121 = tpu.memref_slice %arg9[%dma_wait3A_115, %dma_wait3A_120] : memref<158x128xi32, #tpu.memory_space<vmem>> -> memref<1x128xi32, #tpu.memory_space<vmem>>
    %dma_wait3A_122 = tpu.memref_squeeze %dma_wait3A_121 : memref<1x128xi32, #tpu.memory_space<vmem>> -> memref<128xi32, #tpu.memory_space<vmem>>
    %dma_wait3A_123 = arith.constant 0 : i32
    %dma_wait3A_124 = arith.constant 0 : i32
    %dma_wait3A_125 = tpu.memref_slice %arg13[%dma_wait3A_123, %dma_wait3A_124] : memref<10368x64xf32, #tpu.memory_space<vmem_shared>> -> memref<10368x64xf32, #tpu.memory_space<vmem_shared>>
    tpu.wait_indirect_dma semaphore(%arg18 : memref<!tpu.dma_semaphore, #tpu.memory_space<semaphore_mem>>) src(%dma_wait3A_119 : memref<128x64xf32, #tpu.memory_space<vmem>>) dst(%dma_wait3A_125 : memref<10368x64xf32, #tpu.memory_space<vmem_shared>>)
    %dma_wait3A_126 = arith.constant 158 : i32
    %dma_wait3A_127 = arith.constant 2 : i32
    %dma_wait3A_128 = arith.constant 0 : i32
    %dma_wait3A_129 = arith.constant 0 : i32
    %dma_wait3A_130 = tpu.memref_slice %arg11[%dma_wait3A_127, %dma_wait3A_128, %dma_wait3A_129] : memref<4x128x64xf32, #tpu.memory_space<vmem>> -> memref<1x128x64xf32, #tpu.memory_space<vmem>>
    %dma_wait3A_131 = tpu.memref_squeeze %dma_wait3A_130 : memref<1x128x64xf32, #tpu.memory_space<vmem>> -> memref<128x64xf32, #tpu.memory_space<vmem>>
    %dma_wait3A_132 = arith.constant 0 : i32
    %dma_wait3A_133 = tpu.memref_slice %arg8[%dma_wait3A_126, %dma_wait3A_132] : memref<160x128xi32, #tpu.memory_space<vmem>> -> memref<1x128xi32, #tpu.memory_space<vmem>>
    %dma_wait3A_134 = tpu.memref_squeeze %dma_wait3A_133 : memref<1x128xi32, #tpu.memory_space<vmem>> -> memref<128xi32, #tpu.memory_space<vmem>>
    %dma_wait3A_135 = arith.constant 0 : i32
    %dma_wait3A_136 = arith.constant 0 : i32
    %dma_wait3A_137 = tpu.memref_slice %arg2[%dma_wait3A_135, %dma_wait3A_136] : memref<20480x64xf32, #tpu.memory_space<hbm>> -> memref<20480x64xf32, #tpu.memory_space<hbm>>
    tpu.wait_indirect_dma semaphore(%arg16 : memref<!tpu.dma_semaphore, #tpu.memory_space<semaphore_mem>>) src(%dma_wait3A_137 : memref<20480x64xf32, #tpu.memory_space<hbm>>) dst(%dma_wait3A_131 : memref<128x64xf32, #tpu.memory_space<vmem>>)
    %dma_wait3A_138 = arith.constant 159 : i32
    %dma_wait3A_139 = arith.constant 3 : i32
    %dma_wait3A_140 = arith.constant 0 : i32
    %dma_wait3A_141 = arith.constant 0 : i32
    %dma_wait3A_142 = tpu.memref_slice %arg11[%dma_wait3A_139, %dma_wait3A_140, %dma_wait3A_141] : memref<4x128x64xf32, #tpu.memory_space<vmem>> -> memref<1x128x64xf32, #tpu.memory_space<vmem>>
    %dma_wait3A_143 = tpu.memref_squeeze %dma_wait3A_142 : memref<1x128x64xf32, #tpu.memory_space<vmem>> -> memref<128x64xf32, #tpu.memory_space<vmem>>
    %dma_wait3A_144 = arith.constant 0 : i32
    %dma_wait3A_145 = tpu.memref_slice %arg8[%dma_wait3A_138, %dma_wait3A_144] : memref<160x128xi32, #tpu.memory_space<vmem>> -> memref<1x128xi32, #tpu.memory_space<vmem>>
    %dma_wait3A_146 = tpu.memref_squeeze %dma_wait3A_145 : memref<1x128xi32, #tpu.memory_space<vmem>> -> memref<128xi32, #tpu.memory_space<vmem>>
    %dma_wait3A_147 = arith.constant 0 : i32
    %dma_wait3A_148 = arith.constant 0 : i32
    %dma_wait3A_149 = tpu.memref_slice %arg2[%dma_wait3A_147, %dma_wait3A_148] : memref<20480x64xf32, #tpu.memory_space<hbm>> -> memref<20480x64xf32, #tpu.memory_space<hbm>>
    tpu.wait_indirect_dma semaphore(%arg17 : memref<!tpu.dma_semaphore, #tpu.memory_space<semaphore_mem>>) src(%dma_wait3A_149 : memref<20480x64xf32, #tpu.memory_space<hbm>>) dst(%dma_wait3A_143 : memref<128x64xf32, #tpu.memory_space<vmem>>)
    %barrier3A_150 = arith.constant 0 : index
    tpu.barrier barrier_id(%barrier3A_150)
    %scan3A_151 = arith.constant 0 : i32
    %scan3A_152 = arith.constant 0 : i32
    %scan3A_153 = arith.constant 5 : i32
    %scan3A_154 = arith.addi %scan3A_152, %scan3A_153 : i32
    %scan3A_155 = arith.constant 1 : i32
    scf.for %scan3A_157 = %scan3A_152 to %scan3A_154 step %scan3A_155  : i32 {
      %mul3A_158 = arith.constant 640 : i32
      %mul3A_159 = arith.muli %arg1, %mul3A_158 : i32
      %mul3A_160 = arith.constant 128 : i32
      %mul3A_161 = arith.muli %scan3A_157, %mul3A_160 : i32
      %add3A = arith.addi %mul3A_159, %mul3A_161 : i32
      "tpu.region"() ({
        %run_scoped3A = tpu.sem_alloc : memref<!tpu.dma_semaphore, #tpu.memory_space<semaphore_mem>>
        %dma_start3A_174 = arith.constant 0 : i32
        %dma_start3A_175 = tpu.memref_slice %arg13[%add3A, %dma_start3A_174] : memref<10368x64xf32, #tpu.memory_space<vmem_shared>> -> memref<128x64xf32, #tpu.memory_space<vmem_shared>>
        %dma_start3A_176 = arith.constant 0 : i32
        %dma_start3A_177 = tpu.memref_slice %arg13[%add3A, %dma_start3A_176] : memref<10368x64xf32, #tpu.memory_space<vmem_shared>> -> memref<128x64xf32, #tpu.memory_space<vmem_shared>>
        tpu.enqueue_dma source(%dma_start3A_177 : memref<128x64xf32, #tpu.memory_space<vmem_shared>>) target(%arg12 : memref<128x64xf32, #tpu.memory_space<vmem>>) target_semaphore(%run_scoped3A : memref<!tpu.dma_semaphore, #tpu.memory_space<semaphore_mem>>)
        %dma_wait3A_178 = arith.constant 0 : i32
        %dma_wait3A_179 = tpu.memref_slice %arg13[%add3A, %dma_wait3A_178] : memref<10368x64xf32, #tpu.memory_space<vmem_shared>> -> memref<128x64xf32, #tpu.memory_space<vmem_shared>>
        %dma_wait3A_180 = arith.constant 0 : i32
        %dma_wait3A_181 = tpu.memref_slice %arg13[%add3A, %dma_wait3A_180] : memref<10368x64xf32, #tpu.memory_space<vmem_shared>> -> memref<128x64xf32, #tpu.memory_space<vmem_shared>>
        tpu.wait_dma2 semaphore(%run_scoped3A : memref<!tpu.dma_semaphore, #tpu.memory_space<semaphore_mem>>) src(%dma_wait3A_181 : memref<128x64xf32, #tpu.memory_space<vmem_shared>>) dst(%arg12 : memref<128x64xf32, #tpu.memory_space<vmem>>)
        tpu.yield
      }) : () -> ()
      %dma_start3A_162 = arith.constant 0 : i32
      %dma_start3A_163 = tpu.memref_slice %arg10[%scan3A_157, %dma_start3A_162] : memref<5x128xi32, #tpu.memory_space<vmem>> -> memref<1x128xi32, #tpu.memory_space<vmem>>
      %dma_start3A_164 = tpu.memref_squeeze %dma_start3A_163 : memref<1x128xi32, #tpu.memory_space<vmem>> -> memref<128xi32, #tpu.memory_space<vmem>>
      %dma_start3A_165 = arith.constant 0 : i32
      %dma_start3A_166 = arith.constant 0 : i32
      %dma_start3A_167 = tpu.memref_slice %arg7[%dma_start3A_165, %dma_start3A_166] : memref<20480x64xf32, #tpu.memory_space<hbm>> -> memref<20480x64xf32, #tpu.memory_space<hbm>>
      tpu.enqueue_indirect_dma source(%arg12 : memref<128x64xf32, #tpu.memory_space<vmem>>) target(%dma_start3A_167 : memref<20480x64xf32, #tpu.memory_space<hbm>>) offsets(%dma_start3A_164 : memref<128xi32, #tpu.memory_space<vmem>>) semaphore(%arg20 : memref<!tpu.dma_semaphore, #tpu.memory_space<semaphore_mem>>)
      %dma_wait3A_168 = arith.constant 0 : i32
      %dma_wait3A_169 = tpu.memref_slice %arg10[%scan3A_157, %dma_wait3A_168] : memref<5x128xi32, #tpu.memory_space<vmem>> -> memref<1x128xi32, #tpu.memory_space<vmem>>
      %dma_wait3A_170 = tpu.memref_squeeze %dma_wait3A_169 : memref<1x128xi32, #tpu.memory_space<vmem>> -> memref<128xi32, #tpu.memory_space<vmem>>
      %dma_wait3A_171 = arith.constant 0 : i32
      %dma_wait3A_172 = arith.constant 0 : i32
      %dma_wait3A_173 = tpu.memref_slice %arg7[%dma_wait3A_171, %dma_wait3A_172] : memref<20480x64xf32, #tpu.memory_space<hbm>> -> memref<20480x64xf32, #tpu.memory_space<hbm>>
      tpu.wait_indirect_dma semaphore(%arg20 : memref<!tpu.dma_semaphore, #tpu.memory_space<semaphore_mem>>) src(%arg12 : memref<128x64xf32, #tpu.memory_space<vmem>>) dst(%dma_wait3A_173 : memref<20480x64xf32, #tpu.memory_space<hbm>>)
    }
    %scan3A_156 = arith.constant 5 : i32
    return
  }
}

module attributes {stable_mosaic.version = 14 : i64} {
  func.func @_enc_body(%arg0: i32, %arg1: memref<2048x128xf32, #tpu.memory_space<vmem>>, %arg2: memref<128x128xf32, #tpu.memory_space<vmem>>, %arg3: memref<1x128xf32, #tpu.memory_space<vmem>>, %arg4: memref<2048x128xf32, #tpu.memory_space<vmem>>) attributes {dimension_semantics = [#tpu.dimension_semantics<arbitrary>], iteration_bounds = array<i64: 5>, scalar_prefetch = 0 : i64, scratch_operands = 0 : i64, tpu.core_type = #tpu.core_type<tc>, window_params = [{transform_indices = @transform_0, window_bounds = array<i64: 2048, 128>}, {pipeline_mode = #tpu.pipeline_mode<synchronous>, transform_indices = @transform_1, window_bounds = array<i64: 128, 128>}, {pipeline_mode = #tpu.pipeline_mode<synchronous>, transform_indices = @transform_2, window_bounds = array<i64: 1, 128>}, {transform_indices = @transform_3, window_bounds = array<i64: 2048, 128>}]} {
    %get3A = arith.constant 0 : index
    %get3A_0 = arith.constant 0 : index
    %get3A_1 = vector.load %arg1[%get3A, %get3A_0] : memref<2048x128xf32, #tpu.memory_space<vmem>>, vector<2048x128xf32>
    %get3A_2 = arith.constant 0 : index
    %get3A_3 = arith.constant 0 : index
    %get3A_4 = vector.load %arg2[%get3A_2, %get3A_3] : memref<128x128xf32, #tpu.memory_space<vmem>>, vector<128x128xf32>
    %dot_general3A = arith.constant dense<0.000000e+00> : vector<2048x128xf32>
    %dot_general3A_5 = tpu.matmul %get3A_1, %get3A_4, %dot_general3A {dimension_numbers = #tpu.dot_dimension_numbers<[1], [0], [0], [1], [0, 0, 1, 1], [], []>, transpose_lhs_hint = false} : vector<2048x128xf32>, vector<128x128xf32>, vector<2048x128xf32> -> vector<2048x128xf32>
    %get3A_6 = arith.constant 0 : index
    %get3A_7 = arith.constant 0 : index
    %get3A_8 = vector.load %arg3[%get3A_6, %get3A_7] : memref<1x128xf32, #tpu.memory_space<vmem>>, vector<1x128xf32>
    %add3A = vector.broadcast %get3A_8 : vector<1x128xf32> to vector<2048x128xf32>
    %add3A_9 = arith.addf %dot_general3A_5, %add3A : vector<2048x128xf32>
    %swap3A = arith.constant 0 : index
    %swap3A_10 = arith.constant 0 : index
    %swap3A_11 = vector.load %arg4[%swap3A, %swap3A_10] : memref<2048x128xf32, #tpu.memory_space<vmem>>, vector<2048x128xf32>
    tpu.vector_store %arg4[%swap3A, %swap3A_10], %add3A_9 {strides = array<i32>} : memref<2048x128xf32, #tpu.memory_space<vmem>>, vector<2048x128xf32>,
    return
  }
  func.func @transform_0(%arg0: i32) -> (i32, i32) {
    %c0_i32 = arith.constant 0 : i32
    %c0_i32_0 = arith.constant 0 : i32
    return %arg0, %c0_i32 : i32, i32
  }
  func.func @transform_1(%arg0: i32) -> (i32, i32) {
    %c0_i32 = arith.constant 0 : i32
    %c0_i32_0 = arith.constant 0 : i32
    %c0_i32_1 = arith.constant 0 : i32
    return %c0_i32, %c0_i32_0 : i32, i32
  }
  func.func @transform_2(%arg0: i32) -> (i32, i32) {
    %c0_i32 = arith.constant 0 : i32
    %c0_i32_0 = arith.constant 0 : i32
    %c0_i32_1 = arith.constant 0 : i32
    return %c0_i32, %c0_i32_0 : i32, i32
  }
  func.func @transform_3(%arg0: i32) -> (i32, i32) {
    %c0_i32 = arith.constant 0 : i32
    %c0_i32_0 = arith.constant 0 : i32
    return %arg0, %c0_i32 : i32, i32
  }
}

module attributes {stable_mosaic.version = 14 : i64} {
  func.func @_pool_body(%arg0: i32, %arg1: memref<2048x128xf32, #tpu.memory_space<vmem>>, %arg2: memref<2048x128xf32, #tpu.memory_space<vmem>>, %arg3: memref<128x128xf32, #tpu.memory_space<vmem>>, %arg4: memref<1x128xf32, #tpu.memory_space<vmem>>, %arg5: memref<128x128xf32, #tpu.memory_space<vmem>>, %arg6: memref<1x128xf32, #tpu.memory_space<vmem>>, %arg7: memref<1x1x2048xi32, #tpu.memory_space<vmem>>, %arg8: memref<128x128xf32, #tpu.memory_space<vmem>>, %arg9: memref<1x128xf32, #tpu.memory_space<vmem>>, %arg10: memref<128x128xf32, #tpu.memory_space<vmem>>, %arg11: memref<1x128xf32, #tpu.memory_space<vmem>>, %arg12: memref<64x128xf32, #tpu.memory_space<vmem>>, %arg13: memref<64x128xf32, #tpu.memory_space<vmem>>, %arg14: memref<64x1xf32, #tpu.memory_space<vmem>>) attributes {dimension_semantics = [#tpu.dimension_semantics<arbitrary>], iteration_bounds = array<i64: 5>, scalar_prefetch = 0 : i64, scratch_operands = 2 : i64, tpu.core_type = #tpu.core_type<tc>, window_params = [{transform_indices = @transform_0, window_bounds = array<i64: 2048, 128>}, {transform_indices = @transform_1, window_bounds = array<i64: 2048, 128>}, {pipeline_mode = #tpu.pipeline_mode<synchronous>, transform_indices = @transform_2, window_bounds = array<i64: 128, 128>}, {pipeline_mode = #tpu.pipeline_mode<synchronous>, transform_indices = @transform_3, window_bounds = array<i64: 1, 128>}, {pipeline_mode = #tpu.pipeline_mode<synchronous>, transform_indices = @transform_4, window_bounds = array<i64: 128, 128>}, {pipeline_mode = #tpu.pipeline_mode<synchronous>, transform_indices = @transform_5, window_bounds = array<i64: 1, 128>}, {transform_indices = @transform_6, window_bounds = array<i64: 1, 1, 2048>}, {pipeline_mode = #tpu.pipeline_mode<synchronous>, transform_indices = @transform_7, window_bounds = array<i64: 128, 128>}, {pipeline_mode = #tpu.pipeline_mode<synchronous>, transform_indices = @transform_8, window_bounds = array<i64: 1, 128>}, {pipeline_mode = #tpu.pipeline_mode<synchronous>, transform_indices = @transform_9, window_bounds = array<i64: 128, 128>}, {pipeline_mode = #tpu.pipeline_mode<synchronous>, transform_indices = @transform_10, window_bounds = array<i64: 1, 128>}, {pipeline_mode = #tpu.pipeline_mode<synchronous>, transform_indices = @transform_11, window_bounds = array<i64: 64, 128>}]} {
    %eq3A = arith.constant 0 : i32
    %eq3A_0 = arith.cmpi eq, %arg0, %eq3A : i32
    %convert_element_type3A = arith.extui %eq3A_0 : i1 to i32
    %cond3A = arith.constant 0 : i32
    %cond3A_1 = arith.cmpi ne, %convert_element_type3A, %cond3A : i32
    scf.if %cond3A_1 {
      %broadcast_in_dim3A_59 = arith.constant 0.000000e+00 : f32
      %broadcast_in_dim3A_60 = vector.broadcast %broadcast_in_dim3A_59 : f32 to vector<64x128xf32>
      %swap3A_61 = arith.constant 0 : index
      %swap3A_62 = arith.constant 0 : index
      %swap3A_63 = vector.load %arg13[%swap3A_61, %swap3A_62] : memref<64x128xf32, #tpu.memory_space<vmem>>, vector<64x128xf32>
      tpu.vector_store %arg13[%swap3A_61, %swap3A_62], %broadcast_in_dim3A_60 {strides = array<i32>} : memref<64x128xf32, #tpu.memory_space<vmem>>, vector<64x128xf32>,
      %broadcast_in_dim3A_64 = arith.constant 0.000000e+00 : f32
      %broadcast_in_dim3A_65 = vector.broadcast %broadcast_in_dim3A_64 : f32 to vector<64x1xf32>
      %swap3A_66 = arith.constant 0 : index
      %swap3A_67 = arith.constant 0 : index
      %swap3A_68 = vector.load %arg14[%swap3A_66, %swap3A_67] : memref<64x1xf32, #tpu.memory_space<vmem>>, vector<64x1xf32>
      tpu.vector_store %arg14[%swap3A_66, %swap3A_67], %broadcast_in_dim3A_65 {strides = array<i32>} : memref<64x1xf32, #tpu.memory_space<vmem>>, vector<64x1xf32>,
    } else {
    }
    %get3A = arith.constant 0 : index
    %get3A_2 = arith.constant 0 : index
    %get3A_3 = vector.load %arg1[%get3A, %get3A_2] : memref<2048x128xf32, #tpu.memory_space<vmem>>, vector<2048x128xf32>
    %get3A_4 = arith.constant 0 : index
    %get3A_5 = arith.constant 0 : index
    %get3A_6 = vector.load %arg2[%get3A_4, %get3A_5] : memref<2048x128xf32, #tpu.memory_space<vmem>>, vector<2048x128xf32>
    %add3A = arith.addf %get3A_3, %get3A_6 : vector<2048x128xf32>
    %get3A_7 = arith.constant 0 : index
    %get3A_8 = arith.constant 0 : index
    %get3A_9 = vector.load %arg3[%get3A_7, %get3A_8] : memref<128x128xf32, #tpu.memory_space<vmem>>, vector<128x128xf32>
    %dot_general3A = arith.constant dense<0.000000e+00> : vector<2048x128xf32>
    %dot_general3A_10 = tpu.matmul %add3A, %get3A_9, %dot_general3A {dimension_numbers = #tpu.dot_dimension_numbers<[1], [0], [0], [1], [0, 0, 1, 1], [], []>, transpose_lhs_hint = false} : vector<2048x128xf32>, vector<128x128xf32>, vector<2048x128xf32> -> vector<2048x128xf32>
    %get3A_11 = arith.constant 0 : index
    %get3A_12 = arith.constant 0 : index
    %get3A_13 = vector.load %arg4[%get3A_11, %get3A_12] : memref<1x128xf32, #tpu.memory_space<vmem>>, vector<1x128xf32>
    %add3A_14 = vector.broadcast %get3A_13 : vector<1x128xf32> to vector<2048x128xf32>
    %add3A_15 = arith.addf %dot_general3A_10, %add3A_14 : vector<2048x128xf32>
    %max3A = arith.constant 0.000000e+00 : f32
    %max3A_16 = vector.broadcast %max3A : f32 to vector<2048x128xf32>
    %max3A_17 = arith.maximumf %add3A_15, %max3A_16 : vector<2048x128xf32>
    %get3A_18 = arith.constant 0 : index
    %get3A_19 = arith.constant 0 : index
    %get3A_20 = vector.load %arg5[%get3A_18, %get3A_19] : memref<128x128xf32, #tpu.memory_space<vmem>>, vector<128x128xf32>
    %dot_general3A_21 = arith.constant dense<0.000000e+00> : vector<2048x128xf32>
    %dot_general3A_22 = tpu.matmul %max3A_17, %get3A_20, %dot_general3A_21 {dimension_numbers = #tpu.dot_dimension_numbers<[1], [0], [0], [1], [0, 0, 1, 1], [], []>, transpose_lhs_hint = false} : vector<2048x128xf32>, vector<128x128xf32>, vector<2048x128xf32> -> vector<2048x128xf32>
    %get3A_23 = arith.constant 0 : index
    %get3A_24 = arith.constant 0 : index
    %get3A_25 = vector.load %arg6[%get3A_23, %get3A_24] : memref<1x128xf32, #tpu.memory_space<vmem>>, vector<1x128xf32>
    %add3A_26 = vector.broadcast %get3A_25 : vector<1x128xf32> to vector<2048x128xf32>
    %add3A_27 = arith.addf %dot_general3A_22, %add3A_26 : vector<2048x128xf32>
    %get3A_28 = arith.constant 0 : index
    %get3A_29 = arith.constant 0 : index
    %get3A_30 = arith.constant 0 : index
    %get3A_31 = vector.load %arg7[%get3A_28, %get3A_29, %get3A_30] : memref<1x1x2048xi32, #tpu.memory_space<vmem>>, vector<1x1x2048xi32>
    %get3A_32 = vector.shape_cast %get3A_31 : vector<1x1x2048xi32> to vector<2048xi32>
    %iota3A = tpu.iota {dimensions = array<i32: 0>} : vector<64x2048xi32>
    %broadcast_in_dim3A = vector.shape_cast %get3A_32 : vector<2048xi32> to vector<1x2048xi32>
    %eq3A_33 = vector.broadcast %broadcast_in_dim3A : vector<1x2048xi32> to vector<64x2048xi32>
    %eq3A_34 = arith.cmpi eq, %iota3A, %eq3A_33 : vector<64x2048xi32>
    %convert_element_type3A_35 = arith.extui %eq3A_34 : vector<64x2048xi1> to vector<64x2048xi32>
    %convert_element_type3A_36 = arith.sitofp %convert_element_type3A_35 : vector<64x2048xi32> to vector<64x2048xf32>
    %get3A_37 = arith.constant 0 : index
    %get3A_38 = arith.constant 0 : index
    %get3A_39 = vector.load %arg13[%get3A_37, %get3A_38] : memref<64x128xf32, #tpu.memory_space<vmem>>, vector<64x128xf32>
    %dot_general3A_40 = arith.constant dense<0.000000e+00> : vector<64x128xf32>
    %dot_general3A_41 = tpu.matmul %convert_element_type3A_36, %add3A_27, %dot_general3A_40 {dimension_numbers = #tpu.dot_dimension_numbers<[1], [0], [0], [1], [0, 0, 1, 1], [], []>, transpose_lhs_hint = false} : vector<64x2048xf32>, vector<2048x128xf32>, vector<64x128xf32> -> vector<64x128xf32>
    %add3A_42 = arith.addf %get3A_39, %dot_general3A_41 : vector<64x128xf32>
    %swap3A = arith.constant 0 : index
    %swap3A_43 = arith.constant 0 : index
    %swap3A_44 = vector.load %arg13[%swap3A, %swap3A_43] : memref<64x128xf32, #tpu.memory_space<vmem>>, vector<64x128xf32>
    tpu.vector_store %arg13[%swap3A, %swap3A_43], %add3A_42 {strides = array<i32>} : memref<64x128xf32, #tpu.memory_space<vmem>>, vector<64x128xf32>,
    %get3A_45 = arith.constant 0 : index
    %get3A_46 = arith.constant 0 : index
    %get3A_47 = vector.load %arg14[%get3A_45, %get3A_46] : memref<64x1xf32, #tpu.memory_space<vmem>>, vector<64x1xf32>
    %reduce_sum3A = arith.constant dense<0.000000e+00> : vector<64xf32>
    %reduce_sum3A_48 = vector.multi_reduction <add>, %convert_element_type3A_36, %reduce_sum3A [1] : vector<64x2048xf32> to vector<64xf32>
    %broadcast_in_dim3A_49 = vector.shape_cast %reduce_sum3A_48 : vector<64xf32> to vector<64x1xf32>
    %add3A_50 = arith.addf %get3A_47, %broadcast_in_dim3A_49 : vector<64x1xf32>
    %swap3A_51 = arith.constant 0 : index
    %swap3A_52 = arith.constant 0 : index
    %swap3A_53 = vector.load %arg14[%swap3A_51, %swap3A_52] : memref<64x1xf32, #tpu.memory_space<vmem>>, vector<64x1xf32>
    tpu.vector_store %arg14[%swap3A_51, %swap3A_52], %add3A_50 {strides = array<i32>} : memref<64x1xf32, #tpu.memory_space<vmem>>, vector<64x1xf32>,
    %eq3A_54 = arith.constant 4 : i32
    %eq3A_55 = arith.cmpi eq, %arg0, %eq3A_54 : i32
    %convert_element_type3A_56 = arith.extui %eq3A_55 : i1 to i32
    %cond3A_57 = arith.constant 0 : i32
    %cond3A_58 = arith.cmpi ne, %convert_element_type3A_56, %cond3A_57 : i32
    scf.if %cond3A_58 {
      %get3A_59 = arith.constant 0 : index
      %get3A_60 = arith.constant 0 : index
      %get3A_61 = vector.load %arg13[%get3A_59, %get3A_60] : memref<64x128xf32, #tpu.memory_space<vmem>>, vector<64x128xf32>
      %get3A_62 = arith.constant 0 : index
      %get3A_63 = arith.constant 0 : index
      %get3A_64 = vector.load %arg14[%get3A_62, %get3A_63] : memref<64x1xf32, #tpu.memory_space<vmem>>, vector<64x1xf32>
      %max3A_65 = arith.constant 1.000000e+00 : f32
      %max3A_66 = vector.broadcast %max3A_65 : f32 to vector<64x1xf32>
      %max3A_67 = arith.maximumf %get3A_64, %max3A_66 : vector<64x1xf32>
      %div3A = vector.broadcast %max3A_67 : vector<64x1xf32> to vector<64x128xf32>
      %div3A_68 = arith.divf %get3A_61, %div3A : vector<64x128xf32>
      %get3A_69 = arith.constant 0 : index
      %get3A_70 = arith.constant 0 : index
      %get3A_71 = vector.load %arg8[%get3A_69, %get3A_70] : memref<128x128xf32, #tpu.memory_space<vmem>>, vector<128x128xf32>
      %dot_general3A_72 = arith.constant dense<0.000000e+00> : vector<64x128xf32>
      %dot_general3A_73 = tpu.matmul %div3A_68, %get3A_71, %dot_general3A_72 {dimension_numbers = #tpu.dot_dimension_numbers<[1], [0], [0], [1], [0, 0, 1, 1], [], []>, transpose_lhs_hint = false} : vector<64x128xf32>, vector<128x128xf32>, vector<64x128xf32> -> vector<64x128xf32>
      %get3A_74 = arith.constant 0 : index
      %get3A_75 = arith.constant 0 : index
      %get3A_76 = vector.load %arg9[%get3A_74, %get3A_75] : memref<1x128xf32, #tpu.memory_space<vmem>>, vector<1x128xf32>
      %add3A_77 = vector.broadcast %get3A_76 : vector<1x128xf32> to vector<64x128xf32>
      %add3A_78 = arith.addf %dot_general3A_73, %add3A_77 : vector<64x128xf32>
      %mul3A = arith.constant 5.000000e-01 : f32
      %mul3A_79 = vector.broadcast %mul3A : f32 to vector<64x128xf32>
      %mul3A_80 = arith.mulf %mul3A_79, %add3A_78 : vector<64x128xf32>
      %mul3A_81 = arith.constant 0.707106769 : f32
      %mul3A_82 = vector.broadcast %mul3A_81 : f32 to vector<64x128xf32>
      %mul3A_83 = arith.mulf %add3A_78, %mul3A_82 : vector<64x128xf32>
      %erf3A = math.erf %mul3A_83 : vector<64x128xf32>
      %add3A_84 = arith.constant 1.000000e+00 : f32
      %add3A_85 = vector.broadcast %add3A_84 : f32 to vector<64x128xf32>
      %add3A_86 = arith.addf %add3A_85, %erf3A : vector<64x128xf32>
      %mul3A_87 = arith.mulf %mul3A_80, %add3A_86 : vector<64x128xf32>
      %get3A_88 = arith.constant 0 : index
      %get3A_89 = arith.constant 0 : index
      %get3A_90 = vector.load %arg10[%get3A_88, %get3A_89] : memref<128x128xf32, #tpu.memory_space<vmem>>, vector<128x128xf32>
      %dot_general3A_91 = arith.constant dense<0.000000e+00> : vector<64x128xf32>
      %dot_general3A_92 = tpu.matmul %mul3A_87, %get3A_90, %dot_general3A_91 {dimension_numbers = #tpu.dot_dimension_numbers<[1], [0], [0], [1], [0, 0, 1, 1], [], []>, transpose_lhs_hint = false} : vector<64x128xf32>, vector<128x128xf32>, vector<64x128xf32> -> vector<64x128xf32>
      %get3A_93 = arith.constant 0 : index
      %get3A_94 = arith.constant 0 : index
      %get3A_95 = vector.load %arg11[%get3A_93, %get3A_94] : memref<1x128xf32, #tpu.memory_space<vmem>>, vector<1x128xf32>
      %add3A_96 = vector.broadcast %get3A_95 : vector<1x128xf32> to vector<64x128xf32>
      %add3A_97 = arith.addf %dot_general3A_92, %add3A_96 : vector<64x128xf32>
      %swap3A_98 = arith.constant 0 : index
      %swap3A_99 = arith.constant 0 : index
      %swap3A_100 = vector.load %arg12[%swap3A_98, %swap3A_99] : memref<64x128xf32, #tpu.memory_space<vmem>>, vector<64x128xf32>
      tpu.vector_store %arg12[%swap3A_98, %swap3A_99], %add3A_97 {strides = array<i32>} : memref<64x128xf32, #tpu.memory_space<vmem>>, vector<64x128xf32>,
    } else {
    }
    return
  }
  func.func @transform_0(%arg0: i32) -> (i32, i32) {
    %c0_i32 = arith.constant 0 : i32
    %c0_i32_0 = arith.constant 0 : i32
    return %arg0, %c0_i32 : i32, i32
  }
  func.func @transform_1(%arg0: i32) -> (i32, i32) {
    %c0_i32 = arith.constant 0 : i32
    %c0_i32_0 = arith.constant 0 : i32
    return %arg0, %c0_i32 : i32, i32
  }
  func.func @transform_2(%arg0: i32) -> (i32, i32) {
    %c0_i32 = arith.constant 0 : i32
    %c0_i32_0 = arith.constant 0 : i32
    %c0_i32_1 = arith.constant 0 : i32
    return %c0_i32, %c0_i32_0 : i32, i32
  }
  func.func @transform_3(%arg0: i32) -> (i32, i32) {
    %c0_i32 = arith.constant 0 : i32
    %c0_i32_0 = arith.constant 0 : i32
    %c0_i32_1 = arith.constant 0 : i32
    return %c0_i32, %c0_i32_0 : i32, i32
  }
  func.func @transform_4(%arg0: i32) -> (i32, i32) {
    %c0_i32 = arith.constant 0 : i32
    %c0_i32_0 = arith.constant 0 : i32
    %c0_i32_1 = arith.constant 0 : i32
    return %c0_i32, %c0_i32_0 : i32, i32
  }
  func.func @transform_5(%arg0: i32) -> (i32, i32) {
    %c0_i32 = arith.constant 0 : i32
    %c0_i32_0 = arith.constant 0 : i32
    %c0_i32_1 = arith.constant 0 : i32
    return %c0_i32, %c0_i32_0 : i32, i32
  }
  func.func @transform_6(%arg0: i32) -> (i32, i32, i32) {
    %c0_i32 = arith.constant 0 : i32
    %c0_i32_0 = arith.constant 0 : i32
    %c0_i32_1 = arith.constant 0 : i32
    return %arg0, %c0_i32, %c0_i32_0 : i32, i32, i32
  }
  func.func @transform_7(%arg0: i32) -> (i32, i32) {
    %c0_i32 = arith.constant 0 : i32
    %c0_i32_0 = arith.constant 0 : i32
    %c0_i32_1 = arith.constant 0 : i32
    return %c0_i32, %c0_i32_0 : i32, i32
  }
  func.func @transform_8(%arg0: i32) -> (i32, i32) {
    %c0_i32 = arith.constant 0 : i32
    %c0_i32_0 = arith.constant 0 : i32
    %c0_i32_1 = arith.constant 0 : i32
    return %c0_i32, %c0_i32_0 : i32, i32
  }
  func.func @transform_9(%arg0: i32) -> (i32, i32) {
    %c0_i32 = arith.constant 0 : i32
    %c0_i32_0 = arith.constant 0 : i32
    %c0_i32_1 = arith.constant 0 : i32
    return %c0_i32, %c0_i32_0 : i32, i32
  }
  func.func @transform_10(%arg0: i32) -> (i32, i32) {
    %c0_i32 = arith.constant 0 : i32
    %c0_i32_0 = arith.constant 0 : i32
    %c0_i32_1 = arith.constant 0 : i32
    return %c0_i32, %c0_i32_0 : i32, i32
  }
  func.func @transform_11(%arg0: i32) -> (i32, i32) {
    %c0_i32 = arith.constant 0 : i32
    %c0_i32_0 = arith.constant 0 : i32
    %c0_i32_1 = arith.constant 0 : i32
    return %c0_i32, %c0_i32_0 : i32, i32
  }
}

module attributes {stable_mosaic.version = 14 : i64} {
  func.func @_mlp_body(%arg0: i32, %arg1: memref<2048x128xf32, #tpu.memory_space<vmem>>, %arg2: memref<2048x128xf32, #tpu.memory_space<vmem>>, %arg3: memref<128x128xf32, #tpu.memory_space<vmem>>, %arg4: memref<1x128xf32, #tpu.memory_space<vmem>>, %arg5: memref<128x128xf32, #tpu.memory_space<vmem>>, %arg6: memref<1x128xf32, #tpu.memory_space<vmem>>, %arg7: memref<2048x128xf32, #tpu.memory_space<vmem>>) attributes {dimension_semantics = [#tpu.dimension_semantics<arbitrary>], iteration_bounds = array<i64: 5>, scalar_prefetch = 0 : i64, scratch_operands = 0 : i64, tpu.core_type = #tpu.core_type<tc>, window_params = [{transform_indices = @transform_0, window_bounds = array<i64: 2048, 128>}, {transform_indices = @transform_1, window_bounds = array<i64: 2048, 128>}, {pipeline_mode = #tpu.pipeline_mode<synchronous>, transform_indices = @transform_2, window_bounds = array<i64: 128, 128>}, {pipeline_mode = #tpu.pipeline_mode<synchronous>, transform_indices = @transform_3, window_bounds = array<i64: 1, 128>}, {pipeline_mode = #tpu.pipeline_mode<synchronous>, transform_indices = @transform_4, window_bounds = array<i64: 128, 128>}, {pipeline_mode = #tpu.pipeline_mode<synchronous>, transform_indices = @transform_5, window_bounds = array<i64: 1, 128>}, {transform_indices = @transform_6, window_bounds = array<i64: 2048, 128>}]} {
    %get3A = arith.constant 0 : index
    %get3A_0 = arith.constant 0 : index
    %get3A_1 = vector.load %arg1[%get3A, %get3A_0] : memref<2048x128xf32, #tpu.memory_space<vmem>>, vector<2048x128xf32>
    %get3A_2 = arith.constant 0 : index
    %get3A_3 = arith.constant 0 : index
    %get3A_4 = vector.load %arg2[%get3A_2, %get3A_3] : memref<2048x128xf32, #tpu.memory_space<vmem>>, vector<2048x128xf32>
    %add3A = arith.addf %get3A_1, %get3A_4 : vector<2048x128xf32>
    %get3A_5 = arith.constant 0 : index
    %get3A_6 = arith.constant 0 : index
    %get3A_7 = vector.load %arg3[%get3A_5, %get3A_6] : memref<128x128xf32, #tpu.memory_space<vmem>>, vector<128x128xf32>
    %dot_general3A = arith.constant dense<0.000000e+00> : vector<2048x128xf32>
    %dot_general3A_8 = tpu.matmul %add3A, %get3A_7, %dot_general3A {dimension_numbers = #tpu.dot_dimension_numbers<[1], [0], [0], [1], [0, 0, 1, 1], [], []>, transpose_lhs_hint = false} : vector<2048x128xf32>, vector<128x128xf32>, vector<2048x128xf32> -> vector<2048x128xf32>
    %get3A_9 = arith.constant 0 : index
    %get3A_10 = arith.constant 0 : index
    %get3A_11 = vector.load %arg4[%get3A_9, %get3A_10] : memref<1x128xf32, #tpu.memory_space<vmem>>, vector<1x128xf32>
    %add3A_12 = vector.broadcast %get3A_11 : vector<1x128xf32> to vector<2048x128xf32>
    %add3A_13 = arith.addf %dot_general3A_8, %add3A_12 : vector<2048x128xf32>
    %max3A = arith.constant 0.000000e+00 : f32
    %max3A_14 = vector.broadcast %max3A : f32 to vector<2048x128xf32>
    %max3A_15 = arith.maximumf %add3A_13, %max3A_14 : vector<2048x128xf32>
    %get3A_16 = arith.constant 0 : index
    %get3A_17 = arith.constant 0 : index
    %get3A_18 = vector.load %arg5[%get3A_16, %get3A_17] : memref<128x128xf32, #tpu.memory_space<vmem>>, vector<128x128xf32>
    %dot_general3A_19 = arith.constant dense<0.000000e+00> : vector<2048x128xf32>
    %dot_general3A_20 = tpu.matmul %max3A_15, %get3A_18, %dot_general3A_19 {dimension_numbers = #tpu.dot_dimension_numbers<[1], [0], [0], [1], [0, 0, 1, 1], [], []>, transpose_lhs_hint = false} : vector<2048x128xf32>, vector<128x128xf32>, vector<2048x128xf32> -> vector<2048x128xf32>
    %get3A_21 = arith.constant 0 : index
    %get3A_22 = arith.constant 0 : index
    %get3A_23 = vector.load %arg6[%get3A_21, %get3A_22] : memref<1x128xf32, #tpu.memory_space<vmem>>, vector<1x128xf32>
    %add3A_24 = vector.broadcast %get3A_23 : vector<1x128xf32> to vector<2048x128xf32>
    %add3A_25 = arith.addf %dot_general3A_20, %add3A_24 : vector<2048x128xf32>
    %max3A_26 = arith.constant 0.000000e+00 : f32
    %max3A_27 = vector.broadcast %max3A_26 : f32 to vector<2048x128xf32>
    %max3A_28 = arith.maximumf %add3A_25, %max3A_27 : vector<2048x128xf32>
    %swap3A = arith.constant 0 : index
    %swap3A_29 = arith.constant 0 : index
    %swap3A_30 = vector.load %arg7[%swap3A, %swap3A_29] : memref<2048x128xf32, #tpu.memory_space<vmem>>, vector<2048x128xf32>
    tpu.vector_store %arg7[%swap3A, %swap3A_29], %max3A_28 {strides = array<i32>} : memref<2048x128xf32, #tpu.memory_space<vmem>>, vector<2048x128xf32>,
    return
  }
  func.func @transform_0(%arg0: i32) -> (i32, i32) {
    %c0_i32 = arith.constant 0 : i32
    %c0_i32_0 = arith.constant 0 : i32
    return %arg0, %c0_i32 : i32, i32
  }
  func.func @transform_1(%arg0: i32) -> (i32, i32) {
    %c0_i32 = arith.constant 0 : i32
    %c0_i32_0 = arith.constant 0 : i32
    return %arg0, %c0_i32 : i32, i32
  }
  func.func @transform_2(%arg0: i32) -> (i32, i32) {
    %c0_i32 = arith.constant 0 : i32
    %c0_i32_0 = arith.constant 0 : i32
    %c0_i32_1 = arith.constant 0 : i32
    return %c0_i32, %c0_i32_0 : i32, i32
  }
  func.func @transform_3(%arg0: i32) -> (i32, i32) {
    %c0_i32 = arith.constant 0 : i32
    %c0_i32_0 = arith.constant 0 : i32
    %c0_i32_1 = arith.constant 0 : i32
    return %c0_i32, %c0_i32_0 : i32, i32
  }
  func.func @transform_4(%arg0: i32) -> (i32, i32) {
    %c0_i32 = arith.constant 0 : i32
    %c0_i32_0 = arith.constant 0 : i32
    %c0_i32_1 = arith.constant 0 : i32
    return %c0_i32, %c0_i32_0 : i32, i32
  }
  func.func @transform_5(%arg0: i32) -> (i32, i32) {
    %c0_i32 = arith.constant 0 : i32
    %c0_i32_0 = arith.constant 0 : i32
    %c0_i32_1 = arith.constant 0 : i32
    return %c0_i32, %c0_i32_0 : i32, i32
  }
  func.func @transform_6(%arg0: i32) -> (i32, i32) {
    %c0_i32 = arith.constant 0 : i32
    %c0_i32_0 = arith.constant 0 : i32
    return %arg0, %c0_i32 : i32, i32
  }
}

</mosaic_0001>

<sc_bundles>
// kernel: kernel.10.cloned.1.call-start
scs
__scs_entry_jumppad:
0x0: {  	(pc) =	sbr.rel $0x88, $3  }
0x1: {  	(tag) =	ssettag $0x0;
	lr =	simm.s32 $0x1  }
0x2: {  	[smem:$0x3F88] =	sst lr;
	_ =	strace $0xD0000000  }
0x3: {  	_ = 	snop  }
0x4: {  	_ = 	snop  }
0x5: {  	_ = 	snop  }
0x6: {  	_ = 	snop  }
0x7: {  	_ = 	snop  }
__scs_overlays_trampoline_lowered:
0x8: {  	[smem:$0x3F97] =	sst s0  }
0x9: {  	[smem:$0x3F98] =	sst s1  }
0xa: {  	[smem:$0x3F99] =	sst s2  }
0xb: {  	[smem:$0x3F9A] =	sst s3  }
0xc: {  	[smem:$0x3F9B] =	sst s4  }
0xd: {  	[smem:$0x3F9C] =	sst s5  }
0xe: {  	[smem:$0x3F9D] =	sst s6  }
0xf: {  	[smem:$0x3F9E] =	sst s7  }
0x10: {  	[smem:$0x3F9F] =	sst s8  }
0x11: {  	[smem:$0x3FA0] =	sst s9;
	s0 =	simm.s32 @!p0 $0x0  }
0x12: {  	s1 =	sld [smem:$0x3F86];
	s0 =	simm.s32 @p0 $0x1  }
0x13: {  	[smem:$0x3FA1] =	sst s0;
	s0 =	simm.s32 @!p1 $0x0  }
0x14: {  	s2 =	sld [smem:$0x3F85];
	s0 =	simm.s32 @p1 $0x1  }
0x15: {  	[smem:$0x3FA2] =	sst s0;
	s0 =	simm.s32 @!p2 $0x0  }
0x16: {  	s3 =	sld [smem:$0x3FDB];
	s0 =	simm.s32 @p2 $0x1  }
0x17: {  	s4 =	simm.s32 $0x1BF5;
	[smem:$0x3FA4] =	sst s0  }
0x18: {  	s0 =	sld [smem:$0x3F87];
	_ =	swait.ge [sflag:s4], $0x0  }
0x19: {  	s7 =	sld [smem:$0x3F88]  }
0x1a: {  	s8 =	sadd.s32 $0xFFFFE003, lr  }
0x1b: {  	s9 =	sadd.s32 $0xFFFFFEF7, lr;
	s5 =	simm.s32 $0xFFFFFFFF;
	p2 =	slt.u32 s8, $0xFFFFF086  }
0x1c: {  	p1 =	slt.u32 s9, $0xF7A;
	s5 =	simm.s32 @!p2 $0x0  }
0x1d: {  	s5 =	simm.s32 @p1 $0x1;
	p0 =	seq.s32 s7, s2  }
0x1e: {  	s7 =	smul.u32 @!p0 $0xF7A, s2;
	p2 =	seq.s32 @!p0 s5, $0x0  }
0x1f: {  	s9 =	smul.u32 $0xF7A, s1;
	s8 =	simm.s32 @!p0 $0x1BF5;
	p2 =	por !p2, p0  }
0x20: {  	[sflag:s8] =	ssyncset.s32 @!p0 $0xFFFFF086;
	s6 =	sadd.s32 @!p0 s3, s7;
	s7 =	simm.s32 @!p0 $0x108  }
0x21: {  	s3 =	sadd.s32 s3, s9;
	s6 =	sadd.s32 @!p0 $0x88, s6;
	s7 =	simm.s32 @p2 $0x1082  }
0x22: {  	[simem:s7], [sflag:s8] =	dma.local @!p0 [hbm:s6], $0xF7A  }
0x23: {  	s9 =	sor.u32 $0xD0000000, s2;
	s6 =	simm.s32 $0x108;
	_ =	swait.ge @!p0 [sflag:s8], $0x0  }
0x24: {  	s3 =	sadd.s32 $0x88, s3;
	s6 =	simm.s32 @!p1 $0x1082;
	[sflag:s4] =	ssyncset.s32 $0xFFFFF086  }
0x25: {  	[simem:s6], [sflag:s4] =	dma.local [hbm:s3], $0xF7A  }
0x26: {  	[smem:$0x3F88] =	sst s1;
	(tag) =	ssettag s2;
	_ =	strace s9  }
0x27: {  	s1 =	sld [smem:$0x3F98]  }
0x28: {  	s2 =	sld [smem:$0x3F99]  }
0x29: {  	s4 =	sld [smem:$0x3F9B]  }
0x2a: {  	p0 =	seq.s32 s5, $0x0;
	s5 =	sld [smem:$0x3F9C]  }
0x2b: {  	s6 =	sld [smem:$0x3F9D]  }
0x2c: {  	s7 =	sld [smem:$0x3F9E]  }
0x2d: {  	s3 =	simm.s32 $0x108;
	s8 =	sld [smem:$0x3F9F]  }
0x2e: {  	s3 =	simm.s32 @!p0 $0x1082;
	s9 =	sld [smem:$0x3FA0]  }
0x2f: {  	lr =	sadd.s32 s0, s3;
	s0 =	sld [smem:$0x3F97]  }
0x30: {  	s3 =	sld [smem:$0x3F9A]  }
0x31: {  	[smem:$0x3FA3] =	sst s10  }
0x32: {  	s10 =	sld [smem:$0x3FA1];
	_ =	sdelay $0x3  }
0x33: {  	p0 =	seq.s32 s10, $0x1;
	s10 =	sld [smem:$0x3FA3];
	_ =	sdelay $0x3  }
0x34: {  	[smem:$0x3FA3] =	sst s10  }
0x35: {  	s10 =	sld [smem:$0x3FA2];
	_ =	sdelay $0x3  }
0x36: {  	p1 =	seq.s32 s10, $0x1;
	s10 =	sld [smem:$0x3FA3];
	_ =	sdelay $0x3  }
0x37: {  	[smem:$0x3FA3] =	sst s10  }
0x38: {  	s10 =	sld [smem:$0x3FA4]  }
0x39: {  	_ = 	snop;
	(pc) =	sbr.ind lr, $3  }
0x3a: {  	_ = 	snop  }
0x3b: {  	_ = 	snop  }
0x3c: {  	p2 =	seq.s32 s10, $0x1;
	s10 =	sld [smem:$0x3FA3]  }
0x3d: {  	_ =	shalt  }
0x3e: {  	_ =	shalt  }
0x3f: {  	_ =	shalt  }
0x40: {  	_ =	shalt  }
0x41: {  	_ =	shalt  }
0x42: {  	_ =	shalt  }
0x43: {  	_ =	shalt  }
0x44: {  	_ =	shalt  }
0x45: {  	_ =	shalt  }
0x46: {  	_ =	shalt  }
0x47: {  	_ =	shalt  }
0x48: {  	_ =	shalt  }
0x49: {  	_ =	shalt  }
0x4a: {  	_ =	shalt  }
0x4b: {  	_ =	shalt  }
0x4c: {  	_ =	shalt  }
0x4d: {  	_ =	shalt  }
0x4e: {  	_ =	shalt  }
0x4f: {  	_ =	shalt  }
0x50: {  	_ =	shalt  }
0x51: {  	_ =	shalt  }
0x52: {  	_ =	shalt  }
0x53: {  	_ =	shalt  }
0x54: {  	_ =	shalt  }
0x55: {  	_ =	shalt  }
0x56: {  	_ =	shalt  }
0x57: {  	_ =	shalt  }
0x58: {  	_ =	shalt  }
0x59: {  	_ =	shalt  }
0x5a: {  	_ =	shalt  }
0x5b: {  	_ =	shalt  }
0x5c: {  	_ =	shalt  }
0x5d: {  	_ =	shalt  }
0x5e: {  	_ =	shalt  }
0x5f: {  	_ =	shalt  }
0x60: {  	_ =	shalt  }
0x61: {  	_ =	shalt  }
0x62: {  	_ =	shalt  }
0x63: {  	_ =	shalt  }
0x64: {  	_ =	shalt  }
0x65: {  	_ =	shalt  }
0x66: {  	_ =	shalt  }
0x67: {  	_ =	shalt  }
0x68: {  	_ =	shalt  }
0x69: {  	_ =	shalt  }
0x6a: {  	_ =	shalt  }
0x6b: {  	_ =	shalt  }
0x6c: {  	_ =	shalt  }
0x6d: {  	_ =	shalt  }
0x6e: {  	_ =	shalt  }
0x6f: {  	_ =	shalt  }
0x70: {  	_ =	shalt  }
0x71: {  	_ =	shalt  }
0x72: {  	_ =	shalt  }
0x73: {  	_ =	shalt  }
0x74: {  	_ =	shalt  }
0x75: {  	_ =	shalt  }
0x76: {  	_ =	shalt  }
0x77: {  	_ =	shalt  }
0x78: {  	_ =	shalt  }
0x79: {  	_ =	shalt  }
0x7a: {  	_ =	shalt  }
0x7b: {  	_ =	shalt  }
0x7c: {  	_ =	shalt  }
0x7d: {  	_ =	shalt  }
0x7e: {  	_ =	shalt  }
0x7f: {  	_ =	shalt  }
0x80: {  	_ =	shalt  }
0x81: {  	_ =	shalt  }
0x82: {  	_ =	shalt  }
0x83: {  	_ =	shalt  }
0x84: {  	_ =	shalt  }
0x85: {  	_ =	shalt  }
0x86: {  	_ =	shalt  }
0x87: {  	_ =	shalt  }
.Lfunc_end0:
.L_simem_size_0:
called_computation.1_lowered:
.L_overlay_start_0:
0x88: {  	s2 =	sld [smem:$0x3FD9]  }
0x89: {  	s3 =	sld [smem:$0x3FFE];
	_ =	sdelay $0x1  }
0x8a: {  	s1 =	srdreg.scid  }
0x8b: {  	s0 =	sand.u32 $0x1, s1  }
0x8c: {  	s16 =	sshll.u32 s0, $0xA;
	s2 =	sadd.s32 s3, s2  }
0x8d: {  	s2 =	sadd.s32 s2, s16  }
0x8e: {  	[smem:$0x3FAF] =	sst s2  }
0x8f: {  	_ = 	snop  }
0x90: {  	(tm) =	ssettm $0x1  }
0x91: {  	s17 =	sld [smem:$0x3FFB];
	_ =	sdelay $0x3  }
0x92: {  	_ =	strace s17  }
0x93: {  	s2 =	sld [smem:$0x3FFC];
	_ =	sdelay $0x3  }
0x94: {  	_ =	strace s2  }
0x95: {  	s2 =	sld [smem:$0x3FFD];
	_ =	sdelay $0x3  }
0x96: {  	_ =	strace s2  }
0x97: {  	_ =	strace $0x8FFFFFFF  }
0x98: {  	s18 =	sld [smem:$0x3FDB];
	_ =	sdelay $0x1  }
0x99: {  	s19 =	simm.s32 $_scs_section_size  }
0x9a: {  	s4 =	simm.s32 $_size__tile_overlayer_lowered;
	s5 =	simm.s32 $_tile_overlayer_lowered  }
0x9b: {  	s22 =	simm.s32 $0x1BFF;
	s21 =	sshll.u32 s5, $0x1;
	s2 =	sadd.s32 s19, s18  }
0x9c: {  	s6 =	simm.s32 $0x0;
	s20 =	sshll.u32 s4, $0x1;
	s4 =	sadd.s32 s21, s2  }
0x9d: {  	[timem:s6], [sflag:s22] =	dma.local [hbm:s4], s20  }
0x9e: {  	_ =	swait.ge [sflag:s22], s20  }
0x9f: {  	s3 =	ssub.s32 $0x0, s20;
	[sflag:s22] =	ssyncset.done $0x0  }
0xa0: {  	[sflag:s22] =	ssyncadd.s32 s3;
	_ =	sdelay $0x1  }
0xa1: {  	s23 =	simm.s32 $0x1B8B  }
0xa2: {  	_ =	swait.ge [sflag:s23], $0x1  }
0xa3: {  	[sflag:s23] =	ssyncset.done $0x0  }
0xa4: {  	s25 =	simm.s32 $0x1B8E;
	s24 =	sld [smem:$0x3FFE];
	[sflag:s23] =	ssyncadd.s32 $0xFFFFFFFF  }
0xa5: {  	s26 =	simm.s32 $execute0_lowered;
	[smem:$0x3FD2] =	sst s25  }
0xa6: {  	s4 =	sshll.u32 s26, $0x1;
	_ =	strace $0x80000049;
	[dreg:$0x1] =	wrdreg $0xFFFFFFFF  }
0xa7: {  	s28 =	simm.s32 $_size_execute0_lowered;
	s2 =	sadd.s32 s2, s4;
	[dreg:$0x0] =	wrdreg $0x0  }
0xa8: {  	s4 =	sshll.u32 s28, $0x1;
	[dreg:$0x2] =	wrdreg s2  }
0xa9: {  	[dreg:$0x3] =	wrdreg s4  }
0xaa: {  	[dreg:$0x4] =	wrdreg $0xC0  }
0xab: {  	_ =	task [dreg:s6], $0x5FFFF  }
0xac: {  	[dreg:$0x1] =	wrdreg $0xFFFFFFFF  }
0xad: {  	[dreg:$0x0] =	wrdreg $0x60  }
0xae: {  	[dreg:$0x2] =	wrdreg s24  }
0xaf: {  	[dreg:$0x3] =	wrdreg $0x141800  }
0xb0: {  	[dreg:$0x4] =	wrdreg $0x9  }
0xb1: {  	_ =	task.clear_ibuf [dreg:s6], $0x5FFFF;
	_ =	strace $0x90000049  }
0xb2: {  	s29 =	simm.s32 $0x9;
	_ =	strace $0x8000004B  }
0xb3: {  	_ =	swait.ge [sflag:s29], $0x1  }
0xb4: {  	[sflag:s29] =	ssyncadd.s32 $0xFFFFFFFF  }
0xb5: {  	_ =	strace $0x9000004B  }
0xb6: {  	_ =	sfence  }
0xb7: {  	s30 =	sld [smem:$0x0];
	_ =	sdelay $0x2  }
0xb8: {  	s31 =	sshll.u32 s1, $0xD;
	s1 =	sshrl.u32 s1, $0x2  }
0xb9: {  	s3 =	sand.u32 $0x4000, s31;
	s1 =	sadd.s32 s1, s30  }
0xba: {  	s0 =	sor.u32 s3, s0;
	s1 =	sshll.u32 s1, $0x11  }
0xbb: {  	s0 =	sor.u32 s1, s0  }
0xbc: {  	s0 =	sadd.s32 $0x8F2B, s0  }
0xbd: {  	[sflag:s0] =	ssyncadd.remote.s32 $0x1  }
0xbe: {  	_ =	sfence.sel $0xFFFF  }
0xbf: {  	[dreg:$0x0] =	wrdreg $0xFFFFFFFF;
	(pc) =	sbr.abs _section_cstart, $3  }
0xc0: {  	[dreg:$0x1] =	wrdreg $0xFFFFFFFF  }
0xc1: {  	_ =	task.clear_ibuf [dreg:s6], $0x2FFFF;
	_ =	strace $0x9FFFFFFF  }
0xc2: {  	(tm) =	ssettm $0x7FFFFFFF  }
0xc3: {  	_ =	shalt  }
tec
execute0_lowered:
.L_overlay_start_1:
0x0: {  	(tag) =	ssettag $0x1  }
0x1: {  	s0 =	rddreg [dreg:$0x0];
	s1 =	srdreg.scid  }
0x2: {  	s2 =	rddreg [dreg:$0x1];
	s13 =	stileid.u32  }
0x3: {  	s3 =	simm.s32 $0x0;
	s16 =	simm.s32 $0x8;
	s6 =	smul.u32 $0x9E0, s13  }
0x4: {  	s29 =	simm.s32 $0x10180;
	s30 =	simm.s32 $0x1;
	s8 =	smul.u32 $0xA200, s13  }
0x5: {  	s31 =	simm.s32 $0x2;
	s28 =	simm.s32 $0x7;
	s23 =	smul.u32 $0x28000, s13  }
0x6: {  	s1 =	sand.u32 $0x1, s1;
	[smem:$0x7FF] =	sst s3;
	s18 =	smul.u32 $0x50, s13  }
0x7: {  	s4 =	sadd.s32 $0x24200, s0;
	s22 =	sshll.u32 s13, $0x6;
	s5 =	smul.u32 $0x9E00, s1  }
0x8: {  	s7 =	smul.u32 $0x500, s1;
	_ =	strace $0x8000004A;
	s1 =	ssub.s32 $0x2, s1  }
0x9: {  	s10 =	sadd.s32 s6, s0;
	s19 =	sshrl.u32 s8, $0x3;
	s11 =	sshrl.u32 s1, $0x1  }
0xa: {  	s21 =	sadd.s32 s8, s2;
	s8 =	sor.u32 $0x1C08, s22;
	s26 =	sshrl.u32 s23, $0x2  }
0xb: {  	s22 =	simm.s32 $0x80;
	s23 =	simm.s32 $0xA180;
	s9 =	sadd.s32 s5, s0  }
0xc: {  	s7 =	sadd.s32 s7, s0;
	s12 =	sadd.s32 s19, s0;
	s5 =	sadd.s32 $0x60600, s0  }
0xd: {  	s20 =	ssub.s32 s1, s11;
	[dreg:$0x4] =	wrdreg s8;
	s25 =	sadd.s32 $0x1A400, s10  }
0xe: {  	s15 =	sshrl.u32 s21, $0x3;
	s21 =	simm.s32 $0x9F00;
	s1 =	simm.s32 $0x6  }
0xf: {  	s19 =	simm.s32 $0x4;
	s12 =	sadd.s32 $0x4C200, s12;
	s24 =	sadd.s32 $0x5E00, s9  }
0x10: {  	[dreg:$0x5] =	wrdreg s25;
	s7 =	sadd.s32 $0x19A00, s7;
	s9 =	sadd.s32 s26, s2  }
0x11: {  	s0 =	smax.u32 s20, $0x1;
	s26 =	simm.s32 $0xE180;
	[dreg:$0x3] =	wrdreg s12  }
0x12: {  	s25 =	simm.s32 $0x12180;
	[dreg:$0x6] =	wrdreg s0;
	s11 =	sadd.s32 $0x2000, s9  }
0x13: {  	s12 =	sadd.s32 $0x4000, s9;
	s13 =	sadd.s32 $0x6000, s9;
	s14 =	sadd.s32 $0x8000, s9  }
0x14: {  	s17 =	sadd.s32 s6, s24;
	s20 =	sadd.s32 s18, s7;
	s24 =	simm.s32 $0xC180  }
0x15: {  	s0 =	simm.s32 $0x5;
	s18 =	simm.s32 $0x3;
	s6 =	simm.s32 $0x0  }
.LBB2_1:
0x16: {  	s7 =	rddreg [dreg:$0x3]  }
0x17: {  	s8 =	rddreg [dreg:$0x4]  }
0x18: {  	[spmem:s15], [sflag:s8] =	dma.local [hbm:s7], $0x1440  }
0x19: {  	_ =	swait.ge [sflag:s16], $0x1440  }
0x1a: {  	[sflag:s16] =	ssyncset.done $0x0  }
0x1b: {  	[sflag:s16] =	ssyncadd.s32 $0xFFFFEBC0  }
0x1c: {  	[tilespmem:s3], [sflag:$0x8] =	stream.linear.gather [hbm4b:s17+s3], $0x4F00, $0x38;
	[tilespmem:$0x1E380] =	vst v63  }
0x1d: {  	_ =	swait.ge [sflag:s16], $0x4F00  }
0x1e: {  	[sflag:s16] =	ssyncset.done $0x0  }
0x1f: {  	s10 =	simm.s32 $0x4F00;
	[sflag:s16] =	ssyncadd.s32 $0xFFFFB100  }
0x20: {  	[tilespmem:s10], [sflag:$0x8] =	stream.linear.gather [hbm4b:s17+s3], $0x100, $0x38;
	[tilespmem:$0x1E380] =	vst v63  }
0x21: {  	_ =	swait.ge [sflag:s16], $0x100  }
0x22: {  	[sflag:s16] =	ssyncset.done $0x0  }
0x23: {  	s10 =	simm.s32 $0x5000;
	s8 =	rddreg [dreg:$0x5];
	[sflag:s16] =	ssyncadd.s32 $0xFFFFFF00  }
0x24: {  	[tilespmem:s10], [sflag:$0x8] =	stream.linear.gather [hbm4b:s8+s3], $0x4F00, $0x38;
	[tilespmem:$0x1E380] =	vst v63  }
0x25: {  	_ =	swait.ge [sflag:s16], $0x4F00  }
0x26: {  	[sflag:s16] =	ssyncset.done $0x0  }
0x27: {  	[sflag:s16] =	ssyncadd.s32 $0xFFFFB100  }
0x28: {  	[tilespmem:s21], [sflag:$0x8] =	stream.linear.gather [hbm4b:s20+s3], $0x280, $0x38;
	[tilespmem:$0x1E380] =	vst v63  }
0x29: {  	_ =	swait.ge [sflag:s16], $0x280  }
0x2a: {  	[sflag:s16] =	ssyncset.done $0x0  }
0x2b: {  	[sflag:s16] =	ssyncadd.s32 $0xFFFFFD80  }
0x2c: {  	[bflag:$0x0] =	sbarrier.arrive $0xFFFF  }
0x2d: {  	[tilespmem:s23], [sflag:$0x1] =	stream.indirect.gather [hbm4b:s4+s22], $0x40, s3, s22, $0xb8;
	[tilespmem:$0x1E380] =	vst v63  }
0x2e: {  	_ = 	snop  }
0x2f: {  	[tilespmem:s24], [sflag:$0x2] =	stream.indirect.gather [hbm4b:s4+s22], $0x40, s22, s22, $0xb8;
	[tilespmem:$0x1E380] =	vst v63  }
0x30: {  	s10 =	simm.s32 $0x100  }
0x31: {  	[tilespmem:s26], [sflag:$0x3] =	stream.indirect.gather [hbm4b:s4+s22], $0x40, s10, s22, $0xb8;
	[tilespmem:$0x1E380] =	vst v63  }
0x32: {  	s8 =	simm.s32 $0x180  }
0x33: {  	[tilespmem:s29], [sflag:$0x4] =	stream.indirect.gather [hbm4b:s4+s22], $0x40, s8, s22, $0xb8;
	[tilespmem:$0x1E380] =	vst v63  }
0x34: {  	_ =	swait.ge [sflag:s30], $0x2000  }
0x35: {  	[sflag:s30] =	ssyncset.done $0x0  }
0x36: {  	s10 =	simm.s32 $0x5000;
	[sflag:s30] =	ssyncadd.s32 $0xFFFFE000  }
0x37: {  	[spmem:s2] =	stream.indirect.scatter.add.f32 [tilespmem:s23], [sflag:$0x5], $0x40, s10, s22, $0xb8;
	[tilespmem:$0x1E380] =	vst v63  }
0x38: {  	_ =	swait.ge [sflag:s31], $0x2000  }
0x39: {  	[sflag:s31] =	ssyncset.done $0x0  }
0x3a: {  	s8 =	simm.s32 $0x5080;
	[sflag:s31] =	ssyncadd.s32 $0xFFFFE000  }
0x3b: {  	[spmem:s2] =	stream.indirect.scatter.add.f32 [tilespmem:s24], [sflag:$0x6], $0x40, s8, s22, $0xb8;
	[tilespmem:$0x1E380] =	vst v63  }
0x3c: {  	_ =	swait.ge [sflag:s0], $0x2000  }
0x3d: {  	[sflag:s0] =	ssyncset.done $0x0  }
0x3e: {  	[sflag:s0] =	ssyncadd.s32 $0xFFFFE000  }
0x3f: {  	_ =	swait.ge [sflag:s1], $0x2000  }
0x40: {  	[sflag:s1] =	ssyncset.done $0x0  }
0x41: {  	s10 =	simm.s32 $0x200;
	[sflag:s1] =	ssyncadd.s32 $0xFFFFE000  }
0x42: {  	[tilespmem:s23], [sflag:$0x1] =	stream.indirect.gather [hbm4b:s4+s22], $0x40, s10, s22, $0xb8;
	[tilespmem:$0x1E380] =	vst v63  }
0x43: {  	s8 =	simm.s32 $0x280  }
0x44: {  	[tilespmem:s24], [sflag:$0x2] =	stream.indirect.gather [hbm4b:s4+s22], $0x40, s8, s22, $0xb8;
	[tilespmem:$0x1E380] =	vst v63  }
0x45: {  	_ =	swait.ge [sflag:s18], $0x2000  }
0x46: {  	[sflag:s18] =	ssyncset.done $0x0  }
0x47: {  	s10 =	simm.s32 $0x5100;
	[sflag:s18] =	ssyncadd.s32 $0xFFFFE000  }
0x48: {  	[spmem:s2] =	stream.indirect.scatter.add.f32 [tilespmem:s26], [sflag:$0x5], $0x40, s10, s22, $0xb8;
	[tilespmem:$0x1E380] =	vst v63  }
0x49: {  	_ =	swait.ge [sflag:s19], $0x2000  }
0x4a: {  	[sflag:s19] =	ssyncset.done $0x0  }
0x4b: {  	s8 =	simm.s32 $0x5180;
	[sflag:s19] =	ssyncadd.s32 $0xFFFFE000  }
0x4c: {  	[spmem:s2] =	stream.indirect.scatter.add.f32 [tilespmem:s29], [sflag:$0x6], $0x40, s8, s22, $0xb8;
	[tilespmem:$0x1E380] =	vst v63  }
0x4d: {  	_ =	swait.ge [sflag:s0], $0x2000  }
0x4e: {  	[sflag:s0] =	ssyncset.done $0x0  }
0x4f: {  	[sflag:s0] =	ssyncadd.s32 $0xFFFFE000  }
0x50: {  	_ =	swait.ge [sflag:s1], $0x2000  }
0x51: {  	s7 =	simm.s32 $0x800;
	[sflag:s1] =	ssyncset.done $0x0  }
0x52: {  	s10 =	simm.s32 $0x300;
	s8 =	simm.s32 $0x380;
	[sflag:s1] =	ssyncadd.s32 $0xFFFFE000  }
0x53: {  	[tilespmem:s26], [sflag:$0x3] =	stream.indirect.gather [hbm4b:s4+s22], $0x40, s10, s22, $0xb8;
	[tilespmem:$0x1E380] =	vst v63  }
.LBB2_2:
0x54: {  	[tilespmem:s29], [sflag:$0x4] =	stream.indirect.gather [hbm4b:s4+s22], $0x40, s8, s22, $0xb8;
	[tilespmem:$0x1E380] =	vst v63  }
0x55: {  	s8 =	smov.u32 s7  }
0x56: {  	p0 =	sne.s32 s7, $0x13000;
	s7 =	sadd.s32 $0x800, s7;
	_ =	swait.ge [sflag:s30], $0x2000  }
0x57: {  	s8 =	sshra.s32 s8, $0x2;
	[sflag:s30] =	ssyncset.done $0x0  }
0x58: {  	s10 =	sadd.s32 $0x5000, s8;
	[sflag:s30] =	ssyncadd.s32 $0xFFFFE000  }
0x59: {  	[spmem:s2] =	stream.indirect.scatter.add.f32 [tilespmem:s23], [sflag:$0x5], $0x40, s10, s22, $0xb8;
	[tilespmem:$0x1E380] =	vst v63  }
0x5a: {  	_ =	swait.ge [sflag:s31], $0x2000  }
0x5b: {  	[sflag:s31] =	ssyncset.done $0x0  }
0x5c: {  	s10 =	sadd.s32 $0x5080, s8;
	[sflag:s31] =	ssyncadd.s32 $0xFFFFE000  }
0x5d: {  	[spmem:s2] =	stream.indirect.scatter.add.f32 [tilespmem:s24], [sflag:$0x6], $0x40, s10, s22, $0xb8;
	[tilespmem:$0x1E380] =	vst v63  }
0x5e: {  	_ =	swait.ge [sflag:s0], $0x2000  }
0x5f: {  	[sflag:s0] =	ssyncset.done $0x0  }
0x60: {  	[sflag:s0] =	ssyncadd.s32 $0xFFFFE000  }
0x61: {  	_ =	swait.ge [sflag:s1], $0x2000  }
0x62: {  	[sflag:s1] =	ssyncset.done $0x0  }
0x63: {  	s10 =	sadd.s32 $0x200, s8;
	[sflag:s1] =	ssyncadd.s32 $0xFFFFE000  }
0x64: {  	[tilespmem:s23], [sflag:$0x1] =	stream.indirect.gather [hbm4b:s4+s22], $0x40, s10, s22, $0xb8;
	[tilespmem:$0x1E380] =	vst v63  }
0x65: {  	s10 =	sadd.s32 $0x280, s8  }
0x66: {  	[tilespmem:s24], [sflag:$0x2] =	stream.indirect.gather [hbm4b:s4+s22], $0x40, s10, s22, $0xb8;
	[tilespmem:$0x1E380] =	vst v63  }
0x67: {  	_ =	swait.ge [sflag:s18], $0x2000  }
0x68: {  	[sflag:s18] =	ssyncset.done $0x0  }
0x69: {  	s10 =	sadd.s32 $0x5100, s8;
	[sflag:s18] =	ssyncadd.s32 $0xFFFFE000  }
0x6a: {  	[spmem:s2] =	stream.indirect.scatter.add.f32 [tilespmem:s26], [sflag:$0x5], $0x40, s10, s22, $0xb8;
	[tilespmem:$0x1E380] =	vst v63  }
0x6b: {  	_ =	swait.ge [sflag:s19], $0x2000  }
0x6c: {  	[sflag:s19] =	ssyncset.done $0x0  }
0x6d: {  	s10 =	sadd.s32 $0x5180, s8;
	[sflag:s19] =	ssyncadd.s32 $0xFFFFE000  }
0x6e: {  	[spmem:s2] =	stream.indirect.scatter.add.f32 [tilespmem:s29], [sflag:$0x6], $0x40, s10, s22, $0xb8;
	[tilespmem:$0x1E380] =	vst v63  }
0x6f: {  	_ =	swait.ge [sflag:s0], $0x2000  }
0x70: {  	[sflag:s0] =	ssyncset.done $0x0  }
0x71: {  	[sflag:s0] =	ssyncadd.s32 $0xFFFFE000  }
.Ltmp0:
0x72: {  	_ =	swait.ge [sflag:s1], $0x2000;
	(pc) =	sbr.rel @p0 .LBB2_2-.Ltmp0, $4  }
0x73: {  	[sflag:s1] =	ssyncset.done $0x0  }
0x74: {  	s10 =	sadd.s32 $0x300, s8;
	[sflag:s1] =	ssyncadd.s32 $0xFFFFE000  }
0x75: {  	[tilespmem:s26], [sflag:$0x3] =	stream.indirect.gather [hbm4b:s4+s22], $0x40, s10, s22, $0xb8;
	[tilespmem:$0x1E380] =	vst v63  }
0x76: {  	s8 =	sadd.s32 $0x380, s8  }
0x77: {  	[tilespmem:s29], [sflag:$0x4] =	stream.indirect.gather [hbm4b:s4+s22], $0x40, s8, s22, $0xb8;
	[tilespmem:$0x1E380] =	vst v63  }
0x78: {  	_ =	swait.ge [sflag:s30], $0x2000  }
0x79: {  	[sflag:s30] =	ssyncset.done $0x0  }
0x7a: {  	s7 =	simm.s32 $0x9E00;
	[sflag:s30] =	ssyncadd.s32 $0xFFFFE000  }
0x7b: {  	[spmem:s2] =	stream.indirect.scatter.add.f32 [tilespmem:s23], [sflag:$0x5], $0x40, s7, s22, $0xb8;
	[tilespmem:$0x1E380] =	vst v63  }
0x7c: {  	_ =	swait.ge [sflag:s0], $0x2000  }
0x7d: {  	[sflag:s0] =	ssyncset.done $0x0  }
0x7e: {  	[sflag:s0] =	ssyncadd.s32 $0xFFFFE000  }
0x7f: {  	_ =	swait.ge [sflag:s31], $0x2000  }
0x80: {  	[sflag:s31] =	ssyncset.done $0x0  }
0x81: {  	s8 =	simm.s32 $0x9E80;
	[sflag:s31] =	ssyncadd.s32 $0xFFFFE000  }
0x82: {  	[spmem:s2] =	stream.indirect.scatter.add.f32 [tilespmem:s24], [sflag:$0x5], $0x40, s8, s22, $0xb8;
	[tilespmem:$0x1E380] =	vst v63  }
0x83: {  	_ =	swait.ge [sflag:s0], $0x2000  }
0x84: {  	[sflag:s0] =	ssyncset.done $0x0  }
0x85: {  	[sflag:s0] =	ssyncadd.s32 $0xFFFFE000  }
0x86: {  	_ =	swait.ge [sflag:s18], $0x2000  }
0x87: {  	[sflag:s18] =	ssyncset.done $0x0  }
0x88: {  	[sflag:s18] =	ssyncadd.s32 $0xFFFFE000  }
0x89: {  	_ =	swait.ge [sflag:s19], $0x2000  }
0x8a: {  	[sflag:s19] =	ssyncset.done $0x0  }
0x8b: {  	[sflag:s19] =	ssyncadd.s32 $0xFFFFE000  }
0x8c: {  	[bflag:$0x0] =	sbarrier.arrive $0xFFFF  }
0x8d: {  	[tilespmem:s25], [sflag:$0x8] =	stream.linear.gather [spmem:s9], $0x2000, $0x38;
	[tilespmem:$0x1E380] =	vst v63  }
0x8e: {  	_ =	swait.ge [sflag:s16], $0x2000  }
0x8f: {  	[sflag:s16] =	ssyncset.done $0x0  }
0x90: {  	[sflag:s16] =	ssyncadd.s32 $0xFFFFE000  }
0x91: {  	[hbm4b:s5+s22] =	stream.indirect.scatter [tilespmem:s25], [sflag:$0x7], $0x40, s21, s22, $0xb8;
	[tilespmem:$0x1E380] =	vst v63  }
0x92: {  	_ =	swait.ge [sflag:s28], $0x2000  }
0x93: {  	[sflag:s28] =	ssyncset.done $0x0  }
0x94: {  	[sflag:s28] =	ssyncadd.s32 $0xFFFFE000  }
0x95: {  	[tilespmem:s25], [sflag:$0x8] =	stream.linear.gather [spmem:s11], $0x2000, $0x38;
	[tilespmem:$0x1E380] =	vst v63  }
0x96: {  	_ =	swait.ge [sflag:s16], $0x2000  }
0x97: {  	[sflag:s16] =	ssyncset.done $0x0  }
0x98: {  	s10 =	simm.s32 $0x9F80;
	[sflag:s16] =	ssyncadd.s32 $0xFFFFE000  }
0x99: {  	[hbm4b:s5+s22] =	stream.indirect.scatter [tilespmem:s25], [sflag:$0x7], $0x40, s10, s22, $0xb8;
	[tilespmem:$0x1E380] =	vst v63  }
0x9a: {  	_ =	swait.ge [sflag:s28], $0x2000  }
0x9b: {  	[sflag:s28] =	ssyncset.done $0x0  }
0x9c: {  	[sflag:s28] =	ssyncadd.s32 $0xFFFFE000  }
0x9d: {  	[tilespmem:s25], [sflag:$0x8] =	stream.linear.gather [spmem:s12], $0x2000, $0x38;
	[tilespmem:$0x1E380] =	vst v63  }
0x9e: {  	_ =	swait.ge [sflag:s16], $0x2000  }
0x9f: {  	[sflag:s16] =	ssyncset.done $0x0  }
0xa0: {  	s8 =	simm.s32 $0xA000;
	[sflag:s16] =	ssyncadd.s32 $0xFFFFE000  }
0xa1: {  	[hbm4b:s5+s22] =	stream.indirect.scatter [tilespmem:s25], [sflag:$0x7], $0x40, s8, s22, $0xb8;
	[tilespmem:$0x1E380] =	vst v63  }
0xa2: {  	_ =	swait.ge [sflag:s28], $0x2000  }
0xa3: {  	[sflag:s28] =	ssyncset.done $0x0  }
0xa4: {  	[sflag:s28] =	ssyncadd.s32 $0xFFFFE000  }
0xa5: {  	[tilespmem:s25], [sflag:$0x8] =	stream.linear.gather [spmem:s13], $0x2000, $0x38;
	[tilespmem:$0x1E380] =	vst v63  }
0xa6: {  	_ =	swait.ge [sflag:s16], $0x2000  }
0xa7: {  	[sflag:s16] =	ssyncset.done $0x0  }
0xa8: {  	s10 =	simm.s32 $0xA080;
	[sflag:s16] =	ssyncadd.s32 $0xFFFFE000  }
0xa9: {  	[hbm4b:s5+s22] =	stream.indirect.scatter [tilespmem:s25], [sflag:$0x7], $0x40, s10, s22, $0xb8;
	[tilespmem:$0x1E380] =	vst v63  }
0xaa: {  	_ =	swait.ge [sflag:s28], $0x2000  }
0xab: {  	[sflag:s28] =	ssyncset.done $0x0  }
0xac: {  	[sflag:s28] =	ssyncadd.s32 $0xFFFFE000  }
0xad: {  	[tilespmem:s25], [sflag:$0x8] =	stream.linear.gather [spmem:s14], $0x2000, $0x38;
	[tilespmem:$0x1E380] =	vst v63  }
0xae: {  	_ =	swait.ge [sflag:s16], $0x2000  }
0xaf: {  	[sflag:s16] =	ssyncset.done $0x0  }
0xb0: {  	s8 =	simm.s32 $0xA100;
	[sflag:s16] =	ssyncadd.s32 $0xFFFFE000  }
0xb1: {  	[hbm4b:s5+s22] =	stream.indirect.scatter [tilespmem:s25], [sflag:$0x7], $0x40, s8, s22, $0xb8;
	[tilespmem:$0x1E380] =	vst v63  }
0xb2: {  	_ =	swait.ge [sflag:s28], $0x2000  }
0xb3: {  	s6 =	sadd.s32 $0x1, s6;
	s10 =	rddreg [dreg:$0x6]  }
0xb4: {  	p0 =	sne.s32 s6, s10  }
.Ltmp1:
0xb5: {  	_ = 	snop;
	(pc) =	sbr.rel @p0 .LBB2_1-.Ltmp1, $3  }
0xb6: {  	_ =	sdelay $0x1  }
0xb7: {  	[sflag:s28] =	ssyncset.done $0x0  }
0xb8: {  	[sflag:s28] =	ssyncadd.s32 $0xFFFFE000  }
0xb9: {  	_ =	sfence.sel $0x180000  }
0xba: {  	[bflag:$0x0] =	sbarrier.arrive $0xFFFF  }
0xbb: {  	_ =	strace $0x9000004A  }
0xbc: {  	s0 =	stileid.u32;
	[bflag:$0x2] =	sbarrier.arrive $0xFFFF  }
0xbd: {  	p0 =	sne.s32 s0, $0x0;
	s0 =	rddreg [dreg:$0x2]  }
0xbe: {  	s0 =	sadd.s32 @!p0 $0x100000, s0  }
0xbf: {  	[sflag:s0] =	ssyncadd.tile.s32 @!p0 $0x1;
	_ =	shalt  }
.Lfunc_end2:
_tile_overlayer_lowered:
.L_overlay_start_2:
0xc0: {  	(tag) =	ssettag $0x2  }
0xc1: {  	s0 =	rddreg [dreg:$0x0];
	s2 =	stileid.u32  }
0xc2: {  	s1 =	rddreg [dreg:$0x1];
	p0 =	sne.s32 s2, $0x0  }
0xc3: {  	s3 =	rddreg [dreg:$0x2];
	[bflag:$0x3] =	sbarrier.arrive $0xFFFF;
	s2 =	simm.s32 @!p0 $0x1C08  }
0xc4: {  	[timem:s3], [sflag:s2] =	dma.local @!p0 [hbm:s0], s1  }
0xc5: {  	s0 =	simm.s32 @!p0 $0x8  }
0xc6: {  	_ =	swait.ge @!p0 [sflag:s0], s1  }
0xc7: {  	s1 =	ssub.s32 @!p0 $0x0, s1;
	[sflag:s0] =	ssyncset.done @!p0 $0x0  }
0xc8: {  	[sflag:s0] =	ssyncadd.s32 @!p0 s1  }
0xc9: {  	[bflag:$0x3] =	sbarrier.arrive $0xFFFF  }
0xca: {  	_ =	shalt  }

// kernel: kernel.7.cloned.1.call-start
scs
__scs_entry_jumppad:
0x0: {  	(pc) =	sbr.rel $0x88, $3  }
0x1: {  	(tag) =	ssettag $0x0;
	lr =	simm.s32 $0x1  }
0x2: {  	[smem:$0x3F88] =	sst lr;
	_ =	strace $0xD0000000  }
0x3: {  	_ = 	snop  }
0x4: {  	_ = 	snop  }
0x5: {  	_ = 	snop  }
0x6: {  	_ = 	snop  }
0x7: {  	_ = 	snop  }
__scs_overlays_trampoline_lowered:
0x8: {  	[smem:$0x3F97] =	sst s0  }
0x9: {  	[smem:$0x3F98] =	sst s1  }
0xa: {  	[smem:$0x3F99] =	sst s2  }
0xb: {  	[smem:$0x3F9A] =	sst s3  }
0xc: {  	[smem:$0x3F9B] =	sst s4  }
0xd: {  	[smem:$0x3F9C] =	sst s5  }
0xe: {  	[smem:$0x3F9D] =	sst s6  }
0xf: {  	[smem:$0x3F9E] =	sst s7  }
0x10: {  	[smem:$0x3F9F] =	sst s8  }
0x11: {  	[smem:$0x3FA0] =	sst s9;
	s0 =	simm.s32 @!p0 $0x0  }
0x12: {  	s1 =	sld [smem:$0x3F86];
	s0 =	simm.s32 @p0 $0x1  }
0x13: {  	[smem:$0x3FA1] =	sst s0;
	s0 =	simm.s32 @!p1 $0x0  }
0x14: {  	s2 =	sld [smem:$0x3F85];
	s0 =	simm.s32 @p1 $0x1  }
0x15: {  	[smem:$0x3FA2] =	sst s0;
	s0 =	simm.s32 @!p2 $0x0  }
0x16: {  	s3 =	sld [smem:$0x3FDB];
	s0 =	simm.s32 @p2 $0x1  }
0x17: {  	s4 =	simm.s32 $0x1BF5;
	[smem:$0x3FA4] =	sst s0  }
0x18: {  	s0 =	sld [smem:$0x3F87];
	_ =	swait.ge [sflag:s4], $0x0  }
0x19: {  	s7 =	sld [smem:$0x3F88]  }
0x1a: {  	s8 =	sadd.s32 $0xFFFFE003, lr  }
0x1b: {  	s9 =	sadd.s32 $0xFFFFFEF7, lr;
	s5 =	simm.s32 $0xFFFFFFFF;
	p2 =	slt.u32 s8, $0xFFFFF086  }
0x1c: {  	p1 =	slt.u32 s9, $0xF7A;
	s5 =	simm.s32 @!p2 $0x0  }
0x1d: {  	s5 =	simm.s32 @p1 $0x1;
	p0 =	seq.s32 s7, s2  }
0x1e: {  	s7 =	smul.u32 @!p0 $0xF7A, s2;
	p2 =	seq.s32 @!p0 s5, $0x0  }
0x1f: {  	s9 =	smul.u32 $0xF7A, s1;
	s8 =	simm.s32 @!p0 $0x1BF5;
	p2 =	por !p2, p0  }
0x20: {  	[sflag:s8] =	ssyncset.s32 @!p0 $0xFFFFF086;
	s6 =	sadd.s32 @!p0 s3, s7;
	s7 =	simm.s32 @!p0 $0x108  }
0x21: {  	s3 =	sadd.s32 s3, s9;
	s6 =	sadd.s32 @!p0 $0x88, s6;
	s7 =	simm.s32 @p2 $0x1082  }
0x22: {  	[simem:s7], [sflag:s8] =	dma.local @!p0 [hbm:s6], $0xF7A  }
0x23: {  	s9 =	sor.u32 $0xD0000000, s2;
	s6 =	simm.s32 $0x108;
	_ =	swait.ge @!p0 [sflag:s8], $0x0  }
0x24: {  	s3 =	sadd.s32 $0x88, s3;
	s6 =	simm.s32 @!p1 $0x1082;
	[sflag:s4] =	ssyncset.s32 $0xFFFFF086  }
0x25: {  	[simem:s6], [sflag:s4] =	dma.local [hbm:s3], $0xF7A  }
0x26: {  	[smem:$0x3F88] =	sst s1;
	(tag) =	ssettag s2;
	_ =	strace s9  }
0x27: {  	s1 =	sld [smem:$0x3F98]  }
0x28: {  	s2 =	sld [smem:$0x3F99]  }
0x29: {  	s4 =	sld [smem:$0x3F9B]  }
0x2a: {  	p0 =	seq.s32 s5, $0x0;
	s5 =	sld [smem:$0x3F9C]  }
0x2b: {  	s6 =	sld [smem:$0x3F9D]  }
0x2c: {  	s7 =	sld [smem:$0x3F9E]  }
0x2d: {  	s3 =	simm.s32 $0x108;
	s8 =	sld [smem:$0x3F9F]  }
0x2e: {  	s3 =	simm.s32 @!p0 $0x1082;
	s9 =	sld [smem:$0x3FA0]  }
0x2f: {  	lr =	sadd.s32 s0, s3;
	s0 =	sld [smem:$0x3F97]  }
0x30: {  	s3 =	sld [smem:$0x3F9A]  }
0x31: {  	[smem:$0x3FA3] =	sst s10  }
0x32: {  	s10 =	sld [smem:$0x3FA1];
	_ =	sdelay $0x3  }
0x33: {  	p0 =	seq.s32 s10, $0x1;
	s10 =	sld [smem:$0x3FA3];
	_ =	sdelay $0x3  }
0x34: {  	[smem:$0x3FA3] =	sst s10  }
0x35: {  	s10 =	sld [smem:$0x3FA2];
	_ =	sdelay $0x3  }
0x36: {  	p1 =	seq.s32 s10, $0x1;
	s10 =	sld [smem:$0x3FA3];
	_ =	sdelay $0x3  }
0x37: {  	[smem:$0x3FA3] =	sst s10  }
0x38: {  	s10 =	sld [smem:$0x3FA4]  }
0x39: {  	_ = 	snop;
	(pc) =	sbr.ind lr, $3  }
0x3a: {  	_ = 	snop  }
0x3b: {  	_ = 	snop  }
0x3c: {  	p2 =	seq.s32 s10, $0x1;
	s10 =	sld [smem:$0x3FA3]  }
0x3d: {  	_ =	shalt  }
0x3e: {  	_ =	shalt  }
0x3f: {  	_ =	shalt  }
0x40: {  	_ =	shalt  }
0x41: {  	_ =	shalt  }
0x42: {  	_ =	shalt  }
0x43: {  	_ =	shalt  }
0x44: {  	_ =	shalt  }
0x45: {  	_ =	shalt  }
0x46: {  	_ =	shalt  }
0x47: {  	_ =	shalt  }
0x48: {  	_ =	shalt  }
0x49: {  	_ =	shalt  }
0x4a: {  	_ =	shalt  }
0x4b: {  	_ =	shalt  }
0x4c: {  	_ =	shalt  }
0x4d: {  	_ =	shalt  }
0x4e: {  	_ =	shalt  }
0x4f: {  	_ =	shalt  }
0x50: {  	_ =	shalt  }
0x51: {  	_ =	shalt  }
0x52: {  	_ =	shalt  }
0x53: {  	_ =	shalt  }
0x54: {  	_ =	shalt  }
0x55: {  	_ =	shalt  }
0x56: {  	_ =	shalt  }
0x57: {  	_ =	shalt  }
0x58: {  	_ =	shalt  }
0x59: {  	_ =	shalt  }
0x5a: {  	_ =	shalt  }
0x5b: {  	_ =	shalt  }
0x5c: {  	_ =	shalt  }
0x5d: {  	_ =	shalt  }
0x5e: {  	_ =	shalt  }
0x5f: {  	_ =	shalt  }
0x60: {  	_ =	shalt  }
0x61: {  	_ =	shalt  }
0x62: {  	_ =	shalt  }
0x63: {  	_ =	shalt  }
0x64: {  	_ =	shalt  }
0x65: {  	_ =	shalt  }
0x66: {  	_ =	shalt  }
0x67: {  	_ =	shalt  }
0x68: {  	_ =	shalt  }
0x69: {  	_ =	shalt  }
0x6a: {  	_ =	shalt  }
0x6b: {  	_ =	shalt  }
0x6c: {  	_ =	shalt  }
0x6d: {  	_ =	shalt  }
0x6e: {  	_ =	shalt  }
0x6f: {  	_ =	shalt  }
0x70: {  	_ =	shalt  }
0x71: {  	_ =	shalt  }
0x72: {  	_ =	shalt  }
0x73: {  	_ =	shalt  }
0x74: {  	_ =	shalt  }
0x75: {  	_ =	shalt  }
0x76: {  	_ =	shalt  }
0x77: {  	_ =	shalt  }
0x78: {  	_ =	shalt  }
0x79: {  	_ =	shalt  }
0x7a: {  	_ =	shalt  }
0x7b: {  	_ =	shalt  }
0x7c: {  	_ =	shalt  }
0x7d: {  	_ =	shalt  }
0x7e: {  	_ =	shalt  }
0x7f: {  	_ =	shalt  }
0x80: {  	_ =	shalt  }
0x81: {  	_ =	shalt  }
0x82: {  	_ =	shalt  }
0x83: {  	_ =	shalt  }
0x84: {  	_ =	shalt  }
0x85: {  	_ =	shalt  }
0x86: {  	_ =	shalt  }
0x87: {  	_ =	shalt  }
.Lfunc_end0:
.L_simem_size_0:
called_computation_lowered:
.L_overlay_start_0:
0x88: {  	s2 =	sld [smem:$0x3FD9]  }
0x89: {  	s3 =	sld [smem:$0x3FFE];
	_ =	sdelay $0x1  }
0x8a: {  	s1 =	srdreg.scid  }
0x8b: {  	s0 =	sand.u32 $0x1, s1  }
0x8c: {  	s16 =	sshll.u32 s0, $0xA;
	s2 =	sadd.s32 s3, s2  }
0x8d: {  	s2 =	sadd.s32 s2, s16  }
0x8e: {  	[smem:$0x3FAF] =	sst s2  }
0x8f: {  	_ = 	snop  }
0x90: {  	(tm) =	ssettm $0x1  }
0x91: {  	s17 =	sld [smem:$0x3FFB];
	_ =	sdelay $0x3  }
0x92: {  	_ =	strace s17  }
0x93: {  	s2 =	sld [smem:$0x3FFC];
	_ =	sdelay $0x3  }
0x94: {  	_ =	strace s2  }
0x95: {  	s2 =	sld [smem:$0x3FFD];
	_ =	sdelay $0x3  }
0x96: {  	_ =	strace s2  }
0x97: {  	_ =	strace $0x8FFFFFFF  }
0x98: {  	s18 =	sld [smem:$0x3FDB];
	_ =	sdelay $0x1  }
0x99: {  	s19 =	simm.s32 $_scs_section_size  }
0x9a: {  	s4 =	simm.s32 $_size__tile_overlayer_lowered;
	s5 =	simm.s32 $_tile_overlayer_lowered  }
0x9b: {  	s22 =	simm.s32 $0x1BFF;
	s21 =	sshll.u32 s5, $0x1;
	s2 =	sadd.s32 s19, s18  }
0x9c: {  	s6 =	simm.s32 $0x0;
	s20 =	sshll.u32 s4, $0x1;
	s4 =	sadd.s32 s21, s2  }
0x9d: {  	[timem:s6], [sflag:s22] =	dma.local [hbm:s4], s20  }
0x9e: {  	_ =	swait.ge [sflag:s22], s20  }
0x9f: {  	s3 =	ssub.s32 $0x0, s20;
	[sflag:s22] =	ssyncset.done $0x0  }
0xa0: {  	[sflag:s22] =	ssyncadd.s32 s3;
	_ =	sdelay $0x1  }
0xa1: {  	s23 =	simm.s32 $0x1B8B  }
0xa2: {  	_ =	swait.ge [sflag:s23], $0x1  }
0xa3: {  	[sflag:s23] =	ssyncset.done $0x0  }
0xa4: {  	s25 =	simm.s32 $0x1B8E;
	s24 =	sld [smem:$0x3FFE];
	[sflag:s23] =	ssyncadd.s32 $0xFFFFFFFF  }
0xa5: {  	s26 =	simm.s32 $execute0_lowered;
	[smem:$0x3FD2] =	sst s25  }
0xa6: {  	s4 =	sshll.u32 s26, $0x1;
	_ =	strace $0x80000046;
	[dreg:$0x1] =	wrdreg $0xFFFFFFFF  }
0xa7: {  	s28 =	simm.s32 $_size_execute0_lowered;
	s2 =	sadd.s32 s2, s4;
	[dreg:$0x0] =	wrdreg $0x0  }
0xa8: {  	s4 =	sshll.u32 s28, $0x1;
	[dreg:$0x2] =	wrdreg s2  }
0xa9: {  	[dreg:$0x3] =	wrdreg s4  }
0xaa: {  	[dreg:$0x4] =	wrdreg $0xC0  }
0xab: {  	_ =	task [dreg:s6], $0x5FFFF  }
0xac: {  	[dreg:$0x1] =	wrdreg $0xFFFFFFFF  }
0xad: {  	[dreg:$0x0] =	wrdreg $0x60  }
0xae: {  	[dreg:$0x2] =	wrdreg s24  }
0xaf: {  	[dreg:$0x3] =	wrdreg $0x141800  }
0xb0: {  	[dreg:$0x4] =	wrdreg $0x9  }
0xb1: {  	_ =	task.clear_ibuf [dreg:s6], $0x5FFFF;
	_ =	strace $0x90000046  }
0xb2: {  	s29 =	simm.s32 $0x9;
	_ =	strace $0x80000048  }
0xb3: {  	_ =	swait.ge [sflag:s29], $0x1  }
0xb4: {  	[sflag:s29] =	ssyncadd.s32 $0xFFFFFFFF  }
0xb5: {  	_ =	strace $0x90000048  }
0xb6: {  	_ =	sfence  }
0xb7: {  	s30 =	sld [smem:$0x0];
	_ =	sdelay $0x2  }
0xb8: {  	s31 =	sshll.u32 s1, $0xD;
	s1 =	sshrl.u32 s1, $0x2  }
0xb9: {  	s3 =	sand.u32 $0x4000, s31;
	s1 =	sadd.s32 s1, s30  }
0xba: {  	s0 =	sor.u32 s3, s0;
	s1 =	sshll.u32 s1, $0x11  }
0xbb: {  	s0 =	sor.u32 s1, s0  }
0xbc: {  	s0 =	sadd.s32 $0x8F2B, s0  }
0xbd: {  	[sflag:s0] =	ssyncadd.remote.s32 $0x1  }
0xbe: {  	_ =	sfence.sel $0xFFFF  }
0xbf: {  	[dreg:$0x0] =	wrdreg $0xFFFFFFFF;
	(pc) =	sbr.abs _section_cstart, $3  }
0xc0: {  	[dreg:$0x1] =	wrdreg $0xFFFFFFFF  }
0xc1: {  	_ =	task.clear_ibuf [dreg:s6], $0x2FFFF;
	_ =	strace $0x9FFFFFFF  }
0xc2: {  	(tm) =	ssettm $0x7FFFFFFF  }
0xc3: {  	_ =	shalt  }
tec
execute0_lowered:
.L_overlay_start_1:
0x0: {  	(tag) =	ssettag $0x1  }
0x1: {  	s0 =	rddreg [dreg:$0x0];
	s1 =	srdreg.scid  }
0x2: {  	s2 =	rddreg [dreg:$0x1];
	s13 =	stileid.u32  }
0x3: {  	s3 =	simm.s32 $0x0;
	s16 =	simm.s32 $0x8;
	s6 =	smul.u32 $0x9E0, s13  }
0x4: {  	s29 =	simm.s32 $0x10180;
	s30 =	simm.s32 $0x1;
	s8 =	smul.u32 $0xA200, s13  }
0x5: {  	s31 =	simm.s32 $0x2;
	s28 =	simm.s32 $0x7;
	s23 =	smul.u32 $0x28000, s13  }
0x6: {  	s1 =	sand.u32 $0x1, s1;
	[smem:$0x7FF] =	sst s3;
	s18 =	smul.u32 $0x50, s13  }
0x7: {  	s4 =	sadd.s32 $0x24200, s0;
	s22 =	sshll.u32 s13, $0x6;
	s5 =	smul.u32 $0x9E00, s1  }
0x8: {  	s7 =	smul.u32 $0x500, s1;
	_ =	strace $0x80000047;
	s1 =	ssub.s32 $0x2, s1  }
0x9: {  	s10 =	sadd.s32 s6, s0;
	s19 =	sshrl.u32 s8, $0x3;
	s11 =	sshrl.u32 s1, $0x1  }
0xa: {  	s21 =	sadd.s32 s8, s2;
	s8 =	sor.u32 $0x1C08, s22;
	s26 =	sshrl.u32 s23, $0x2  }
0xb: {  	s22 =	simm.s32 $0x80;
	s23 =	simm.s32 $0xA180;
	s9 =	sadd.s32 s5, s0  }
0xc: {  	s7 =	sadd.s32 s7, s0;
	s12 =	sadd.s32 s19, s0;
	s5 =	sadd.s32 $0x60600, s0  }
0xd: {  	s20 =	ssub.s32 s1, s11;
	[dreg:$0x4] =	wrdreg s8;
	s25 =	sadd.s32 $0x1A400, s10  }
0xe: {  	s15 =	sshrl.u32 s21, $0x3;
	s21 =	simm.s32 $0x9F00;
	s1 =	simm.s32 $0x6  }
0xf: {  	s19 =	simm.s32 $0x4;
	s12 =	sadd.s32 $0x4C200, s12;
	s24 =	sadd.s32 $0x5E00, s9  }
0x10: {  	[dreg:$0x5] =	wrdreg s25;
	s7 =	sadd.s32 $0x19A00, s7;
	s9 =	sadd.s32 s26, s2  }
0x11: {  	s0 =	smax.u32 s20, $0x1;
	s26 =	simm.s32 $0xE180;
	[dreg:$0x3] =	wrdreg s12  }
0x12: {  	s25 =	simm.s32 $0x12180;
	[dreg:$0x6] =	wrdreg s0;
	s11 =	sadd.s32 $0x2000, s9  }
0x13: {  	s12 =	sadd.s32 $0x4000, s9;
	s13 =	sadd.s32 $0x6000, s9;
	s14 =	sadd.s32 $0x8000, s9  }
0x14: {  	s17 =	sadd.s32 s6, s24;
	s20 =	sadd.s32 s18, s7;
	s24 =	simm.s32 $0xC180  }
0x15: {  	s0 =	simm.s32 $0x5;
	s18 =	simm.s32 $0x3;
	s6 =	simm.s32 $0x0  }
.LBB2_1:
0x16: {  	s7 =	rddreg [dreg:$0x3]  }
0x17: {  	s8 =	rddreg [dreg:$0x4]  }
0x18: {  	[spmem:s15], [sflag:s8] =	dma.local [hbm:s7], $0x1440  }
0x19: {  	_ =	swait.ge [sflag:s16], $0x1440  }
0x1a: {  	[sflag:s16] =	ssyncset.done $0x0  }
0x1b: {  	[sflag:s16] =	ssyncadd.s32 $0xFFFFEBC0  }
0x1c: {  	[tilespmem:s3], [sflag:$0x8] =	stream.linear.gather [hbm4b:s17+s3], $0x4F00, $0x38;
	[tilespmem:$0x1E380] =	vst v63  }
0x1d: {  	_ =	swait.ge [sflag:s16], $0x4F00  }
0x1e: {  	[sflag:s16] =	ssyncset.done $0x0  }
0x1f: {  	s10 =	simm.s32 $0x4F00;
	[sflag:s16] =	ssyncadd.s32 $0xFFFFB100  }
0x20: {  	[tilespmem:s10], [sflag:$0x8] =	stream.linear.gather [hbm4b:s17+s3], $0x100, $0x38;
	[tilespmem:$0x1E380] =	vst v63  }
0x21: {  	_ =	swait.ge [sflag:s16], $0x100  }
0x22: {  	[sflag:s16] =	ssyncset.done $0x0  }
0x23: {  	s10 =	simm.s32 $0x5000;
	s8 =	rddreg [dreg:$0x5];
	[sflag:s16] =	ssyncadd.s32 $0xFFFFFF00  }
0x24: {  	[tilespmem:s10], [sflag:$0x8] =	stream.linear.gather [hbm4b:s8+s3], $0x4F00, $0x38;
	[tilespmem:$0x1E380] =	vst v63  }
0x25: {  	_ =	swait.ge [sflag:s16], $0x4F00  }
0x26: {  	[sflag:s16] =	ssyncset.done $0x0  }
0x27: {  	[sflag:s16] =	ssyncadd.s32 $0xFFFFB100  }
0x28: {  	[tilespmem:s21], [sflag:$0x8] =	stream.linear.gather [hbm4b:s20+s3], $0x280, $0x38;
	[tilespmem:$0x1E380] =	vst v63  }
0x29: {  	_ =	swait.ge [sflag:s16], $0x280  }
0x2a: {  	[sflag:s16] =	ssyncset.done $0x0  }
0x2b: {  	[sflag:s16] =	ssyncadd.s32 $0xFFFFFD80  }
0x2c: {  	[bflag:$0x0] =	sbarrier.arrive $0xFFFF  }
0x2d: {  	[tilespmem:s23], [sflag:$0x1] =	stream.indirect.gather [hbm4b:s4+s22], $0x40, s3, s22, $0xb8;
	[tilespmem:$0x1E380] =	vst v63  }
0x2e: {  	_ = 	snop  }
0x2f: {  	[tilespmem:s24], [sflag:$0x2] =	stream.indirect.gather [hbm4b:s4+s22], $0x40, s22, s22, $0xb8;
	[tilespmem:$0x1E380] =	vst v63  }
0x30: {  	s10 =	simm.s32 $0x100  }
0x31: {  	[tilespmem:s26], [sflag:$0x3] =	stream.indirect.gather [hbm4b:s4+s22], $0x40, s10, s22, $0xb8;
	[tilespmem:$0x1E380] =	vst v63  }
0x32: {  	s8 =	simm.s32 $0x180  }
0x33: {  	[tilespmem:s29], [sflag:$0x4] =	stream.indirect.gather [hbm4b:s4+s22], $0x40, s8, s22, $0xb8;
	[tilespmem:$0x1E380] =	vst v63  }
0x34: {  	_ =	swait.ge [sflag:s30], $0x2000  }
0x35: {  	[sflag:s30] =	ssyncset.done $0x0  }
0x36: {  	s10 =	simm.s32 $0x5000;
	[sflag:s30] =	ssyncadd.s32 $0xFFFFE000  }
0x37: {  	[spmem:s2] =	stream.indirect.scatter.add.f32 [tilespmem:s23], [sflag:$0x5], $0x40, s10, s22, $0xb8;
	[tilespmem:$0x1E380] =	vst v63  }
0x38: {  	_ =	swait.ge [sflag:s31], $0x2000  }
0x39: {  	[sflag:s31] =	ssyncset.done $0x0  }
0x3a: {  	s8 =	simm.s32 $0x5080;
	[sflag:s31] =	ssyncadd.s32 $0xFFFFE000  }
0x3b: {  	[spmem:s2] =	stream.indirect.scatter.add.f32 [tilespmem:s24], [sflag:$0x6], $0x40, s8, s22, $0xb8;
	[tilespmem:$0x1E380] =	vst v63  }
0x3c: {  	_ =	swait.ge [sflag:s0], $0x2000  }
0x3d: {  	[sflag:s0] =	ssyncset.done $0x0  }
0x3e: {  	[sflag:s0] =	ssyncadd.s32 $0xFFFFE000  }
0x3f: {  	_ =	swait.ge [sflag:s1], $0x2000  }
0x40: {  	[sflag:s1] =	ssyncset.done $0x0  }
0x41: {  	s10 =	simm.s32 $0x200;
	[sflag:s1] =	ssyncadd.s32 $0xFFFFE000  }
0x42: {  	[tilespmem:s23], [sflag:$0x1] =	stream.indirect.gather [hbm4b:s4+s22], $0x40, s10, s22, $0xb8;
	[tilespmem:$0x1E380] =	vst v63  }
0x43: {  	s8 =	simm.s32 $0x280  }
0x44: {  	[tilespmem:s24], [sflag:$0x2] =	stream.indirect.gather [hbm4b:s4+s22], $0x40, s8, s22, $0xb8;
	[tilespmem:$0x1E380] =	vst v63  }
0x45: {  	_ =	swait.ge [sflag:s18], $0x2000  }
0x46: {  	[sflag:s18] =	ssyncset.done $0x0  }
0x47: {  	s10 =	simm.s32 $0x5100;
	[sflag:s18] =	ssyncadd.s32 $0xFFFFE000  }
0x48: {  	[spmem:s2] =	stream.indirect.scatter.add.f32 [tilespmem:s26], [sflag:$0x5], $0x40, s10, s22, $0xb8;
	[tilespmem:$0x1E380] =	vst v63  }
0x49: {  	_ =	swait.ge [sflag:s19], $0x2000  }
0x4a: {  	[sflag:s19] =	ssyncset.done $0x0  }
0x4b: {  	s8 =	simm.s32 $0x5180;
	[sflag:s19] =	ssyncadd.s32 $0xFFFFE000  }
0x4c: {  	[spmem:s2] =	stream.indirect.scatter.add.f32 [tilespmem:s29], [sflag:$0x6], $0x40, s8, s22, $0xb8;
	[tilespmem:$0x1E380] =	vst v63  }
0x4d: {  	_ =	swait.ge [sflag:s0], $0x2000  }
0x4e: {  	[sflag:s0] =	ssyncset.done $0x0  }
0x4f: {  	[sflag:s0] =	ssyncadd.s32 $0xFFFFE000  }
0x50: {  	_ =	swait.ge [sflag:s1], $0x2000  }
0x51: {  	s7 =	simm.s32 $0x800;
	[sflag:s1] =	ssyncset.done $0x0  }
0x52: {  	s10 =	simm.s32 $0x300;
	s8 =	simm.s32 $0x380;
	[sflag:s1] =	ssyncadd.s32 $0xFFFFE000  }
0x53: {  	[tilespmem:s26], [sflag:$0x3] =	stream.indirect.gather [hbm4b:s4+s22], $0x40, s10, s22, $0xb8;
	[tilespmem:$0x1E380] =	vst v63  }
.LBB2_2:
0x54: {  	[tilespmem:s29], [sflag:$0x4] =	stream.indirect.gather [hbm4b:s4+s22], $0x40, s8, s22, $0xb8;
	[tilespmem:$0x1E380] =	vst v63  }
0x55: {  	s8 =	smov.u32 s7  }
0x56: {  	p0 =	sne.s32 s7, $0x13000;
	s7 =	sadd.s32 $0x800, s7;
	_ =	swait.ge [sflag:s30], $0x2000  }
0x57: {  	s8 =	sshra.s32 s8, $0x2;
	[sflag:s30] =	ssyncset.done $0x0  }
0x58: {  	s10 =	sadd.s32 $0x5000, s8;
	[sflag:s30] =	ssyncadd.s32 $0xFFFFE000  }
0x59: {  	[spmem:s2] =	stream.indirect.scatter.add.f32 [tilespmem:s23], [sflag:$0x5], $0x40, s10, s22, $0xb8;
	[tilespmem:$0x1E380] =	vst v63  }
0x5a: {  	_ =	swait.ge [sflag:s31], $0x2000  }
0x5b: {  	[sflag:s31] =	ssyncset.done $0x0  }
0x5c: {  	s10 =	sadd.s32 $0x5080, s8;
	[sflag:s31] =	ssyncadd.s32 $0xFFFFE000  }
0x5d: {  	[spmem:s2] =	stream.indirect.scatter.add.f32 [tilespmem:s24], [sflag:$0x6], $0x40, s10, s22, $0xb8;
	[tilespmem:$0x1E380] =	vst v63  }
0x5e: {  	_ =	swait.ge [sflag:s0], $0x2000  }
0x5f: {  	[sflag:s0] =	ssyncset.done $0x0  }
0x60: {  	[sflag:s0] =	ssyncadd.s32 $0xFFFFE000  }
0x61: {  	_ =	swait.ge [sflag:s1], $0x2000  }
0x62: {  	[sflag:s1] =	ssyncset.done $0x0  }
0x63: {  	s10 =	sadd.s32 $0x200, s8;
	[sflag:s1] =	ssyncadd.s32 $0xFFFFE000  }
0x64: {  	[tilespmem:s23], [sflag:$0x1] =	stream.indirect.gather [hbm4b:s4+s22], $0x40, s10, s22, $0xb8;
	[tilespmem:$0x1E380] =	vst v63  }
0x65: {  	s10 =	sadd.s32 $0x280, s8  }
0x66: {  	[tilespmem:s24], [sflag:$0x2] =	stream.indirect.gather [hbm4b:s4+s22], $0x40, s10, s22, $0xb8;
	[tilespmem:$0x1E380] =	vst v63  }
0x67: {  	_ =	swait.ge [sflag:s18], $0x2000  }
0x68: {  	[sflag:s18] =	ssyncset.done $0x0  }
0x69: {  	s10 =	sadd.s32 $0x5100, s8;
	[sflag:s18] =	ssyncadd.s32 $0xFFFFE000  }
0x6a: {  	[spmem:s2] =	stream.indirect.scatter.add.f32 [tilespmem:s26], [sflag:$0x5], $0x40, s10, s22, $0xb8;
	[tilespmem:$0x1E380] =	vst v63  }
0x6b: {  	_ =	swait.ge [sflag:s19], $0x2000  }
0x6c: {  	[sflag:s19] =	ssyncset.done $0x0  }
0x6d: {  	s10 =	sadd.s32 $0x5180, s8;
	[sflag:s19] =	ssyncadd.s32 $0xFFFFE000  }
0x6e: {  	[spmem:s2] =	stream.indirect.scatter.add.f32 [tilespmem:s29], [sflag:$0x6], $0x40, s10, s22, $0xb8;
	[tilespmem:$0x1E380] =	vst v63  }
0x6f: {  	_ =	swait.ge [sflag:s0], $0x2000  }
0x70: {  	[sflag:s0] =	ssyncset.done $0x0  }
0x71: {  	[sflag:s0] =	ssyncadd.s32 $0xFFFFE000  }
.Ltmp0:
0x72: {  	_ =	swait.ge [sflag:s1], $0x2000;
	(pc) =	sbr.rel @p0 .LBB2_2-.Ltmp0, $4  }
0x73: {  	[sflag:s1] =	ssyncset.done $0x0  }
0x74: {  	s10 =	sadd.s32 $0x300, s8;
	[sflag:s1] =	ssyncadd.s32 $0xFFFFE000  }
0x75: {  	[tilespmem:s26], [sflag:$0x3] =	stream.indirect.gather [hbm4b:s4+s22], $0x40, s10, s22, $0xb8;
	[tilespmem:$0x1E380] =	vst v63  }
0x76: {  	s8 =	sadd.s32 $0x380, s8  }
0x77: {  	[tilespmem:s29], [sflag:$0x4] =	stream.indirect.gather [hbm4b:s4+s22], $0x40, s8, s22, $0xb8;
	[tilespmem:$0x1E380] =	vst v63  }
0x78: {  	_ =	swait.ge [sflag:s30], $0x2000  }
0x79: {  	[sflag:s30] =	ssyncset.done $0x0  }
0x7a: {  	s7 =	simm.s32 $0x9E00;
	[sflag:s30] =	ssyncadd.s32 $0xFFFFE000  }
0x7b: {  	[spmem:s2] =	stream.indirect.scatter.add.f32 [tilespmem:s23], [sflag:$0x5], $0x40, s7, s22, $0xb8;
	[tilespmem:$0x1E380] =	vst v63  }
0x7c: {  	_ =	swait.ge [sflag:s0], $0x2000  }
0x7d: {  	[sflag:s0] =	ssyncset.done $0x0  }
0x7e: {  	[sflag:s0] =	ssyncadd.s32 $0xFFFFE000  }
0x7f: {  	_ =	swait.ge [sflag:s31], $0x2000  }
0x80: {  	[sflag:s31] =	ssyncset.done $0x0  }
0x81: {  	s8 =	simm.s32 $0x9E80;
	[sflag:s31] =	ssyncadd.s32 $0xFFFFE000  }
0x82: {  	[spmem:s2] =	stream.indirect.scatter.add.f32 [tilespmem:s24], [sflag:$0x5], $0x40, s8, s22, $0xb8;
	[tilespmem:$0x1E380] =	vst v63  }
0x83: {  	_ =	swait.ge [sflag:s0], $0x2000  }
0x84: {  	[sflag:s0] =	ssyncset.done $0x0  }
0x85: {  	[sflag:s0] =	ssyncadd.s32 $0xFFFFE000  }
0x86: {  	_ =	swait.ge [sflag:s18], $0x2000  }
0x87: {  	[sflag:s18] =	ssyncset.done $0x0  }
0x88: {  	[sflag:s18] =	ssyncadd.s32 $0xFFFFE000  }
0x89: {  	_ =	swait.ge [sflag:s19], $0x2000  }
0x8a: {  	[sflag:s19] =	ssyncset.done $0x0  }
0x8b: {  	[sflag:s19] =	ssyncadd.s32 $0xFFFFE000  }
0x8c: {  	[bflag:$0x0] =	sbarrier.arrive $0xFFFF  }
0x8d: {  	[tilespmem:s25], [sflag:$0x8] =	stream.linear.gather [spmem:s9], $0x2000, $0x38;
	[tilespmem:$0x1E380] =	vst v63  }
0x8e: {  	_ =	swait.ge [sflag:s16], $0x2000  }
0x8f: {  	[sflag:s16] =	ssyncset.done $0x0  }
0x90: {  	[sflag:s16] =	ssyncadd.s32 $0xFFFFE000  }
0x91: {  	[hbm4b:s5+s22] =	stream.indirect.scatter [tilespmem:s25], [sflag:$0x7], $0x40, s21, s22, $0xb8;
	[tilespmem:$0x1E380] =	vst v63  }
0x92: {  	_ =	swait.ge [sflag:s28], $0x2000  }
0x93: {  	[sflag:s28] =	ssyncset.done $0x0  }
0x94: {  	[sflag:s28] =	ssyncadd.s32 $0xFFFFE000  }
0x95: {  	[tilespmem:s25], [sflag:$0x8] =	stream.linear.gather [spmem:s11], $0x2000, $0x38;
	[tilespmem:$0x1E380] =	vst v63  }
0x96: {  	_ =	swait.ge [sflag:s16], $0x2000  }
0x97: {  	[sflag:s16] =	ssyncset.done $0x0  }
0x98: {  	s10 =	simm.s32 $0x9F80;
	[sflag:s16] =	ssyncadd.s32 $0xFFFFE000  }
0x99: {  	[hbm4b:s5+s22] =	stream.indirect.scatter [tilespmem:s25], [sflag:$0x7], $0x40, s10, s22, $0xb8;
	[tilespmem:$0x1E380] =	vst v63  }
0x9a: {  	_ =	swait.ge [sflag:s28], $0x2000  }
0x9b: {  	[sflag:s28] =	ssyncset.done $0x0  }
0x9c: {  	[sflag:s28] =	ssyncadd.s32 $0xFFFFE000  }
0x9d: {  	[tilespmem:s25], [sflag:$0x8] =	stream.linear.gather [spmem:s12], $0x2000, $0x38;
	[tilespmem:$0x1E380] =	vst v63  }
0x9e: {  	_ =	swait.ge [sflag:s16], $0x2000  }
0x9f: {  	[sflag:s16] =	ssyncset.done $0x0  }
0xa0: {  	s8 =	simm.s32 $0xA000;
	[sflag:s16] =	ssyncadd.s32 $0xFFFFE000  }
0xa1: {  	[hbm4b:s5+s22] =	stream.indirect.scatter [tilespmem:s25], [sflag:$0x7], $0x40, s8, s22, $0xb8;
	[tilespmem:$0x1E380] =	vst v63  }
0xa2: {  	_ =	swait.ge [sflag:s28], $0x2000  }
0xa3: {  	[sflag:s28] =	ssyncset.done $0x0  }
0xa4: {  	[sflag:s28] =	ssyncadd.s32 $0xFFFFE000  }
0xa5: {  	[tilespmem:s25], [sflag:$0x8] =	stream.linear.gather [spmem:s13], $0x2000, $0x38;
	[tilespmem:$0x1E380] =	vst v63  }
0xa6: {  	_ =	swait.ge [sflag:s16], $0x2000  }
0xa7: {  	[sflag:s16] =	ssyncset.done $0x0  }
0xa8: {  	s10 =	simm.s32 $0xA080;
	[sflag:s16] =	ssyncadd.s32 $0xFFFFE000  }
0xa9: {  	[hbm4b:s5+s22] =	stream.indirect.scatter [tilespmem:s25], [sflag:$0x7], $0x40, s10, s22, $0xb8;
	[tilespmem:$0x1E380] =	vst v63  }
0xaa: {  	_ =	swait.ge [sflag:s28], $0x2000  }
0xab: {  	[sflag:s28] =	ssyncset.done $0x0  }
0xac: {  	[sflag:s28] =	ssyncadd.s32 $0xFFFFE000  }
0xad: {  	[tilespmem:s25], [sflag:$0x8] =	stream.linear.gather [spmem:s14], $0x2000, $0x38;
	[tilespmem:$0x1E380] =	vst v63  }
0xae: {  	_ =	swait.ge [sflag:s16], $0x2000  }
0xaf: {  	[sflag:s16] =	ssyncset.done $0x0  }
0xb0: {  	s8 =	simm.s32 $0xA100;
	[sflag:s16] =	ssyncadd.s32 $0xFFFFE000  }
0xb1: {  	[hbm4b:s5+s22] =	stream.indirect.scatter [tilespmem:s25], [sflag:$0x7], $0x40, s8, s22, $0xb8;
	[tilespmem:$0x1E380] =	vst v63  }
0xb2: {  	_ =	swait.ge [sflag:s28], $0x2000  }
0xb3: {  	s6 =	sadd.s32 $0x1, s6;
	s10 =	rddreg [dreg:$0x6]  }
0xb4: {  	p0 =	sne.s32 s6, s10  }
.Ltmp1:
0xb5: {  	_ = 	snop;
	(pc) =	sbr.rel @p0 .LBB2_1-.Ltmp1, $3  }
0xb6: {  	_ =	sdelay $0x1  }
0xb7: {  	[sflag:s28] =	ssyncset.done $0x0  }
0xb8: {  	[sflag:s28] =	ssyncadd.s32 $0xFFFFE000  }
0xb9: {  	_ =	sfence.sel $0x180000  }
0xba: {  	[bflag:$0x0] =	sbarrier.arrive $0xFFFF  }
0xbb: {  	_ =	strace $0x90000047  }
0xbc: {  	s0 =	stileid.u32;
	[bflag:$0x2] =	sbarrier.arrive $0xFFFF  }
0xbd: {  	p0 =	sne.s32 s0, $0x0;
	s0 =	rddreg [dreg:$0x2]  }
0xbe: {  	s0 =	sadd.s32 @!p0 $0x100000, s0  }
0xbf: {  	[sflag:s0] =	ssyncadd.tile.s32 @!p0 $0x1;
	_ =	shalt  }
.Lfunc_end2:
_tile_overlayer_lowered:
.L_overlay_start_2:
0xc0: {  	(tag) =	ssettag $0x2  }
0xc1: {  	s0 =	rddreg [dreg:$0x0];
	s2 =	stileid.u32  }
0xc2: {  	s1 =	rddreg [dreg:$0x1];
	p0 =	sne.s32 s2, $0x0  }
0xc3: {  	s3 =	rddreg [dreg:$0x2];
	[bflag:$0x3] =	sbarrier.arrive $0xFFFF;
	s2 =	simm.s32 @!p0 $0x1C08  }
0xc4: {  	[timem:s3], [sflag:s2] =	dma.local @!p0 [hbm:s0], s1  }
0xc5: {  	s0 =	simm.s32 @!p0 $0x8  }
0xc6: {  	_ =	swait.ge @!p0 [sflag:s0], s1  }
0xc7: {  	s1 =	ssub.s32 @!p0 $0x0, s1;
	[sflag:s0] =	ssyncset.done @!p0 $0x0  }
0xc8: {  	[sflag:s0] =	ssyncadd.s32 @!p0 s1  }
0xc9: {  	[bflag:$0x3] =	sbarrier.arrive $0xFFFF  }
0xca: {  	_ =	shalt  }

</sc_bundles>
